<compile_context>
chip_gen: v7x
topology: tpu7x:2x2x1
jax: 0.10.2.dev20260603
libtpu: 0.0.44.dev20260713+nightly
codegen_flags: <defaults>
</compile_context>

<pallas_src>
import jax
import jax.numpy as jnp
from jax import lax
from jax.experimental import pallas as pl
from jax.experimental.pallas import tpu as pltpu
from jax.experimental.pallas import tpu_sc as plsc

B, S, DIM, HID, E = 2, 2048, 1024, 4096, 8
N = B * S
EP = 128
EPS = 1e-6

TN1 = 256
NGT = N // TN1
T = 256
NT = (2 * N) // T + E
NTP = 48
ROWS = NT * T
HK = 2
HT = HID // HK
TN2 = 512

NC, NS = 2, 16
NW = NC * NS
TOK_W = N // NW
_SQRT1_2 = 0.7071067811865476


def _gate_kernel(x_ref, wg_ref, bg_ref,
                 rows0_ref, rows1_ref, wc0_ref, wc1_ref, te_ref, tv_ref,
                 carry, offs_s, st_e0, st_e1, st_r0, st_r1, st_w0, st_w1):
    p = pl.program_id(0)
    t = pl.program_id(1)
    sub = lax.broadcasted_iota(jnp.int32, (EP, TN1), 0)

    @pl.when(p == 0)
    def _phase0():
        lt = jnp.dot(x_ref[...].astype(jnp.bfloat16),
                     wg_ref[...].astype(jnp.bfloat16),
                     preferred_element_type=jnp.float32)
        l = lt.T + bg_ref[...]
        m = jnp.max(l, axis=0, keepdims=True)
        ex = jnp.exp(l - m)
        s = ex / jnp.sum(ex, axis=0, keepdims=True)
        m1 = jnp.max(s, axis=0, keepdims=True)
        i1 = jnp.min(jnp.where(s == m1, sub, EP), axis=0, keepdims=True)
        oh1 = sub == i1
        sm = jnp.where(oh1, -1.0, s)
        m2 = jnp.max(sm, axis=0, keepdims=True)
        i2 = jnp.min(jnp.where(sm == m2, sub, EP), axis=0, keepdims=True)
        oh2 = sub == i2
        denom = m1 + m2 + EPS

        @pl.when(t == 0)
        def _():
            carry[...] = jnp.zeros_like(carry)

        oh1f = oh1.astype(jnp.float32)
        oh2f = oh2.astype(jnp.float32)
        ohsum = oh1f + oh2f
        rowi = lax.broadcasted_iota(jnp.int32, (TN1, TN1), 0)
        coli = lax.broadcasted_iota(jnp.int32, (TN1, TN1), 1)
        ut = (rowi < coli).astype(jnp.float32)
        excl = jnp.dot(ohsum, ut, preferred_element_type=jnp.float32)
        cbase = carry[...] + excl
        st_e0[pl.ds(t, 1), :] = i1.astype(jnp.float32)
        st_e1[pl.ds(t, 1), :] = i2.astype(jnp.float32)
        st_r0[pl.ds(t, 1), :] = jnp.sum(oh1f * cbase, axis=0, keepdims=True)
        st_r1[pl.ds(t, 1), :] = jnp.sum(oh2f * (cbase + oh1f), axis=0,
                                        keepdims=True)
        st_w0[pl.ds(t, 1), :] = m1 / denom
        st_w1[pl.ds(t, 1), :] = m2 / denom
        carry[...] = carry[...] + jnp.sum(ohsum, axis=1, keepdims=True)

    @pl.when(jnp.logical_and(p == 1, t == 0))
    def _offsets():
        padded = jnp.floor((carry[...] + (T - 1)) * (1.0 / T)) * T
        rowe = lax.broadcasted_iota(jnp.int32, (EP, EP), 0)
        cole = lax.broadcasted_iota(jnp.int32, (EP, EP), 1)
        ltm = (cole < rowe).astype(jnp.float32)
        offs_s[...] = jnp.dot(ltm, padded, preferred_element_type=jnp.float32,
                              precision=jax.lax.Precision.HIGHEST)

    @pl.when(p == 1)
    def _phase1():
        e0r = st_e0[pl.ds(t, 1), :]
        e1r = st_e1[pl.ds(t, 1), :]
        oh0 = (sub == e0r.astype(jnp.int32)).astype(jnp.float32)
        oh1 = (sub == e1r.astype(jnp.int32)).astype(jnp.float32)
        off0 = jnp.sum(oh0 * offs_s[...], axis=0, keepdims=True)
        off1 = jnp.sum(oh1 * offs_s[...], axis=0, keepdims=True)
        row0 = off0 + st_r0[pl.ds(t, 1), :]
        row1 = off1 + st_r1[pl.ds(t, 1), :]
        rows0_ref[...] = row0.T.astype(jnp.int32)
        rows1_ref[...] = row1.T.astype(jnp.int32)
        wc0_ref[...] = st_w0[pl.ds(t, 1), :].T
        wc1_ref[...] = st_w1[pl.ds(t, 1), :].T

        @pl.when(t == pl.num_programs(1) - 1)
        def _tilemaps():
            padded = jnp.floor((carry[...] + (T - 1)) * (1.0 / T)) * T
            endoff = offs_s[...] + padded
            subc = lax.broadcasted_iota(jnp.int32, (EP, 1), 0)
            it_col = (subc * T).astype(jnp.float32)
            cmp = (it_col >= endoff.T).astype(jnp.float32)
            acc = jnp.sum(cmp, axis=1, keepdims=True)
            te_ref[...] = jnp.minimum(acc, float(E - 1)).astype(jnp.int32)
            total = jnp.max(endoff)
            tv_ref[...] = (it_col < total).astype(jnp.int32)


def _gate(x2, Wgp, bgp, interpret=False):
    return pl.pallas_call(
        _gate_kernel,
        grid=(2, NGT),
        in_specs=[
            pl.BlockSpec((TN1, DIM), lambda p, t: (t, 0)),
            pl.BlockSpec((DIM, EP), lambda p, t: (0, 0)),
            pl.BlockSpec((EP, 1), lambda p, t: (0, 0)),
        ],
        out_specs=[
            pl.BlockSpec((TN1, 1), lambda p, t: (t, 0)),
            pl.BlockSpec((TN1, 1), lambda p, t: (t, 0)),
            pl.BlockSpec((TN1, 1), lambda p, t: (t, 0)),
            pl.BlockSpec((TN1, 1), lambda p, t: (t, 0)),
            pl.BlockSpec((EP, 1), lambda p, t: (0, 0)),
            pl.BlockSpec((EP, 1), lambda p, t: (0, 0)),
        ],
        out_shape=[
            jax.ShapeDtypeStruct((N, 1), jnp.int32),
            jax.ShapeDtypeStruct((N, 1), jnp.int32),
            jax.ShapeDtypeStruct((N, 1), jnp.float32),
            jax.ShapeDtypeStruct((N, 1), jnp.float32),
            jax.ShapeDtypeStruct((EP, 1), jnp.int32),
            jax.ShapeDtypeStruct((EP, 1), jnp.int32),
        ],
        scratch_shapes=[
            pltpu.VMEM((EP, 1), jnp.float32),
            pltpu.VMEM((EP, 1), jnp.float32),
            pltpu.VMEM((NGT, TN1), jnp.float32),
            pltpu.VMEM((NGT, TN1), jnp.float32),
            pltpu.VMEM((NGT, TN1), jnp.float32),
            pltpu.VMEM((NGT, TN1), jnp.float32),
            pltpu.VMEM((NGT, TN1), jnp.float32),
            pltpu.VMEM((NGT, TN1), jnp.float32),
        ],
        interpret=interpret,
    )(x2, Wgp, bgp)


def _scatter_body(x2_hbm, rows0_hbm, rows1_hbm, xs_hbm,
                  i0_v, i1_v, idx0_v, idx1_v, xrow_v, sem):
    c = lax.axis_index("c")
    s_ = lax.axis_index("s")
    wid = s_ * NC + c
    base = wid * TOK_W

    pltpu.sync_copy(rows0_hbm.at[pl.ds(base, TOK_W)], i0_v)
    pltpu.sync_copy(rows1_hbm.at[pl.ds(base, TOK_W)], i1_v)
    for ch in range(TOK_W // 16):
        sl = pl.ds(ch * 16, 16)
        pltpu.sync_copy(x2_hbm.at[pl.ds(base + ch * 16, 16)], xrow_v)
        idx0_v[...] = i0_v[sl]
        pltpu.async_copy(xrow_v, xs_hbm.at[idx0_v], sem).wait()
        idx1_v[...] = i1_v[sl]
        pltpu.async_copy(xrow_v, xs_hbm.at[idx1_v], sem).wait()


def _scatter(x2, rows0, rows1, interpret=False):
    del interpret
    mesh = plsc.VectorSubcoreMesh(core_axis_name="c", subcore_axis_name="s")
    return pl.kernel(
        _scatter_body,
        out_type=jax.ShapeDtypeStruct((ROWS, DIM), jnp.float32),
        mesh=mesh,
        scratch_types=[
            pltpu.VMEM((TOK_W,), jnp.int32),
            pltpu.VMEM((TOK_W,), jnp.int32),
            pltpu.VMEM((16,), jnp.int32),
            pltpu.VMEM((16,), jnp.int32),
            pltpu.VMEM((16, DIM), jnp.float32),
            pltpu.SemaphoreType.DMA,
        ],
    )(x2, rows0, rows1)


def _gemm_kernel(te_ref, tv_ref, xs_ref, w1_ref, b1_ref, w2_ref, b2_ref, y_ref):
    i = pl.program_id(0)
    hk = pl.program_id(1)

    @pl.when(tv_ref[i] == 1)
    def _():
        xb = xs_ref[...].astype(jnp.bfloat16)
        h = jnp.dot(xb, w1_ref[0], preferred_element_type=jnp.float32) + b1_ref[0]
        h = 0.5 * h * (1.0 + lax.erf(h * _SQRT1_2))
        part = jnp.dot(h.astype(jnp.bfloat16), w2_ref[0],
                       preferred_element_type=jnp.float32)

        @pl.when(hk == 0)
        def _():
            y_ref[...] = part + b2_ref[0]

        @pl.when(hk > 0)
        def _():
            y_ref[...] += part


def _gemm(te, tv, xs, W1b, b1r, W2b, b2r, interpret=False):
    grid_spec = pltpu.PrefetchScalarGridSpec(
        num_scalar_prefetch=2,
        grid=(NT, HK),
        in_specs=[
            pl.BlockSpec((T, DIM), lambda i, hk, te, tv: (i, 0)),
            pl.BlockSpec((1, DIM, HT), lambda i, hk, te, tv: (te[i], 0, hk)),
            pl.BlockSpec((1, 1, HT), lambda i, hk, te, tv: (te[i], 0, hk)),
            pl.BlockSpec((1, HT, DIM), lambda i, hk, te, tv: (te[i], hk, 0)),
            pl.BlockSpec((1, 1, DIM), lambda i, hk, te, tv: (te[i], 0, 0)),
        ],
        out_specs=pl.BlockSpec((T, DIM), lambda i, hk, te, tv: (i, 0)),
    )
    return pl.pallas_call(
        _gemm_kernel,
        grid_spec=grid_spec,
        out_shape=jax.ShapeDtypeStruct((ROWS, DIM), jnp.float32),
        compiler_params=pltpu.CompilerParams(
            dimension_semantics=("arbitrary", "arbitrary")),
        interpret=interpret,
    )(te, tv, xs, W1b, b1r, W2b, b2r)


def _gather_body(y_hbm, rows0_hbm, rows1_hbm, g0_hbm, g1_hbm,
                 i0_v, i1_v, idx0_v, idx1_v, y0_v, y1_v, sem):
    c = lax.axis_index("c")
    s_ = lax.axis_index("s")
    wid = s_ * NC + c
    base = wid * TOK_W

    pltpu.sync_copy(rows0_hbm.at[pl.ds(base, TOK_W)], i0_v)
    pltpu.sync_copy(rows1_hbm.at[pl.ds(base, TOK_W)], i1_v)
    for ch in range(TOK_W // 16):
        sl = pl.ds(ch * 16, 16)
        idx0_v[...] = i0_v[sl]
        idx1_v[...] = i1_v[sl]
        pltpu.async_copy(y_hbm.at[idx0_v], y0_v, sem).wait()
        pltpu.async_copy(y_hbm.at[idx1_v], y1_v, sem).wait()
        pltpu.sync_copy(y0_v, g0_hbm.at[pl.ds(base + ch * 16, 16)])
        pltpu.sync_copy(y1_v, g1_hbm.at[pl.ds(base + ch * 16, 16)])


def _gather(y, rows0, rows1, interpret=False):
    del interpret
    mesh = plsc.VectorSubcoreMesh(core_axis_name="c", subcore_axis_name="s")
    return pl.kernel(
        _gather_body,
        out_type=[
            jax.ShapeDtypeStruct((N, DIM), jnp.float32),
            jax.ShapeDtypeStruct((N, DIM), jnp.float32),
        ],
        mesh=mesh,
        scratch_types=[
            pltpu.VMEM((TOK_W,), jnp.int32),
            pltpu.VMEM((TOK_W,), jnp.int32),
            pltpu.VMEM((16,), jnp.int32),
            pltpu.VMEM((16,), jnp.int32),
            pltpu.VMEM((16, DIM), jnp.float32),
            pltpu.VMEM((16, DIM), jnp.float32),
            pltpu.SemaphoreType.DMA,
        ],
    )(y, rows0, rows1)


def _mix_kernel(g0_ref, g1_ref, wc0_ref, wc1_ref, out_ref):
    out_ref[...] = wc0_ref[...] * g0_ref[...] + wc1_ref[...] * g1_ref[...]


def _mix(g0, g1, wc0, wc1, interpret=False):
    return pl.pallas_call(
        _mix_kernel,
        grid=(N // TN2,),
        in_specs=[
            pl.BlockSpec((TN2, DIM), lambda t: (t, 0)),
            pl.BlockSpec((TN2, DIM), lambda t: (t, 0)),
            pl.BlockSpec((TN2, 1), lambda t: (t, 0)),
            pl.BlockSpec((TN2, 1), lambda t: (t, 0)),
        ],
        out_specs=pl.BlockSpec((TN2, DIM), lambda t: (t, 0)),
        out_shape=jax.ShapeDtypeStruct((N, DIM), jnp.float32),
        interpret=interpret,
    )(g0, g1, wc0, wc1)


def kernel(x, Wg, bg, W1, b1, W2, b2, interpret=False):
    x2 = x.reshape(N, DIM)
    Wgp = jnp.zeros((DIM, EP), jnp.float32).at[:, :E].set(Wg)
    bgp = jnp.full((EP, 1), -1e30, jnp.float32).at[:E, 0].set(bg)
    rows0, rows1, wc0, wc1, te, tv = _gate(x2, Wgp, bgp, interpret=interpret)
    r0f = rows0.reshape(N)
    r1f = rows1.reshape(N)
    xs = _scatter(x2, r0f, r1f, interpret=interpret)
    W1b = W1.astype(jnp.bfloat16)
    W2b = W2.astype(jnp.bfloat16)
    b1r = b1.reshape(E, 1, HID)
    b2r = b2.reshape(E, 1, DIM)
    y = _gemm(te.reshape(EP)[:NTP], tv.reshape(EP)[:NTP], xs, W1b, b1r, W2b,
              b2r, interpret=interpret)
    g0, g1 = _gather(y, r0f, r1f, interpret=interpret)
    out2 = _mix(g0, g1, wc0, wc1, interpret=interpret)
    return out2.reshape(B, S, DIM)

# --- scband reference (transcript-rebuilt; emitter-appended) ---
"""Pipeline reference for scband-model-31026843746798 (READ-ONLY COPY).

The authoritative reference and input builder live on the scoring server;
editing this copy changes nothing except your own understanding.
"""

import jax, jax.numpy as jnp
import numpy as np

B, S, DIM, HID, E, K = 2, 2048, 1024, 4096, 8, 2
EPS = 1e-6


def setup_inputs(seed: int = 0) -> dict:
    key = jax.random.key(seed)
    ks = jax.random.split(key, 8)
    x = jax.random.normal(ks[0], (B, S, DIM), dtype=jnp.float32)
    Wg = jax.random.normal(ks[1], (DIM, E), dtype=jnp.float32) * 0.02
    bg = jnp.zeros((E,), dtype=jnp.float32)
    W1 = jax.random.normal(ks[2], (E, DIM, HID), dtype=jnp.float32) * 0.02
    b1 = jnp.zeros((E, HID), dtype=jnp.float32)
    W2 = jax.random.normal(ks[3], (E, HID, DIM), dtype=jnp.float32) * 0.02
    b2 = jnp.zeros((E, DIM), dtype=jnp.float32)
    return {"x": x, "Wg": Wg, "bg": bg, "W1": W1, "b1": b1, "W2": W2, "b2": b2}


def reference(x, Wg, bg, W1, b1, W2, b2):
    # SwitchGate: gate logits -> softmax -> top-k mask -> renormalize
    gate_logits = jnp.einsum('bsd,de->bse', x, Wg) + bg
    gate_scores = jax.nn.softmax(gate_logits, axis=-1)
    top_k_scores, top_k_indices = jax.lax.top_k(gate_scores, K)
    # scatter_(2, top_k_indices, 1.0) equivalent via one-hot sum
    mask = jnp.sum(jax.nn.one_hot(top_k_indices, E, dtype=gate_scores.dtype), axis=-2)
    masked_gate_scores = gate_scores * mask
    sums = jnp.sum(masked_gate_scores, axis=-1, keepdims=True) + EPS
    final_gate_scores = masked_gate_scores / sums
    # NaN guard as in torch code
    final_gate_scores = jnp.where(jnp.isnan(final_gate_scores), 0.0, final_gate_scores)
    # Dense expert evaluation, weighted sum (matches the torch loop; dropout p=0.0)
    final_output = jnp.zeros_like(x)
    for i in range(E):
        h = jax.nn.gelu(jnp.einsum('bsd,dh->bsh', x, W1[i]) + b1[i], approximate=False)
        expert_out = jnp.einsum('bsh,hd->bsd', h, W2[i]) + b2[i]
        weight = final_gate_scores[:, :, i][..., None]
        final_output = final_output + weight * expert_out
    return final_output

if __name__ == "__main__":
    import jax
    _d = setup_inputs()
    print(jax.jit(kernel)(*tuple(_d.values())))

</pallas_src>

<mosaic_0001>
#map = affine_map<(d0, d1) -> (0, 0)>
#map1 = affine_map<(d0, d1) -> (0)>
module attributes {stable_mosaic.version = 14 : i64} {
  func.func @_scatter_body(%arg0: i32, %arg1: i32, %arg2: memref<4096x1024xf32, #tpu.memory_space<hbm>>, %arg3: memref<4096xi32, #tpu.memory_space<hbm>>, %arg4: memref<4096xi32, #tpu.memory_space<hbm>>, %arg5: memref<10240x1024xf32, #tpu.memory_space<hbm>>, %arg6: memref<128xi32, #tpu.memory_space<vmem>>, %arg7: memref<128xi32, #tpu.memory_space<vmem>>, %arg8: memref<16xi32, #tpu.memory_space<vmem>>, %arg9: memref<16xi32, #tpu.memory_space<vmem>>, %arg10: memref<16x1024xf32, #tpu.memory_space<vmem>>, %arg11: memref<!tpu.dma_semaphore, #tpu.memory_space<semaphore_mem>>) attributes {dimension_semantics = [#tpu.dimension_semantics<core_parallel>, #tpu.dimension_semantics<subcore_parallel>], iteration_bounds = array<i64: 2, 16>, scalar_prefetch = 0 : i64, scratch_operands = 6 : i64, tpu.core_type = #tpu.core_type<sc_vector_subcore>, window_params = [{transform_indices = #map}, {transform_indices = #map1}, {transform_indices = #map1}, {transform_indices = #map}]} {
    %mul3A = arith.constant 2 : i32
    %mul3A_0 = arith.muli %arg1, %mul3A : i32
    %add3A = arith.addi %mul3A_0, %arg0 : i32
    %mul3A_1 = arith.constant 128 : i32
    %mul3A_2 = arith.muli %add3A, %mul3A_1 : i32
    "tpu.region"() ({
      %run_scoped3A = tpu.sem_alloc : memref<!tpu.dma_semaphore, #tpu.memory_space<semaphore_mem>>
      %dma_start3A_223 = tpu.memref_slice %arg3[%mul3A_2] : memref<4096xi32, #tpu.memory_space<hbm>> -> memref<128xi32, #tpu.memory_space<hbm>>
      %dma_start3A_224 = tpu.memref_slice %arg3[%mul3A_2] : memref<4096xi32, #tpu.memory_space<hbm>> -> memref<128xi32, #tpu.memory_space<hbm>>
      tpu.enqueue_dma source(%dma_start3A_224 : memref<128xi32, #tpu.memory_space<hbm>>) target(%arg6 : memref<128xi32, #tpu.memory_space<vmem>>) target_semaphore(%run_scoped3A : memref<!tpu.dma_semaphore, #tpu.memory_space<semaphore_mem>>)
      %dma_wait3A_225 = tpu.memref_slice %arg3[%mul3A_2] : memref<4096xi32, #tpu.memory_space<hbm>> -> memref<128xi32, #tpu.memory_space<hbm>>
      %dma_wait3A_226 = tpu.memref_slice %arg3[%mul3A_2] : memref<4096xi32, #tpu.memory_space<hbm>> -> memref<128xi32, #tpu.memory_space<hbm>>
      tpu.wait_dma2 semaphore(%run_scoped3A : memref<!tpu.dma_semaphore, #tpu.memory_space<semaphore_mem>>) src(%dma_wait3A_226 : memref<128xi32, #tpu.memory_space<hbm>>) dst(%arg6 : memref<128xi32, #tpu.memory_space<vmem>>)
      tpu.yield
    }) : () -> ()
    "tpu.region"() ({
      %run_scoped3A = tpu.sem_alloc : memref<!tpu.dma_semaphore, #tpu.memory_space<semaphore_mem>>
      %dma_start3A_223 = tpu.memref_slice %arg4[%mul3A_2] : memref<4096xi32, #tpu.memory_space<hbm>> -> memref<128xi32, #tpu.memory_space<hbm>>
      %dma_start3A_224 = tpu.memref_slice %arg4[%mul3A_2] : memref<4096xi32, #tpu.memory_space<hbm>> -> memref<128xi32, #tpu.memory_space<hbm>>
      tpu.enqueue_dma source(%dma_start3A_224 : memref<128xi32, #tpu.memory_space<hbm>>) target(%arg7 : memref<128xi32, #tpu.memory_space<vmem>>) target_semaphore(%run_scoped3A : memref<!tpu.dma_semaphore, #tpu.memory_space<semaphore_mem>>)
      %dma_wait3A_225 = tpu.memref_slice %arg4[%mul3A_2] : memref<4096xi32, #tpu.memory_space<hbm>> -> memref<128xi32, #tpu.memory_space<hbm>>
      %dma_wait3A_226 = tpu.memref_slice %arg4[%mul3A_2] : memref<4096xi32, #tpu.memory_space<hbm>> -> memref<128xi32, #tpu.memory_space<hbm>>
      tpu.wait_dma2 semaphore(%run_scoped3A : memref<!tpu.dma_semaphore, #tpu.memory_space<semaphore_mem>>) src(%dma_wait3A_226 : memref<128xi32, #tpu.memory_space<hbm>>) dst(%arg7 : memref<128xi32, #tpu.memory_space<vmem>>)
      tpu.yield
    }) : () -> ()
    %add3A_3 = arith.constant 0 : i32
    %add3A_4 = arith.addi %mul3A_2, %add3A_3 : i32
    "tpu.region"() ({
      %run_scoped3A = tpu.sem_alloc : memref<!tpu.dma_semaphore, #tpu.memory_space<semaphore_mem>>
      %dma_start3A_223 = arith.constant 0 : i32
      %dma_start3A_224 = tpu.memref_slice %arg2[%add3A_4, %dma_start3A_223] : memref<4096x1024xf32, #tpu.memory_space<hbm>> -> memref<16x1024xf32, #tpu.memory_space<hbm>>
      %dma_start3A_225 = arith.constant 0 : i32
      %dma_start3A_226 = tpu.memref_slice %arg2[%add3A_4, %dma_start3A_225] : memref<4096x1024xf32, #tpu.memory_space<hbm>> -> memref<16x1024xf32, #tpu.memory_space<hbm>>
      tpu.enqueue_dma source(%dma_start3A_226 : memref<16x1024xf32, #tpu.memory_space<hbm>>) target(%arg10 : memref<16x1024xf32, #tpu.memory_space<vmem>>) target_semaphore(%run_scoped3A : memref<!tpu.dma_semaphore, #tpu.memory_space<semaphore_mem>>)
      %dma_wait3A_227 = arith.constant 0 : i32
      %dma_wait3A_228 = tpu.memref_slice %arg2[%add3A_4, %dma_wait3A_227] : memref<4096x1024xf32, #tpu.memory_space<hbm>> -> memref<16x1024xf32, #tpu.memory_space<hbm>>
      %dma_wait3A_229 = arith.constant 0 : i32
      %dma_wait3A_230 = tpu.memref_slice %arg2[%add3A_4, %dma_wait3A_229] : memref<4096x1024xf32, #tpu.memory_space<hbm>> -> memref<16x1024xf32, #tpu.memory_space<hbm>>
      tpu.wait_dma2 semaphore(%run_scoped3A : memref<!tpu.dma_semaphore, #tpu.memory_space<semaphore_mem>>) src(%dma_wait3A_230 : memref<16x1024xf32, #tpu.memory_space<hbm>>) dst(%arg10 : memref<16x1024xf32, #tpu.memory_space<vmem>>)
      tpu.yield
    }) : () -> ()
    %get3A = arith.constant 0 : index
    %get3A_5 = tpu.vector_load %arg6[%get3A] {strides = array<i32>} : memref<128xi32, #tpu.memory_space<vmem>>, vector<16xi32>,
    %get3A_6 = vector.shape_cast %get3A_5 : vector<16xi32> to vector<16xi32>
    %swap3A = arith.constant 0 : index
    %swap3A_7 = tpu.vector_load %arg8[%swap3A] {strides = array<i32>} : memref<16xi32, #tpu.memory_space<vmem>>, vector<16xi32>,
    %swap3A_8 = vector.shape_cast %swap3A_7 : vector<16xi32> to vector<16xi32>
    %swap3A_9 = vector.shape_cast %get3A_6 : vector<16xi32> to vector<16xi32>
    tpu.vector_store %arg8[%swap3A], %swap3A_9 {strides = array<i32>} : memref<16xi32, #tpu.memory_space<vmem>>, vector<16xi32>,
    %dma_start3A = arith.constant 0 : i32
    %dma_start3A_10 = arith.constant 0 : i32
    %dma_start3A_11 = tpu.memref_slice %arg5[%dma_start3A, %dma_start3A_10] : memref<10240x1024xf32, #tpu.memory_space<hbm>> -> memref<10240x1024xf32, #tpu.memory_space<hbm>>
    tpu.enqueue_indirect_dma source(%arg10 : memref<16x1024xf32, #tpu.memory_space<vmem>>) target(%dma_start3A_11 : memref<10240x1024xf32, #tpu.memory_space<hbm>>) offsets(%arg8 : memref<16xi32, #tpu.memory_space<vmem>>) semaphore(%arg11 : memref<!tpu.dma_semaphore, #tpu.memory_space<semaphore_mem>>)
    %dma_wait3A = arith.constant 0 : i32
    %dma_wait3A_12 = arith.constant 0 : i32
    %dma_wait3A_13 = tpu.memref_slice %arg5[%dma_wait3A, %dma_wait3A_12] : memref<10240x1024xf32, #tpu.memory_space<hbm>> -> memref<10240x1024xf32, #tpu.memory_space<hbm>>
    tpu.wait_indirect_dma semaphore(%arg11 : memref<!tpu.dma_semaphore, #tpu.memory_space<semaphore_mem>>) src(%arg10 : memref<16x1024xf32, #tpu.memory_space<vmem>>) dst(%dma_wait3A_13 : memref<10240x1024xf32, #tpu.memory_space<hbm>>)
    %get3A_14 = arith.constant 0 : index
    %get3A_15 = tpu.vector_load %arg7[%get3A_14] {strides = array<i32>} : memref<128xi32, #tpu.memory_space<vmem>>, vector<16xi32>,
    %get3A_16 = vector.shape_cast %get3A_15 : vector<16xi32> to vector<16xi32>
    %swap3A_17 = arith.constant 0 : index
    %swap3A_18 = tpu.vector_load %arg9[%swap3A_17] {strides = array<i32>} : memref<16xi32, #tpu.memory_space<vmem>>, vector<16xi32>,
    %swap3A_19 = vector.shape_cast %swap3A_18 : vector<16xi32> to vector<16xi32>
    %swap3A_20 = vector.shape_cast %get3A_16 : vector<16xi32> to vector<16xi32>
    tpu.vector_store %arg9[%swap3A_17], %swap3A_20 {strides = array<i32>} : memref<16xi32, #tpu.memory_space<vmem>>, vector<16xi32>,
    %dma_start3A_21 = arith.constant 0 : i32
    %dma_start3A_22 = arith.constant 0 : i32
    %dma_start3A_23 = tpu.memref_slice %arg5[%dma_start3A_21, %dma_start3A_22] : memref<10240x1024xf32, #tpu.memory_space<hbm>> -> memref<10240x1024xf32, #tpu.memory_space<hbm>>
    tpu.enqueue_indirect_dma source(%arg10 : memref<16x1024xf32, #tpu.memory_space<vmem>>) target(%dma_start3A_23 : memref<10240x1024xf32, #tpu.memory_space<hbm>>) offsets(%arg9 : memref<16xi32, #tpu.memory_space<vmem>>) semaphore(%arg11 : memref<!tpu.dma_semaphore, #tpu.memory_space<semaphore_mem>>)
    %dma_wait3A_24 = arith.constant 0 : i32
    %dma_wait3A_25 = arith.constant 0 : i32
    %dma_wait3A_26 = tpu.memref_slice %arg5[%dma_wait3A_24, %dma_wait3A_25] : memref<10240x1024xf32, #tpu.memory_space<hbm>> -> memref<10240x1024xf32, #tpu.memory_space<hbm>>
    tpu.wait_indirect_dma semaphore(%arg11 : memref<!tpu.dma_semaphore, #tpu.memory_space<semaphore_mem>>) src(%arg10 : memref<16x1024xf32, #tpu.memory_space<vmem>>) dst(%dma_wait3A_26 : memref<10240x1024xf32, #tpu.memory_space<hbm>>)
    %add3A_27 = arith.constant 16 : i32
    %add3A_28 = arith.addi %mul3A_2, %add3A_27 : i32
    "tpu.region"() ({
      %run_scoped3A = tpu.sem_alloc : memref<!tpu.dma_semaphore, #tpu.memory_space<semaphore_mem>>
      %dma_start3A_223 = arith.constant 0 : i32
      %dma_start3A_224 = tpu.memref_slice %arg2[%add3A_28, %dma_start3A_223] : memref<4096x1024xf32, #tpu.memory_space<hbm>> -> memref<16x1024xf32, #tpu.memory_space<hbm>>
      %dma_start3A_225 = arith.constant 0 : i32
      %dma_start3A_226 = tpu.memref_slice %arg2[%add3A_28, %dma_start3A_225] : memref<4096x1024xf32, #tpu.memory_space<hbm>> -> memref<16x1024xf32, #tpu.memory_space<hbm>>
      tpu.enqueue_dma source(%dma_start3A_226 : memref<16x1024xf32, #tpu.memory_space<hbm>>) target(%arg10 : memref<16x1024xf32, #tpu.memory_space<vmem>>) target_semaphore(%run_scoped3A : memref<!tpu.dma_semaphore, #tpu.memory_space<semaphore_mem>>)
      %dma_wait3A_227 = arith.constant 0 : i32
      %dma_wait3A_228 = tpu.memref_slice %arg2[%add3A_28, %dma_wait3A_227] : memref<4096x1024xf32, #tpu.memory_space<hbm>> -> memref<16x1024xf32, #tpu.memory_space<hbm>>
      %dma_wait3A_229 = arith.constant 0 : i32
      %dma_wait3A_230 = tpu.memref_slice %arg2[%add3A_28, %dma_wait3A_229] : memref<4096x1024xf32, #tpu.memory_space<hbm>> -> memref<16x1024xf32, #tpu.memory_space<hbm>>
      tpu.wait_dma2 semaphore(%run_scoped3A : memref<!tpu.dma_semaphore, #tpu.memory_space<semaphore_mem>>) src(%dma_wait3A_230 : memref<16x1024xf32, #tpu.memory_space<hbm>>) dst(%arg10 : memref<16x1024xf32, #tpu.memory_space<vmem>>)
      tpu.yield
    }) : () -> ()
    %get3A_29 = arith.constant 16 : index
    %get3A_30 = tpu.vector_load %arg6[%get3A_29] {strides = array<i32>} : memref<128xi32, #tpu.memory_space<vmem>>, vector<16xi32>,
    %get3A_31 = vector.shape_cast %get3A_30 : vector<16xi32> to vector<16xi32>
    %swap3A_32 = arith.constant 0 : index
    %swap3A_33 = tpu.vector_load %arg8[%swap3A_32] {strides = array<i32>} : memref<16xi32, #tpu.memory_space<vmem>>, vector<16xi32>,
    %swap3A_34 = vector.shape_cast %swap3A_33 : vector<16xi32> to vector<16xi32>
    %swap3A_35 = vector.shape_cast %get3A_31 : vector<16xi32> to vector<16xi32>
    tpu.vector_store %arg8[%swap3A_32], %swap3A_35 {strides = array<i32>} : memref<16xi32, #tpu.memory_space<vmem>>, vector<16xi32>,
    %dma_start3A_36 = arith.constant 0 : i32
    %dma_start3A_37 = arith.constant 0 : i32
    %dma_start3A_38 = tpu.memref_slice %arg5[%dma_start3A_36, %dma_start3A_37] : memref<10240x1024xf32, #tpu.memory_space<hbm>> -> memref<10240x1024xf32, #tpu.memory_space<hbm>>
    tpu.enqueue_indirect_dma source(%arg10 : memref<16x1024xf32, #tpu.memory_space<vmem>>) target(%dma_start3A_38 : memref<10240x1024xf32, #tpu.memory_space<hbm>>) offsets(%arg8 : memref<16xi32, #tpu.memory_space<vmem>>) semaphore(%arg11 : memref<!tpu.dma_semaphore, #tpu.memory_space<semaphore_mem>>)
    %dma_wait3A_39 = arith.constant 0 : i32
    %dma_wait3A_40 = arith.constant 0 : i32
    %dma_wait3A_41 = tpu.memref_slice %arg5[%dma_wait3A_39, %dma_wait3A_40] : memref<10240x1024xf32, #tpu.memory_space<hbm>> -> memref<10240x1024xf32, #tpu.memory_space<hbm>>
    tpu.wait_indirect_dma semaphore(%arg11 : memref<!tpu.dma_semaphore, #tpu.memory_space<semaphore_mem>>) src(%arg10 : memref<16x1024xf32, #tpu.memory_space<vmem>>) dst(%dma_wait3A_41 : memref<10240x1024xf32, #tpu.memory_space<hbm>>)
    %get3A_42 = arith.constant 16 : index
    %get3A_43 = tpu.vector_load %arg7[%get3A_42] {strides = array<i32>} : memref<128xi32, #tpu.memory_space<vmem>>, vector<16xi32>,
    %get3A_44 = vector.shape_cast %get3A_43 : vector<16xi32> to vector<16xi32>
    %swap3A_45 = arith.constant 0 : index
    %swap3A_46 = tpu.vector_load %arg9[%swap3A_45] {strides = array<i32>} : memref<16xi32, #tpu.memory_space<vmem>>, vector<16xi32>,
    %swap3A_47 = vector.shape_cast %swap3A_46 : vector<16xi32> to vector<16xi32>
    %swap3A_48 = vector.shape_cast %get3A_44 : vector<16xi32> to vector<16xi32>
    tpu.vector_store %arg9[%swap3A_45], %swap3A_48 {strides = array<i32>} : memref<16xi32, #tpu.memory_space<vmem>>, vector<16xi32>,
    %dma_start3A_49 = arith.constant 0 : i32
    %dma_start3A_50 = arith.constant 0 : i32
    %dma_start3A_51 = tpu.memref_slice %arg5[%dma_start3A_49, %dma_start3A_50] : memref<10240x1024xf32, #tpu.memory_space<hbm>> -> memref<10240x1024xf32, #tpu.memory_space<hbm>>
    tpu.enqueue_indirect_dma source(%arg10 : memref<16x1024xf32, #tpu.memory_space<vmem>>) target(%dma_start3A_51 : memref<10240x1024xf32, #tpu.memory_space<hbm>>) offsets(%arg9 : memref<16xi32, #tpu.memory_space<vmem>>) semaphore(%arg11 : memref<!tpu.dma_semaphore, #tpu.memory_space<semaphore_mem>>)
    %dma_wait3A_52 = arith.constant 0 : i32
    %dma_wait3A_53 = arith.constant 0 : i32
    %dma_wait3A_54 = tpu.memref_slice %arg5[%dma_wait3A_52, %dma_wait3A_53] : memref<10240x1024xf32, #tpu.memory_space<hbm>> -> memref<10240x1024xf32, #tpu.memory_space<hbm>>
    tpu.wait_indirect_dma semaphore(%arg11 : memref<!tpu.dma_semaphore, #tpu.memory_space<semaphore_mem>>) src(%arg10 : memref<16x1024xf32, #tpu.memory_space<vmem>>) dst(%dma_wait3A_54 : memref<10240x1024xf32, #tpu.memory_space<hbm>>)
    %add3A_55 = arith.constant 32 : i32
    %add3A_56 = arith.addi %mul3A_2, %add3A_55 : i32
    "tpu.region"() ({
      %run_scoped3A = tpu.sem_alloc : memref<!tpu.dma_semaphore, #tpu.memory_space<semaphore_mem>>
      %dma_start3A_223 = arith.constant 0 : i32
      %dma_start3A_224 = tpu.memref_slice %arg2[%add3A_56, %dma_start3A_223] : memref<4096x1024xf32, #tpu.memory_space<hbm>> -> memref<16x1024xf32, #tpu.memory_space<hbm>>
      %dma_start3A_225 = arith.constant 0 : i32
      %dma_start3A_226 = tpu.memref_slice %arg2[%add3A_56, %dma_start3A_225] : memref<4096x1024xf32, #tpu.memory_space<hbm>> -> memref<16x1024xf32, #tpu.memory_space<hbm>>
      tpu.enqueue_dma source(%dma_start3A_226 : memref<16x1024xf32, #tpu.memory_space<hbm>>) target(%arg10 : memref<16x1024xf32, #tpu.memory_space<vmem>>) target_semaphore(%run_scoped3A : memref<!tpu.dma_semaphore, #tpu.memory_space<semaphore_mem>>)
      %dma_wait3A_227 = arith.constant 0 : i32
      %dma_wait3A_228 = tpu.memref_slice %arg2[%add3A_56, %dma_wait3A_227] : memref<4096x1024xf32, #tpu.memory_space<hbm>> -> memref<16x1024xf32, #tpu.memory_space<hbm>>
      %dma_wait3A_229 = arith.constant 0 : i32
      %dma_wait3A_230 = tpu.memref_slice %arg2[%add3A_56, %dma_wait3A_229] : memref<4096x1024xf32, #tpu.memory_space<hbm>> -> memref<16x1024xf32, #tpu.memory_space<hbm>>
      tpu.wait_dma2 semaphore(%run_scoped3A : memref<!tpu.dma_semaphore, #tpu.memory_space<semaphore_mem>>) src(%dma_wait3A_230 : memref<16x1024xf32, #tpu.memory_space<hbm>>) dst(%arg10 : memref<16x1024xf32, #tpu.memory_space<vmem>>)
      tpu.yield
    }) : () -> ()
    %get3A_57 = arith.constant 32 : index
    %get3A_58 = tpu.vector_load %arg6[%get3A_57] {strides = array<i32>} : memref<128xi32, #tpu.memory_space<vmem>>, vector<16xi32>,
    %get3A_59 = vector.shape_cast %get3A_58 : vector<16xi32> to vector<16xi32>
    %swap3A_60 = arith.constant 0 : index
    %swap3A_61 = tpu.vector_load %arg8[%swap3A_60] {strides = array<i32>} : memref<16xi32, #tpu.memory_space<vmem>>, vector<16xi32>,
    %swap3A_62 = vector.shape_cast %swap3A_61 : vector<16xi32> to vector<16xi32>
    %swap3A_63 = vector.shape_cast %get3A_59 : vector<16xi32> to vector<16xi32>
    tpu.vector_store %arg8[%swap3A_60], %swap3A_63 {strides = array<i32>} : memref<16xi32, #tpu.memory_space<vmem>>, vector<16xi32>,
    %dma_start3A_64 = arith.constant 0 : i32
    %dma_start3A_65 = arith.constant 0 : i32
    %dma_start3A_66 = tpu.memref_slice %arg5[%dma_start3A_64, %dma_start3A_65] : memref<10240x1024xf32, #tpu.memory_space<hbm>> -> memref<10240x1024xf32, #tpu.memory_space<hbm>>
    tpu.enqueue_indirect_dma source(%arg10 : memref<16x1024xf32, #tpu.memory_space<vmem>>) target(%dma_start3A_66 : memref<10240x1024xf32, #tpu.memory_space<hbm>>) offsets(%arg8 : memref<16xi32, #tpu.memory_space<vmem>>) semaphore(%arg11 : memref<!tpu.dma_semaphore, #tpu.memory_space<semaphore_mem>>)
    %dma_wait3A_67 = arith.constant 0 : i32
    %dma_wait3A_68 = arith.constant 0 : i32
    %dma_wait3A_69 = tpu.memref_slice %arg5[%dma_wait3A_67, %dma_wait3A_68] : memref<10240x1024xf32, #tpu.memory_space<hbm>> -> memref<10240x1024xf32, #tpu.memory_space<hbm>>
    tpu.wait_indirect_dma semaphore(%arg11 : memref<!tpu.dma_semaphore, #tpu.memory_space<semaphore_mem>>) src(%arg10 : memref<16x1024xf32, #tpu.memory_space<vmem>>) dst(%dma_wait3A_69 : memref<10240x1024xf32, #tpu.memory_space<hbm>>)
    %get3A_70 = arith.constant 32 : index
    %get3A_71 = tpu.vector_load %arg7[%get3A_70] {strides = array<i32>} : memref<128xi32, #tpu.memory_space<vmem>>, vector<16xi32>,
    %get3A_72 = vector.shape_cast %get3A_71 : vector<16xi32> to vector<16xi32>
    %swap3A_73 = arith.constant 0 : index
    %swap3A_74 = tpu.vector_load %arg9[%swap3A_73] {strides = array<i32>} : memref<16xi32, #tpu.memory_space<vmem>>, vector<16xi32>,
    %swap3A_75 = vector.shape_cast %swap3A_74 : vector<16xi32> to vector<16xi32>
    %swap3A_76 = vector.shape_cast %get3A_72 : vector<16xi32> to vector<16xi32>
    tpu.vector_store %arg9[%swap3A_73], %swap3A_76 {strides = array<i32>} : memref<16xi32, #tpu.memory_space<vmem>>, vector<16xi32>,
    %dma_start3A_77 = arith.constant 0 : i32
    %dma_start3A_78 = arith.constant 0 : i32
    %dma_start3A_79 = tpu.memref_slice %arg5[%dma_start3A_77, %dma_start3A_78] : memref<10240x1024xf32, #tpu.memory_space<hbm>> -> memref<10240x1024xf32, #tpu.memory_space<hbm>>
    tpu.enqueue_indirect_dma source(%arg10 : memref<16x1024xf32, #tpu.memory_space<vmem>>) target(%dma_start3A_79 : memref<10240x1024xf32, #tpu.memory_space<hbm>>) offsets(%arg9 : memref<16xi32, #tpu.memory_space<vmem>>) semaphore(%arg11 : memref<!tpu.dma_semaphore, #tpu.memory_space<semaphore_mem>>)
    %dma_wait3A_80 = arith.constant 0 : i32
    %dma_wait3A_81 = arith.constant 0 : i32
    %dma_wait3A_82 = tpu.memref_slice %arg5[%dma_wait3A_80, %dma_wait3A_81] : memref<10240x1024xf32, #tpu.memory_space<hbm>> -> memref<10240x1024xf32, #tpu.memory_space<hbm>>
    tpu.wait_indirect_dma semaphore(%arg11 : memref<!tpu.dma_semaphore, #tpu.memory_space<semaphore_mem>>) src(%arg10 : memref<16x1024xf32, #tpu.memory_space<vmem>>) dst(%dma_wait3A_82 : memref<10240x1024xf32, #tpu.memory_space<hbm>>)
    %add3A_83 = arith.constant 48 : i32
    %add3A_84 = arith.addi %mul3A_2, %add3A_83 : i32
    "tpu.region"() ({
      %run_scoped3A = tpu.sem_alloc : memref<!tpu.dma_semaphore, #tpu.memory_space<semaphore_mem>>
      %dma_start3A_223 = arith.constant 0 : i32
      %dma_start3A_224 = tpu.memref_slice %arg2[%add3A_84, %dma_start3A_223] : memref<4096x1024xf32, #tpu.memory_space<hbm>> -> memref<16x1024xf32, #tpu.memory_space<hbm>>
      %dma_start3A_225 = arith.constant 0 : i32
      %dma_start3A_226 = tpu.memref_slice %arg2[%add3A_84, %dma_start3A_225] : memref<4096x1024xf32, #tpu.memory_space<hbm>> -> memref<16x1024xf32, #tpu.memory_space<hbm>>
      tpu.enqueue_dma source(%dma_start3A_226 : memref<16x1024xf32, #tpu.memory_space<hbm>>) target(%arg10 : memref<16x1024xf32, #tpu.memory_space<vmem>>) target_semaphore(%run_scoped3A : memref<!tpu.dma_semaphore, #tpu.memory_space<semaphore_mem>>)
      %dma_wait3A_227 = arith.constant 0 : i32
      %dma_wait3A_228 = tpu.memref_slice %arg2[%add3A_84, %dma_wait3A_227] : memref<4096x1024xf32, #tpu.memory_space<hbm>> -> memref<16x1024xf32, #tpu.memory_space<hbm>>
      %dma_wait3A_229 = arith.constant 0 : i32
      %dma_wait3A_230 = tpu.memref_slice %arg2[%add3A_84, %dma_wait3A_229] : memref<4096x1024xf32, #tpu.memory_space<hbm>> -> memref<16x1024xf32, #tpu.memory_space<hbm>>
      tpu.wait_dma2 semaphore(%run_scoped3A : memref<!tpu.dma_semaphore, #tpu.memory_space<semaphore_mem>>) src(%dma_wait3A_230 : memref<16x1024xf32, #tpu.memory_space<hbm>>) dst(%arg10 : memref<16x1024xf32, #tpu.memory_space<vmem>>)
      tpu.yield
    }) : () -> ()
    %get3A_85 = arith.constant 48 : index
    %get3A_86 = tpu.vector_load %arg6[%get3A_85] {strides = array<i32>} : memref<128xi32, #tpu.memory_space<vmem>>, vector<16xi32>,
    %get3A_87 = vector.shape_cast %get3A_86 : vector<16xi32> to vector<16xi32>
    %swap3A_88 = arith.constant 0 : index
    %swap3A_89 = tpu.vector_load %arg8[%swap3A_88] {strides = array<i32>} : memref<16xi32, #tpu.memory_space<vmem>>, vector<16xi32>,
    %swap3A_90 = vector.shape_cast %swap3A_89 : vector<16xi32> to vector<16xi32>
    %swap3A_91 = vector.shape_cast %get3A_87 : vector<16xi32> to vector<16xi32>
    tpu.vector_store %arg8[%swap3A_88], %swap3A_91 {strides = array<i32>} : memref<16xi32, #tpu.memory_space<vmem>>, vector<16xi32>,
    %dma_start3A_92 = arith.constant 0 : i32
    %dma_start3A_93 = arith.constant 0 : i32
    %dma_start3A_94 = tpu.memref_slice %arg5[%dma_start3A_92, %dma_start3A_93] : memref<10240x1024xf32, #tpu.memory_space<hbm>> -> memref<10240x1024xf32, #tpu.memory_space<hbm>>
    tpu.enqueue_indirect_dma source(%arg10 : memref<16x1024xf32, #tpu.memory_space<vmem>>) target(%dma_start3A_94 : memref<10240x1024xf32, #tpu.memory_space<hbm>>) offsets(%arg8 : memref<16xi32, #tpu.memory_space<vmem>>) semaphore(%arg11 : memref<!tpu.dma_semaphore, #tpu.memory_space<semaphore_mem>>)
    %dma_wait3A_95 = arith.constant 0 : i32
    %dma_wait3A_96 = arith.constant 0 : i32
    %dma_wait3A_97 = tpu.memref_slice %arg5[%dma_wait3A_95, %dma_wait3A_96] : memref<10240x1024xf32, #tpu.memory_space<hbm>> -> memref<10240x1024xf32, #tpu.memory_space<hbm>>
    tpu.wait_indirect_dma semaphore(%arg11 : memref<!tpu.dma_semaphore, #tpu.memory_space<semaphore_mem>>) src(%arg10 : memref<16x1024xf32, #tpu.memory_space<vmem>>) dst(%dma_wait3A_97 : memref<10240x1024xf32, #tpu.memory_space<hbm>>)
    %get3A_98 = arith.constant 48 : index
    %get3A_99 = tpu.vector_load %arg7[%get3A_98] {strides = array<i32>} : memref<128xi32, #tpu.memory_space<vmem>>, vector<16xi32>,
    %get3A_100 = vector.shape_cast %get3A_99 : vector<16xi32> to vector<16xi32>
    %swap3A_101 = arith.constant 0 : index
    %swap3A_102 = tpu.vector_load %arg9[%swap3A_101] {strides = array<i32>} : memref<16xi32, #tpu.memory_space<vmem>>, vector<16xi32>,
    %swap3A_103 = vector.shape_cast %swap3A_102 : vector<16xi32> to vector<16xi32>
    %swap3A_104 = vector.shape_cast %get3A_100 : vector<16xi32> to vector<16xi32>
    tpu.vector_store %arg9[%swap3A_101], %swap3A_104 {strides = array<i32>} : memref<16xi32, #tpu.memory_space<vmem>>, vector<16xi32>,
    %dma_start3A_105 = arith.constant 0 : i32
    %dma_start3A_106 = arith.constant 0 : i32
    %dma_start3A_107 = tpu.memref_slice %arg5[%dma_start3A_105, %dma_start3A_106] : memref<10240x1024xf32, #tpu.memory_space<hbm>> -> memref<10240x1024xf32, #tpu.memory_space<hbm>>
    tpu.enqueue_indirect_dma source(%arg10 : memref<16x1024xf32, #tpu.memory_space<vmem>>) target(%dma_start3A_107 : memref<10240x1024xf32, #tpu.memory_space<hbm>>) offsets(%arg9 : memref<16xi32, #tpu.memory_space<vmem>>) semaphore(%arg11 : memref<!tpu.dma_semaphore, #tpu.memory_space<semaphore_mem>>)
    %dma_wait3A_108 = arith.constant 0 : i32
    %dma_wait3A_109 = arith.constant 0 : i32
    %dma_wait3A_110 = tpu.memref_slice %arg5[%dma_wait3A_108, %dma_wait3A_109] : memref<10240x1024xf32, #tpu.memory_space<hbm>> -> memref<10240x1024xf32, #tpu.memory_space<hbm>>
    tpu.wait_indirect_dma semaphore(%arg11 : memref<!tpu.dma_semaphore, #tpu.memory_space<semaphore_mem>>) src(%arg10 : memref<16x1024xf32, #tpu.memory_space<vmem>>) dst(%dma_wait3A_110 : memref<10240x1024xf32, #tpu.memory_space<hbm>>)
    %add3A_111 = arith.constant 64 : i32
    %add3A_112 = arith.addi %mul3A_2, %add3A_111 : i32
    "tpu.region"() ({
      %run_scoped3A = tpu.sem_alloc : memref<!tpu.dma_semaphore, #tpu.memory_space<semaphore_mem>>
      %dma_start3A_223 = arith.constant 0 : i32
      %dma_start3A_224 = tpu.memref_slice %arg2[%add3A_112, %dma_start3A_223] : memref<4096x1024xf32, #tpu.memory_space<hbm>> -> memref<16x1024xf32, #tpu.memory_space<hbm>>
      %dma_start3A_225 = arith.constant 0 : i32
      %dma_start3A_226 = tpu.memref_slice %arg2[%add3A_112, %dma_start3A_225] : memref<4096x1024xf32, #tpu.memory_space<hbm>> -> memref<16x1024xf32, #tpu.memory_space<hbm>>
      tpu.enqueue_dma source(%dma_start3A_226 : memref<16x1024xf32, #tpu.memory_space<hbm>>) target(%arg10 : memref<16x1024xf32, #tpu.memory_space<vmem>>) target_semaphore(%run_scoped3A : memref<!tpu.dma_semaphore, #tpu.memory_space<semaphore_mem>>)
      %dma_wait3A_227 = arith.constant 0 : i32
      %dma_wait3A_228 = tpu.memref_slice %arg2[%add3A_112, %dma_wait3A_227] : memref<4096x1024xf32, #tpu.memory_space<hbm>> -> memref<16x1024xf32, #tpu.memory_space<hbm>>
      %dma_wait3A_229 = arith.constant 0 : i32
      %dma_wait3A_230 = tpu.memref_slice %arg2[%add3A_112, %dma_wait3A_229] : memref<4096x1024xf32, #tpu.memory_space<hbm>> -> memref<16x1024xf32, #tpu.memory_space<hbm>>
      tpu.wait_dma2 semaphore(%run_scoped3A : memref<!tpu.dma_semaphore, #tpu.memory_space<semaphore_mem>>) src(%dma_wait3A_230 : memref<16x1024xf32, #tpu.memory_space<hbm>>) dst(%arg10 : memref<16x1024xf32, #tpu.memory_space<vmem>>)
      tpu.yield
    }) : () -> ()
    %get3A_113 = arith.constant 64 : index
    %get3A_114 = tpu.vector_load %arg6[%get3A_113] {strides = array<i32>} : memref<128xi32, #tpu.memory_space<vmem>>, vector<16xi32>,
    %get3A_115 = vector.shape_cast %get3A_114 : vector<16xi32> to vector<16xi32>
    %swap3A_116 = arith.constant 0 : index
    %swap3A_117 = tpu.vector_load %arg8[%swap3A_116] {strides = array<i32>} : memref<16xi32, #tpu.memory_space<vmem>>, vector<16xi32>,
    %swap3A_118 = vector.shape_cast %swap3A_117 : vector<16xi32> to vector<16xi32>
    %swap3A_119 = vector.shape_cast %get3A_115 : vector<16xi32> to vector<16xi32>
    tpu.vector_store %arg8[%swap3A_116], %swap3A_119 {strides = array<i32>} : memref<16xi32, #tpu.memory_space<vmem>>, vector<16xi32>,
    %dma_start3A_120 = arith.constant 0 : i32
    %dma_start3A_121 = arith.constant 0 : i32
    %dma_start3A_122 = tpu.memref_slice %arg5[%dma_start3A_120, %dma_start3A_121] : memref<10240x1024xf32, #tpu.memory_space<hbm>> -> memref<10240x1024xf32, #tpu.memory_space<hbm>>
    tpu.enqueue_indirect_dma source(%arg10 : memref<16x1024xf32, #tpu.memory_space<vmem>>) target(%dma_start3A_122 : memref<10240x1024xf32, #tpu.memory_space<hbm>>) offsets(%arg8 : memref<16xi32, #tpu.memory_space<vmem>>) semaphore(%arg11 : memref<!tpu.dma_semaphore, #tpu.memory_space<semaphore_mem>>)
    %dma_wait3A_123 = arith.constant 0 : i32
    %dma_wait3A_124 = arith.constant 0 : i32
    %dma_wait3A_125 = tpu.memref_slice %arg5[%dma_wait3A_123, %dma_wait3A_124] : memref<10240x1024xf32, #tpu.memory_space<hbm>> -> memref<10240x1024xf32, #tpu.memory_space<hbm>>
    tpu.wait_indirect_dma semaphore(%arg11 : memref<!tpu.dma_semaphore, #tpu.memory_space<semaphore_mem>>) src(%arg10 : memref<16x1024xf32, #tpu.memory_space<vmem>>) dst(%dma_wait3A_125 : memref<10240x1024xf32, #tpu.memory_space<hbm>>)
    %get3A_126 = arith.constant 64 : index
    %get3A_127 = tpu.vector_load %arg7[%get3A_126] {strides = array<i32>} : memref<128xi32, #tpu.memory_space<vmem>>, vector<16xi32>,
    %get3A_128 = vector.shape_cast %get3A_127 : vector<16xi32> to vector<16xi32>
    %swap3A_129 = arith.constant 0 : index
    %swap3A_130 = tpu.vector_load %arg9[%swap3A_129] {strides = array<i32>} : memref<16xi32, #tpu.memory_space<vmem>>, vector<16xi32>,
    %swap3A_131 = vector.shape_cast %swap3A_130 : vector<16xi32> to vector<16xi32>
    %swap3A_132 = vector.shape_cast %get3A_128 : vector<16xi32> to vector<16xi32>
    tpu.vector_store %arg9[%swap3A_129], %swap3A_132 {strides = array<i32>} : memref<16xi32, #tpu.memory_space<vmem>>, vector<16xi32>,
    %dma_start3A_133 = arith.constant 0 : i32
    %dma_start3A_134 = arith.constant 0 : i32
    %dma_start3A_135 = tpu.memref_slice %arg5[%dma_start3A_133, %dma_start3A_134] : memref<10240x1024xf32, #tpu.memory_space<hbm>> -> memref<10240x1024xf32, #tpu.memory_space<hbm>>
    tpu.enqueue_indirect_dma source(%arg10 : memref<16x1024xf32, #tpu.memory_space<vmem>>) target(%dma_start3A_135 : memref<10240x1024xf32, #tpu.memory_space<hbm>>) offsets(%arg9 : memref<16xi32, #tpu.memory_space<vmem>>) semaphore(%arg11 : memref<!tpu.dma_semaphore, #tpu.memory_space<semaphore_mem>>)
    %dma_wait3A_136 = arith.constant 0 : i32
    %dma_wait3A_137 = arith.constant 0 : i32
    %dma_wait3A_138 = tpu.memref_slice %arg5[%dma_wait3A_136, %dma_wait3A_137] : memref<10240x1024xf32, #tpu.memory_space<hbm>> -> memref<10240x1024xf32, #tpu.memory_space<hbm>>
    tpu.wait_indirect_dma semaphore(%arg11 : memref<!tpu.dma_semaphore, #tpu.memory_space<semaphore_mem>>) src(%arg10 : memref<16x1024xf32, #tpu.memory_space<vmem>>) dst(%dma_wait3A_138 : memref<10240x1024xf32, #tpu.memory_space<hbm>>)
    %add3A_139 = arith.constant 80 : i32
    %add3A_140 = arith.addi %mul3A_2, %add3A_139 : i32
    "tpu.region"() ({
      %run_scoped3A = tpu.sem_alloc : memref<!tpu.dma_semaphore, #tpu.memory_space<semaphore_mem>>
      %dma_start3A_223 = arith.constant 0 : i32
      %dma_start3A_224 = tpu.memref_slice %arg2[%add3A_140, %dma_start3A_223] : memref<4096x1024xf32, #tpu.memory_space<hbm>> -> memref<16x1024xf32, #tpu.memory_space<hbm>>
      %dma_start3A_225 = arith.constant 0 : i32
      %dma_start3A_226 = tpu.memref_slice %arg2[%add3A_140, %dma_start3A_225] : memref<4096x1024xf32, #tpu.memory_space<hbm>> -> memref<16x1024xf32, #tpu.memory_space<hbm>>
      tpu.enqueue_dma source(%dma_start3A_226 : memref<16x1024xf32, #tpu.memory_space<hbm>>) target(%arg10 : memref<16x1024xf32, #tpu.memory_space<vmem>>) target_semaphore(%run_scoped3A : memref<!tpu.dma_semaphore, #tpu.memory_space<semaphore_mem>>)
      %dma_wait3A_227 = arith.constant 0 : i32
      %dma_wait3A_228 = tpu.memref_slice %arg2[%add3A_140, %dma_wait3A_227] : memref<4096x1024xf32, #tpu.memory_space<hbm>> -> memref<16x1024xf32, #tpu.memory_space<hbm>>
      %dma_wait3A_229 = arith.constant 0 : i32
      %dma_wait3A_230 = tpu.memref_slice %arg2[%add3A_140, %dma_wait3A_229] : memref<4096x1024xf32, #tpu.memory_space<hbm>> -> memref<16x1024xf32, #tpu.memory_space<hbm>>
      tpu.wait_dma2 semaphore(%run_scoped3A : memref<!tpu.dma_semaphore, #tpu.memory_space<semaphore_mem>>) src(%dma_wait3A_230 : memref<16x1024xf32, #tpu.memory_space<hbm>>) dst(%arg10 : memref<16x1024xf32, #tpu.memory_space<vmem>>)
      tpu.yield
    }) : () -> ()
    %get3A_141 = arith.constant 80 : index
    %get3A_142 = tpu.vector_load %arg6[%get3A_141] {strides = array<i32>} : memref<128xi32, #tpu.memory_space<vmem>>, vector<16xi32>,
    %get3A_143 = vector.shape_cast %get3A_142 : vector<16xi32> to vector<16xi32>
    %swap3A_144 = arith.constant 0 : index
    %swap3A_145 = tpu.vector_load %arg8[%swap3A_144] {strides = array<i32>} : memref<16xi32, #tpu.memory_space<vmem>>, vector<16xi32>,
    %swap3A_146 = vector.shape_cast %swap3A_145 : vector<16xi32> to vector<16xi32>
    %swap3A_147 = vector.shape_cast %get3A_143 : vector<16xi32> to vector<16xi32>
    tpu.vector_store %arg8[%swap3A_144], %swap3A_147 {strides = array<i32>} : memref<16xi32, #tpu.memory_space<vmem>>, vector<16xi32>,
    %dma_start3A_148 = arith.constant 0 : i32
    %dma_start3A_149 = arith.constant 0 : i32
    %dma_start3A_150 = tpu.memref_slice %arg5[%dma_start3A_148, %dma_start3A_149] : memref<10240x1024xf32, #tpu.memory_space<hbm>> -> memref<10240x1024xf32, #tpu.memory_space<hbm>>
    tpu.enqueue_indirect_dma source(%arg10 : memref<16x1024xf32, #tpu.memory_space<vmem>>) target(%dma_start3A_150 : memref<10240x1024xf32, #tpu.memory_space<hbm>>) offsets(%arg8 : memref<16xi32, #tpu.memory_space<vmem>>) semaphore(%arg11 : memref<!tpu.dma_semaphore, #tpu.memory_space<semaphore_mem>>)
    %dma_wait3A_151 = arith.constant 0 : i32
    %dma_wait3A_152 = arith.constant 0 : i32
    %dma_wait3A_153 = tpu.memref_slice %arg5[%dma_wait3A_151, %dma_wait3A_152] : memref<10240x1024xf32, #tpu.memory_space<hbm>> -> memref<10240x1024xf32, #tpu.memory_space<hbm>>
    tpu.wait_indirect_dma semaphore(%arg11 : memref<!tpu.dma_semaphore, #tpu.memory_space<semaphore_mem>>) src(%arg10 : memref<16x1024xf32, #tpu.memory_space<vmem>>) dst(%dma_wait3A_153 : memref<10240x1024xf32, #tpu.memory_space<hbm>>)
    %get3A_154 = arith.constant 80 : index
    %get3A_155 = tpu.vector_load %arg7[%get3A_154] {strides = array<i32>} : memref<128xi32, #tpu.memory_space<vmem>>, vector<16xi32>,
    %get3A_156 = vector.shape_cast %get3A_155 : vector<16xi32> to vector<16xi32>
    %swap3A_157 = arith.constant 0 : index
    %swap3A_158 = tpu.vector_load %arg9[%swap3A_157] {strides = array<i32>} : memref<16xi32, #tpu.memory_space<vmem>>, vector<16xi32>,
    %swap3A_159 = vector.shape_cast %swap3A_158 : vector<16xi32> to vector<16xi32>
    %swap3A_160 = vector.shape_cast %get3A_156 : vector<16xi32> to vector<16xi32>
    tpu.vector_store %arg9[%swap3A_157], %swap3A_160 {strides = array<i32>} : memref<16xi32, #tpu.memory_space<vmem>>, vector<16xi32>,
    %dma_start3A_161 = arith.constant 0 : i32
    %dma_start3A_162 = arith.constant 0 : i32
    %dma_start3A_163 = tpu.memref_slice %arg5[%dma_start3A_161, %dma_start3A_162] : memref<10240x1024xf32, #tpu.memory_space<hbm>> -> memref<10240x1024xf32, #tpu.memory_space<hbm>>
    tpu.enqueue_indirect_dma source(%arg10 : memref<16x1024xf32, #tpu.memory_space<vmem>>) target(%dma_start3A_163 : memref<10240x1024xf32, #tpu.memory_space<hbm>>) offsets(%arg9 : memref<16xi32, #tpu.memory_space<vmem>>) semaphore(%arg11 : memref<!tpu.dma_semaphore, #tpu.memory_space<semaphore_mem>>)
    %dma_wait3A_164 = arith.constant 0 : i32
    %dma_wait3A_165 = arith.constant 0 : i32
    %dma_wait3A_166 = tpu.memref_slice %arg5[%dma_wait3A_164, %dma_wait3A_165] : memref<10240x1024xf32, #tpu.memory_space<hbm>> -> memref<10240x1024xf32, #tpu.memory_space<hbm>>
    tpu.wait_indirect_dma semaphore(%arg11 : memref<!tpu.dma_semaphore, #tpu.memory_space<semaphore_mem>>) src(%arg10 : memref<16x1024xf32, #tpu.memory_space<vmem>>) dst(%dma_wait3A_166 : memref<10240x1024xf32, #tpu.memory_space<hbm>>)
    %add3A_167 = arith.constant 96 : i32
    %add3A_168 = arith.addi %mul3A_2, %add3A_167 : i32
    "tpu.region"() ({
      %run_scoped3A = tpu.sem_alloc : memref<!tpu.dma_semaphore, #tpu.memory_space<semaphore_mem>>
      %dma_start3A_223 = arith.constant 0 : i32
      %dma_start3A_224 = tpu.memref_slice %arg2[%add3A_168, %dma_start3A_223] : memref<4096x1024xf32, #tpu.memory_space<hbm>> -> memref<16x1024xf32, #tpu.memory_space<hbm>>
      %dma_start3A_225 = arith.constant 0 : i32
      %dma_start3A_226 = tpu.memref_slice %arg2[%add3A_168, %dma_start3A_225] : memref<4096x1024xf32, #tpu.memory_space<hbm>> -> memref<16x1024xf32, #tpu.memory_space<hbm>>
      tpu.enqueue_dma source(%dma_start3A_226 : memref<16x1024xf32, #tpu.memory_space<hbm>>) target(%arg10 : memref<16x1024xf32, #tpu.memory_space<vmem>>) target_semaphore(%run_scoped3A : memref<!tpu.dma_semaphore, #tpu.memory_space<semaphore_mem>>)
      %dma_wait3A_227 = arith.constant 0 : i32
      %dma_wait3A_228 = tpu.memref_slice %arg2[%add3A_168, %dma_wait3A_227] : memref<4096x1024xf32, #tpu.memory_space<hbm>> -> memref<16x1024xf32, #tpu.memory_space<hbm>>
      %dma_wait3A_229 = arith.constant 0 : i32
      %dma_wait3A_230 = tpu.memref_slice %arg2[%add3A_168, %dma_wait3A_229] : memref<4096x1024xf32, #tpu.memory_space<hbm>> -> memref<16x1024xf32, #tpu.memory_space<hbm>>
      tpu.wait_dma2 semaphore(%run_scoped3A : memref<!tpu.dma_semaphore, #tpu.memory_space<semaphore_mem>>) src(%dma_wait3A_230 : memref<16x1024xf32, #tpu.memory_space<hbm>>) dst(%arg10 : memref<16x1024xf32, #tpu.memory_space<vmem>>)
      tpu.yield
    }) : () -> ()
    %get3A_169 = arith.constant 96 : index
    %get3A_170 = tpu.vector_load %arg6[%get3A_169] {strides = array<i32>} : memref<128xi32, #tpu.memory_space<vmem>>, vector<16xi32>,
    %get3A_171 = vector.shape_cast %get3A_170 : vector<16xi32> to vector<16xi32>
    %swap3A_172 = arith.constant 0 : index
    %swap3A_173 = tpu.vector_load %arg8[%swap3A_172] {strides = array<i32>} : memref<16xi32, #tpu.memory_space<vmem>>, vector<16xi32>,
    %swap3A_174 = vector.shape_cast %swap3A_173 : vector<16xi32> to vector<16xi32>
    %swap3A_175 = vector.shape_cast %get3A_171 : vector<16xi32> to vector<16xi32>
    tpu.vector_store %arg8[%swap3A_172], %swap3A_175 {strides = array<i32>} : memref<16xi32, #tpu.memory_space<vmem>>, vector<16xi32>,
    %dma_start3A_176 = arith.constant 0 : i32
    %dma_start3A_177 = arith.constant 0 : i32
    %dma_start3A_178 = tpu.memref_slice %arg5[%dma_start3A_176, %dma_start3A_177] : memref<10240x1024xf32, #tpu.memory_space<hbm>> -> memref<10240x1024xf32, #tpu.memory_space<hbm>>
    tpu.enqueue_indirect_dma source(%arg10 : memref<16x1024xf32, #tpu.memory_space<vmem>>) target(%dma_start3A_178 : memref<10240x1024xf32, #tpu.memory_space<hbm>>) offsets(%arg8 : memref<16xi32, #tpu.memory_space<vmem>>) semaphore(%arg11 : memref<!tpu.dma_semaphore, #tpu.memory_space<semaphore_mem>>)
    %dma_wait3A_179 = arith.constant 0 : i32
    %dma_wait3A_180 = arith.constant 0 : i32
    %dma_wait3A_181 = tpu.memref_slice %arg5[%dma_wait3A_179, %dma_wait3A_180] : memref<10240x1024xf32, #tpu.memory_space<hbm>> -> memref<10240x1024xf32, #tpu.memory_space<hbm>>
    tpu.wait_indirect_dma semaphore(%arg11 : memref<!tpu.dma_semaphore, #tpu.memory_space<semaphore_mem>>) src(%arg10 : memref<16x1024xf32, #tpu.memory_space<vmem>>) dst(%dma_wait3A_181 : memref<10240x1024xf32, #tpu.memory_space<hbm>>)
    %get3A_182 = arith.constant 96 : index
    %get3A_183 = tpu.vector_load %arg7[%get3A_182] {strides = array<i32>} : memref<128xi32, #tpu.memory_space<vmem>>, vector<16xi32>,
    %get3A_184 = vector.shape_cast %get3A_183 : vector<16xi32> to vector<16xi32>
    %swap3A_185 = arith.constant 0 : index
    %swap3A_186 = tpu.vector_load %arg9[%swap3A_185] {strides = array<i32>} : memref<16xi32, #tpu.memory_space<vmem>>, vector<16xi32>,
    %swap3A_187 = vector.shape_cast %swap3A_186 : vector<16xi32> to vector<16xi32>
    %swap3A_188 = vector.shape_cast %get3A_184 : vector<16xi32> to vector<16xi32>
    tpu.vector_store %arg9[%swap3A_185], %swap3A_188 {strides = array<i32>} : memref<16xi32, #tpu.memory_space<vmem>>, vector<16xi32>,
    %dma_start3A_189 = arith.constant 0 : i32
    %dma_start3A_190 = arith.constant 0 : i32
    %dma_start3A_191 = tpu.memref_slice %arg5[%dma_start3A_189, %dma_start3A_190] : memref<10240x1024xf32, #tpu.memory_space<hbm>> -> memref<10240x1024xf32, #tpu.memory_space<hbm>>
    tpu.enqueue_indirect_dma source(%arg10 : memref<16x1024xf32, #tpu.memory_space<vmem>>) target(%dma_start3A_191 : memref<10240x1024xf32, #tpu.memory_space<hbm>>) offsets(%arg9 : memref<16xi32, #tpu.memory_space<vmem>>) semaphore(%arg11 : memref<!tpu.dma_semaphore, #tpu.memory_space<semaphore_mem>>)
    %dma_wait3A_192 = arith.constant 0 : i32
    %dma_wait3A_193 = arith.constant 0 : i32
    %dma_wait3A_194 = tpu.memref_slice %arg5[%dma_wait3A_192, %dma_wait3A_193] : memref<10240x1024xf32, #tpu.memory_space<hbm>> -> memref<10240x1024xf32, #tpu.memory_space<hbm>>
    tpu.wait_indirect_dma semaphore(%arg11 : memref<!tpu.dma_semaphore, #tpu.memory_space<semaphore_mem>>) src(%arg10 : memref<16x1024xf32, #tpu.memory_space<vmem>>) dst(%dma_wait3A_194 : memref<10240x1024xf32, #tpu.memory_space<hbm>>)
    %add3A_195 = arith.constant 112 : i32
    %add3A_196 = arith.addi %mul3A_2, %add3A_195 : i32
    "tpu.region"() ({
      %run_scoped3A = tpu.sem_alloc : memref<!tpu.dma_semaphore, #tpu.memory_space<semaphore_mem>>
      %dma_start3A_223 = arith.constant 0 : i32
      %dma_start3A_224 = tpu.memref_slice %arg2[%add3A_196, %dma_start3A_223] : memref<4096x1024xf32, #tpu.memory_space<hbm>> -> memref<16x1024xf32, #tpu.memory_space<hbm>>
      %dma_start3A_225 = arith.constant 0 : i32
      %dma_start3A_226 = tpu.memref_slice %arg2[%add3A_196, %dma_start3A_225] : memref<4096x1024xf32, #tpu.memory_space<hbm>> -> memref<16x1024xf32, #tpu.memory_space<hbm>>
      tpu.enqueue_dma source(%dma_start3A_226 : memref<16x1024xf32, #tpu.memory_space<hbm>>) target(%arg10 : memref<16x1024xf32, #tpu.memory_space<vmem>>) target_semaphore(%run_scoped3A : memref<!tpu.dma_semaphore, #tpu.memory_space<semaphore_mem>>)
      %dma_wait3A_227 = arith.constant 0 : i32
      %dma_wait3A_228 = tpu.memref_slice %arg2[%add3A_196, %dma_wait3A_227] : memref<4096x1024xf32, #tpu.memory_space<hbm>> -> memref<16x1024xf32, #tpu.memory_space<hbm>>
      %dma_wait3A_229 = arith.constant 0 : i32
      %dma_wait3A_230 = tpu.memref_slice %arg2[%add3A_196, %dma_wait3A_229] : memref<4096x1024xf32, #tpu.memory_space<hbm>> -> memref<16x1024xf32, #tpu.memory_space<hbm>>
      tpu.wait_dma2 semaphore(%run_scoped3A : memref<!tpu.dma_semaphore, #tpu.memory_space<semaphore_mem>>) src(%dma_wait3A_230 : memref<16x1024xf32, #tpu.memory_space<hbm>>) dst(%arg10 : memref<16x1024xf32, #tpu.memory_space<vmem>>)
      tpu.yield
    }) : () -> ()
    %get3A_197 = arith.constant 112 : index
    %get3A_198 = tpu.vector_load %arg6[%get3A_197] {strides = array<i32>} : memref<128xi32, #tpu.memory_space<vmem>>, vector<16xi32>,
    %get3A_199 = vector.shape_cast %get3A_198 : vector<16xi32> to vector<16xi32>
    %swap3A_200 = arith.constant 0 : index
    %swap3A_201 = tpu.vector_load %arg8[%swap3A_200] {strides = array<i32>} : memref<16xi32, #tpu.memory_space<vmem>>, vector<16xi32>,
    %swap3A_202 = vector.shape_cast %swap3A_201 : vector<16xi32> to vector<16xi32>
    %swap3A_203 = vector.shape_cast %get3A_199 : vector<16xi32> to vector<16xi32>
    tpu.vector_store %arg8[%swap3A_200], %swap3A_203 {strides = array<i32>} : memref<16xi32, #tpu.memory_space<vmem>>, vector<16xi32>,
    %dma_start3A_204 = arith.constant 0 : i32
    %dma_start3A_205 = arith.constant 0 : i32
    %dma_start3A_206 = tpu.memref_slice %arg5[%dma_start3A_204, %dma_start3A_205] : memref<10240x1024xf32, #tpu.memory_space<hbm>> -> memref<10240x1024xf32, #tpu.memory_space<hbm>>
    tpu.enqueue_indirect_dma source(%arg10 : memref<16x1024xf32, #tpu.memory_space<vmem>>) target(%dma_start3A_206 : memref<10240x1024xf32, #tpu.memory_space<hbm>>) offsets(%arg8 : memref<16xi32, #tpu.memory_space<vmem>>) semaphore(%arg11 : memref<!tpu.dma_semaphore, #tpu.memory_space<semaphore_mem>>)
    %dma_wait3A_207 = arith.constant 0 : i32
    %dma_wait3A_208 = arith.constant 0 : i32
    %dma_wait3A_209 = tpu.memref_slice %arg5[%dma_wait3A_207, %dma_wait3A_208] : memref<10240x1024xf32, #tpu.memory_space<hbm>> -> memref<10240x1024xf32, #tpu.memory_space<hbm>>
    tpu.wait_indirect_dma semaphore(%arg11 : memref<!tpu.dma_semaphore, #tpu.memory_space<semaphore_mem>>) src(%arg10 : memref<16x1024xf32, #tpu.memory_space<vmem>>) dst(%dma_wait3A_209 : memref<10240x1024xf32, #tpu.memory_space<hbm>>)
    %get3A_210 = arith.constant 112 : index
    %get3A_211 = tpu.vector_load %arg7[%get3A_210] {strides = array<i32>} : memref<128xi32, #tpu.memory_space<vmem>>, vector<16xi32>,
    %get3A_212 = vector.shape_cast %get3A_211 : vector<16xi32> to vector<16xi32>
    %swap3A_213 = arith.constant 0 : index
    %swap3A_214 = tpu.vector_load %arg9[%swap3A_213] {strides = array<i32>} : memref<16xi32, #tpu.memory_space<vmem>>, vector<16xi32>,
    %swap3A_215 = vector.shape_cast %swap3A_214 : vector<16xi32> to vector<16xi32>
    %swap3A_216 = vector.shape_cast %get3A_212 : vector<16xi32> to vector<16xi32>
    tpu.vector_store %arg9[%swap3A_213], %swap3A_216 {strides = array<i32>} : memref<16xi32, #tpu.memory_space<vmem>>, vector<16xi32>,
    %dma_start3A_217 = arith.constant 0 : i32
    %dma_start3A_218 = arith.constant 0 : i32
    %dma_start3A_219 = tpu.memref_slice %arg5[%dma_start3A_217, %dma_start3A_218] : memref<10240x1024xf32, #tpu.memory_space<hbm>> -> memref<10240x1024xf32, #tpu.memory_space<hbm>>
    tpu.enqueue_indirect_dma source(%arg10 : memref<16x1024xf32, #tpu.memory_space<vmem>>) target(%dma_start3A_219 : memref<10240x1024xf32, #tpu.memory_space<hbm>>) offsets(%arg9 : memref<16xi32, #tpu.memory_space<vmem>>) semaphore(%arg11 : memref<!tpu.dma_semaphore, #tpu.memory_space<semaphore_mem>>)
    %dma_wait3A_220 = arith.constant 0 : i32
    %dma_wait3A_221 = arith.constant 0 : i32
    %dma_wait3A_222 = tpu.memref_slice %arg5[%dma_wait3A_220, %dma_wait3A_221] : memref<10240x1024xf32, #tpu.memory_space<hbm>> -> memref<10240x1024xf32, #tpu.memory_space<hbm>>
    tpu.wait_indirect_dma semaphore(%arg11 : memref<!tpu.dma_semaphore, #tpu.memory_space<semaphore_mem>>) src(%arg10 : memref<16x1024xf32, #tpu.memory_space<vmem>>) dst(%dma_wait3A_222 : memref<10240x1024xf32, #tpu.memory_space<hbm>>)
    return
  }
}

#map = affine_map<(d0, d1) -> (0, 0)>
#map1 = affine_map<(d0, d1) -> (0)>
module attributes {stable_mosaic.version = 14 : i64} {
  func.func @_gather_body(%arg0: i32, %arg1: i32, %arg2: memref<10240x1024xf32, #tpu.memory_space<hbm>>, %arg3: memref<4096xi32, #tpu.memory_space<hbm>>, %arg4: memref<4096xi32, #tpu.memory_space<hbm>>, %arg5: memref<4096x1024xf32, #tpu.memory_space<hbm>>, %arg6: memref<4096x1024xf32, #tpu.memory_space<hbm>>, %arg7: memref<128xi32, #tpu.memory_space<vmem>>, %arg8: memref<128xi32, #tpu.memory_space<vmem>>, %arg9: memref<16xi32, #tpu.memory_space<vmem>>, %arg10: memref<16xi32, #tpu.memory_space<vmem>>, %arg11: memref<16x1024xf32, #tpu.memory_space<vmem>>, %arg12: memref<16x1024xf32, #tpu.memory_space<vmem>>, %arg13: memref<!tpu.dma_semaphore, #tpu.memory_space<semaphore_mem>>) attributes {dimension_semantics = [#tpu.dimension_semantics<core_parallel>, #tpu.dimension_semantics<subcore_parallel>], iteration_bounds = array<i64: 2, 16>, scalar_prefetch = 0 : i64, scratch_operands = 7 : i64, tpu.core_type = #tpu.core_type<sc_vector_subcore>, window_params = [{transform_indices = #map}, {transform_indices = #map1}, {transform_indices = #map1}, {transform_indices = #map}, {transform_indices = #map}]} {
    %mul3A = arith.constant 2 : i32
    %mul3A_0 = arith.muli %arg1, %mul3A : i32
    %add3A = arith.addi %mul3A_0, %arg0 : i32
    %mul3A_1 = arith.constant 128 : i32
    %mul3A_2 = arith.muli %add3A, %mul3A_1 : i32
    "tpu.region"() ({
      %run_scoped3A = tpu.sem_alloc : memref<!tpu.dma_semaphore, #tpu.memory_space<semaphore_mem>>
      %dma_start3A_239 = tpu.memref_slice %arg3[%mul3A_2] : memref<4096xi32, #tpu.memory_space<hbm>> -> memref<128xi32, #tpu.memory_space<hbm>>
      %dma_start3A_240 = tpu.memref_slice %arg3[%mul3A_2] : memref<4096xi32, #tpu.memory_space<hbm>> -> memref<128xi32, #tpu.memory_space<hbm>>
      tpu.enqueue_dma source(%dma_start3A_240 : memref<128xi32, #tpu.memory_space<hbm>>) target(%arg7 : memref<128xi32, #tpu.memory_space<vmem>>) target_semaphore(%run_scoped3A : memref<!tpu.dma_semaphore, #tpu.memory_space<semaphore_mem>>)
      %dma_wait3A_241 = tpu.memref_slice %arg3[%mul3A_2] : memref<4096xi32, #tpu.memory_space<hbm>> -> memref<128xi32, #tpu.memory_space<hbm>>
      %dma_wait3A_242 = tpu.memref_slice %arg3[%mul3A_2] : memref<4096xi32, #tpu.memory_space<hbm>> -> memref<128xi32, #tpu.memory_space<hbm>>
      tpu.wait_dma2 semaphore(%run_scoped3A : memref<!tpu.dma_semaphore, #tpu.memory_space<semaphore_mem>>) src(%dma_wait3A_242 : memref<128xi32, #tpu.memory_space<hbm>>) dst(%arg7 : memref<128xi32, #tpu.memory_space<vmem>>)
      tpu.yield
    }) : () -> ()
    "tpu.region"() ({
      %run_scoped3A = tpu.sem_alloc : memref<!tpu.dma_semaphore, #tpu.memory_space<semaphore_mem>>
      %dma_start3A_239 = tpu.memref_slice %arg4[%mul3A_2] : memref<4096xi32, #tpu.memory_space<hbm>> -> memref<128xi32, #tpu.memory_space<hbm>>
      %dma_start3A_240 = tpu.memref_slice %arg4[%mul3A_2] : memref<4096xi32, #tpu.memory_space<hbm>> -> memref<128xi32, #tpu.memory_space<hbm>>
      tpu.enqueue_dma source(%dma_start3A_240 : memref<128xi32, #tpu.memory_space<hbm>>) target(%arg8 : memref<128xi32, #tpu.memory_space<vmem>>) target_semaphore(%run_scoped3A : memref<!tpu.dma_semaphore, #tpu.memory_space<semaphore_mem>>)
      %dma_wait3A_241 = tpu.memref_slice %arg4[%mul3A_2] : memref<4096xi32, #tpu.memory_space<hbm>> -> memref<128xi32, #tpu.memory_space<hbm>>
      %dma_wait3A_242 = tpu.memref_slice %arg4[%mul3A_2] : memref<4096xi32, #tpu.memory_space<hbm>> -> memref<128xi32, #tpu.memory_space<hbm>>
      tpu.wait_dma2 semaphore(%run_scoped3A : memref<!tpu.dma_semaphore, #tpu.memory_space<semaphore_mem>>) src(%dma_wait3A_242 : memref<128xi32, #tpu.memory_space<hbm>>) dst(%arg8 : memref<128xi32, #tpu.memory_space<vmem>>)
      tpu.yield
    }) : () -> ()
    %get3A = arith.constant 0 : index
    %get3A_3 = tpu.vector_load %arg7[%get3A] {strides = array<i32>} : memref<128xi32, #tpu.memory_space<vmem>>, vector<16xi32>,
    %get3A_4 = vector.shape_cast %get3A_3 : vector<16xi32> to vector<16xi32>
    %swap3A = arith.constant 0 : index
    %swap3A_5 = tpu.vector_load %arg9[%swap3A] {strides = array<i32>} : memref<16xi32, #tpu.memory_space<vmem>>, vector<16xi32>,
    %swap3A_6 = vector.shape_cast %swap3A_5 : vector<16xi32> to vector<16xi32>
    %swap3A_7 = vector.shape_cast %get3A_4 : vector<16xi32> to vector<16xi32>
    tpu.vector_store %arg9[%swap3A], %swap3A_7 {strides = array<i32>} : memref<16xi32, #tpu.memory_space<vmem>>, vector<16xi32>,
    %get3A_8 = arith.constant 0 : index
    %get3A_9 = tpu.vector_load %arg8[%get3A_8] {strides = array<i32>} : memref<128xi32, #tpu.memory_space<vmem>>, vector<16xi32>,
    %get3A_10 = vector.shape_cast %get3A_9 : vector<16xi32> to vector<16xi32>
    %swap3A_11 = arith.constant 0 : index
    %swap3A_12 = tpu.vector_load %arg10[%swap3A_11] {strides = array<i32>} : memref<16xi32, #tpu.memory_space<vmem>>, vector<16xi32>,
    %swap3A_13 = vector.shape_cast %swap3A_12 : vector<16xi32> to vector<16xi32>
    %swap3A_14 = vector.shape_cast %get3A_10 : vector<16xi32> to vector<16xi32>
    tpu.vector_store %arg10[%swap3A_11], %swap3A_14 {strides = array<i32>} : memref<16xi32, #tpu.memory_space<vmem>>, vector<16xi32>,
    %dma_start3A = arith.constant 0 : i32
    %dma_start3A_15 = arith.constant 0 : i32
    %dma_start3A_16 = tpu.memref_slice %arg2[%dma_start3A, %dma_start3A_15] : memref<10240x1024xf32, #tpu.memory_space<hbm>> -> memref<10240x1024xf32, #tpu.memory_space<hbm>>
    tpu.enqueue_indirect_dma source(%dma_start3A_16 : memref<10240x1024xf32, #tpu.memory_space<hbm>>) target(%arg11 : memref<16x1024xf32, #tpu.memory_space<vmem>>) offsets(%arg9 : memref<16xi32, #tpu.memory_space<vmem>>) semaphore(%arg13 : memref<!tpu.dma_semaphore, #tpu.memory_space<semaphore_mem>>)
    %dma_wait3A = arith.constant 0 : i32
    %dma_wait3A_17 = arith.constant 0 : i32
    %dma_wait3A_18 = tpu.memref_slice %arg2[%dma_wait3A, %dma_wait3A_17] : memref<10240x1024xf32, #tpu.memory_space<hbm>> -> memref<10240x1024xf32, #tpu.memory_space<hbm>>
    tpu.wait_indirect_dma semaphore(%arg13 : memref<!tpu.dma_semaphore, #tpu.memory_space<semaphore_mem>>) src(%dma_wait3A_18 : memref<10240x1024xf32, #tpu.memory_space<hbm>>) dst(%arg11 : memref<16x1024xf32, #tpu.memory_space<vmem>>)
    %dma_start3A_19 = arith.constant 0 : i32
    %dma_start3A_20 = arith.constant 0 : i32
    %dma_start3A_21 = tpu.memref_slice %arg2[%dma_start3A_19, %dma_start3A_20] : memref<10240x1024xf32, #tpu.memory_space<hbm>> -> memref<10240x1024xf32, #tpu.memory_space<hbm>>
    tpu.enqueue_indirect_dma source(%dma_start3A_21 : memref<10240x1024xf32, #tpu.memory_space<hbm>>) target(%arg12 : memref<16x1024xf32, #tpu.memory_space<vmem>>) offsets(%arg10 : memref<16xi32, #tpu.memory_space<vmem>>) semaphore(%arg13 : memref<!tpu.dma_semaphore, #tpu.memory_space<semaphore_mem>>)
    %dma_wait3A_22 = arith.constant 0 : i32
    %dma_wait3A_23 = arith.constant 0 : i32
    %dma_wait3A_24 = tpu.memref_slice %arg2[%dma_wait3A_22, %dma_wait3A_23] : memref<10240x1024xf32, #tpu.memory_space<hbm>> -> memref<10240x1024xf32, #tpu.memory_space<hbm>>
    tpu.wait_indirect_dma semaphore(%arg13 : memref<!tpu.dma_semaphore, #tpu.memory_space<semaphore_mem>>) src(%dma_wait3A_24 : memref<10240x1024xf32, #tpu.memory_space<hbm>>) dst(%arg12 : memref<16x1024xf32, #tpu.memory_space<vmem>>)
    %add3A_25 = arith.constant 0 : i32
    %add3A_26 = arith.addi %mul3A_2, %add3A_25 : i32
    "tpu.region"() ({
      %run_scoped3A = tpu.sem_alloc : memref<!tpu.dma_semaphore, #tpu.memory_space<semaphore_mem>>
      %dma_start3A_239 = arith.constant 0 : i32
      %dma_start3A_240 = tpu.memref_slice %arg5[%add3A_26, %dma_start3A_239] : memref<4096x1024xf32, #tpu.memory_space<hbm>> -> memref<16x1024xf32, #tpu.memory_space<hbm>>
      %dma_start3A_241 = arith.constant 0 : i32
      %dma_start3A_242 = tpu.memref_slice %arg5[%add3A_26, %dma_start3A_241] : memref<4096x1024xf32, #tpu.memory_space<hbm>> -> memref<16x1024xf32, #tpu.memory_space<hbm>>
      tpu.enqueue_dma source(%arg11 : memref<16x1024xf32, #tpu.memory_space<vmem>>) target(%dma_start3A_242 : memref<16x1024xf32, #tpu.memory_space<hbm>>) target_semaphore(%run_scoped3A : memref<!tpu.dma_semaphore, #tpu.memory_space<semaphore_mem>>)
      %dma_wait3A_243 = arith.constant 0 : i32
      %dma_wait3A_244 = tpu.memref_slice %arg5[%add3A_26, %dma_wait3A_243] : memref<4096x1024xf32, #tpu.memory_space<hbm>> -> memref<16x1024xf32, #tpu.memory_space<hbm>>
      %dma_wait3A_245 = arith.constant 0 : i32
      %dma_wait3A_246 = tpu.memref_slice %arg5[%add3A_26, %dma_wait3A_245] : memref<4096x1024xf32, #tpu.memory_space<hbm>> -> memref<16x1024xf32, #tpu.memory_space<hbm>>
      tpu.wait_dma2 semaphore(%run_scoped3A : memref<!tpu.dma_semaphore, #tpu.memory_space<semaphore_mem>>) src(%arg11 : memref<16x1024xf32, #tpu.memory_space<vmem>>) dst(%dma_wait3A_246 : memref<16x1024xf32, #tpu.memory_space<hbm>>)
      tpu.yield
    }) : () -> ()
    %add3A_27 = arith.constant 0 : i32
    %add3A_28 = arith.addi %mul3A_2, %add3A_27 : i32
    "tpu.region"() ({
      %run_scoped3A = tpu.sem_alloc : memref<!tpu.dma_semaphore, #tpu.memory_space<semaphore_mem>>
      %dma_start3A_239 = arith.constant 0 : i32
      %dma_start3A_240 = tpu.memref_slice %arg6[%add3A_28, %dma_start3A_239] : memref<4096x1024xf32, #tpu.memory_space<hbm>> -> memref<16x1024xf32, #tpu.memory_space<hbm>>
      %dma_start3A_241 = arith.constant 0 : i32
      %dma_start3A_242 = tpu.memref_slice %arg6[%add3A_28, %dma_start3A_241] : memref<4096x1024xf32, #tpu.memory_space<hbm>> -> memref<16x1024xf32, #tpu.memory_space<hbm>>
      tpu.enqueue_dma source(%arg12 : memref<16x1024xf32, #tpu.memory_space<vmem>>) target(%dma_start3A_242 : memref<16x1024xf32, #tpu.memory_space<hbm>>) target_semaphore(%run_scoped3A : memref<!tpu.dma_semaphore, #tpu.memory_space<semaphore_mem>>)
      %dma_wait3A_243 = arith.constant 0 : i32
      %dma_wait3A_244 = tpu.memref_slice %arg6[%add3A_28, %dma_wait3A_243] : memref<4096x1024xf32, #tpu.memory_space<hbm>> -> memref<16x1024xf32, #tpu.memory_space<hbm>>
      %dma_wait3A_245 = arith.constant 0 : i32
      %dma_wait3A_246 = tpu.memref_slice %arg6[%add3A_28, %dma_wait3A_245] : memref<4096x1024xf32, #tpu.memory_space<hbm>> -> memref<16x1024xf32, #tpu.memory_space<hbm>>
      tpu.wait_dma2 semaphore(%run_scoped3A : memref<!tpu.dma_semaphore, #tpu.memory_space<semaphore_mem>>) src(%arg12 : memref<16x1024xf32, #tpu.memory_space<vmem>>) dst(%dma_wait3A_246 : memref<16x1024xf32, #tpu.memory_space<hbm>>)
      tpu.yield
    }) : () -> ()
    %get3A_29 = arith.constant 16 : index
    %get3A_30 = tpu.vector_load %arg7[%get3A_29] {strides = array<i32>} : memref<128xi32, #tpu.memory_space<vmem>>, vector<16xi32>,
    %get3A_31 = vector.shape_cast %get3A_30 : vector<16xi32> to vector<16xi32>
    %swap3A_32 = arith.constant 0 : index
    %swap3A_33 = tpu.vector_load %arg9[%swap3A_32] {strides = array<i32>} : memref<16xi32, #tpu.memory_space<vmem>>, vector<16xi32>,
    %swap3A_34 = vector.shape_cast %swap3A_33 : vector<16xi32> to vector<16xi32>
    %swap3A_35 = vector.shape_cast %get3A_31 : vector<16xi32> to vector<16xi32>
    tpu.vector_store %arg9[%swap3A_32], %swap3A_35 {strides = array<i32>} : memref<16xi32, #tpu.memory_space<vmem>>, vector<16xi32>,
    %get3A_36 = arith.constant 16 : index
    %get3A_37 = tpu.vector_load %arg8[%get3A_36] {strides = array<i32>} : memref<128xi32, #tpu.memory_space<vmem>>, vector<16xi32>,
    %get3A_38 = vector.shape_cast %get3A_37 : vector<16xi32> to vector<16xi32>
    %swap3A_39 = arith.constant 0 : index
    %swap3A_40 = tpu.vector_load %arg10[%swap3A_39] {strides = array<i32>} : memref<16xi32, #tpu.memory_space<vmem>>, vector<16xi32>,
    %swap3A_41 = vector.shape_cast %swap3A_40 : vector<16xi32> to vector<16xi32>
    %swap3A_42 = vector.shape_cast %get3A_38 : vector<16xi32> to vector<16xi32>
    tpu.vector_store %arg10[%swap3A_39], %swap3A_42 {strides = array<i32>} : memref<16xi32, #tpu.memory_space<vmem>>, vector<16xi32>,
    %dma_start3A_43 = arith.constant 0 : i32
    %dma_start3A_44 = arith.constant 0 : i32
    %dma_start3A_45 = tpu.memref_slice %arg2[%dma_start3A_43, %dma_start3A_44] : memref<10240x1024xf32, #tpu.memory_space<hbm>> -> memref<10240x1024xf32, #tpu.memory_space<hbm>>
    tpu.enqueue_indirect_dma source(%dma_start3A_45 : memref<10240x1024xf32, #tpu.memory_space<hbm>>) target(%arg11 : memref<16x1024xf32, #tpu.memory_space<vmem>>) offsets(%arg9 : memref<16xi32, #tpu.memory_space<vmem>>) semaphore(%arg13 : memref<!tpu.dma_semaphore, #tpu.memory_space<semaphore_mem>>)
    %dma_wait3A_46 = arith.constant 0 : i32
    %dma_wait3A_47 = arith.constant 0 : i32
    %dma_wait3A_48 = tpu.memref_slice %arg2[%dma_wait3A_46, %dma_wait3A_47] : memref<10240x1024xf32, #tpu.memory_space<hbm>> -> memref<10240x1024xf32, #tpu.memory_space<hbm>>
    tpu.wait_indirect_dma semaphore(%arg13 : memref<!tpu.dma_semaphore, #tpu.memory_space<semaphore_mem>>) src(%dma_wait3A_48 : memref<10240x1024xf32, #tpu.memory_space<hbm>>) dst(%arg11 : memref<16x1024xf32, #tpu.memory_space<vmem>>)
    %dma_start3A_49 = arith.constant 0 : i32
    %dma_start3A_50 = arith.constant 0 : i32
    %dma_start3A_51 = tpu.memref_slice %arg2[%dma_start3A_49, %dma_start3A_50] : memref<10240x1024xf32, #tpu.memory_space<hbm>> -> memref<10240x1024xf32, #tpu.memory_space<hbm>>
    tpu.enqueue_indirect_dma source(%dma_start3A_51 : memref<10240x1024xf32, #tpu.memory_space<hbm>>) target(%arg12 : memref<16x1024xf32, #tpu.memory_space<vmem>>) offsets(%arg10 : memref<16xi32, #tpu.memory_space<vmem>>) semaphore(%arg13 : memref<!tpu.dma_semaphore, #tpu.memory_space<semaphore_mem>>)
    %dma_wait3A_52 = arith.constant 0 : i32
    %dma_wait3A_53 = arith.constant 0 : i32
    %dma_wait3A_54 = tpu.memref_slice %arg2[%dma_wait3A_52, %dma_wait3A_53] : memref<10240x1024xf32, #tpu.memory_space<hbm>> -> memref<10240x1024xf32, #tpu.memory_space<hbm>>
    tpu.wait_indirect_dma semaphore(%arg13 : memref<!tpu.dma_semaphore, #tpu.memory_space<semaphore_mem>>) src(%dma_wait3A_54 : memref<10240x1024xf32, #tpu.memory_space<hbm>>) dst(%arg12 : memref<16x1024xf32, #tpu.memory_space<vmem>>)
    %add3A_55 = arith.constant 16 : i32
    %add3A_56 = arith.addi %mul3A_2, %add3A_55 : i32
    "tpu.region"() ({
      %run_scoped3A = tpu.sem_alloc : memref<!tpu.dma_semaphore, #tpu.memory_space<semaphore_mem>>
      %dma_start3A_239 = arith.constant 0 : i32
      %dma_start3A_240 = tpu.memref_slice %arg5[%add3A_56, %dma_start3A_239] : memref<4096x1024xf32, #tpu.memory_space<hbm>> -> memref<16x1024xf32, #tpu.memory_space<hbm>>
      %dma_start3A_241 = arith.constant 0 : i32
      %dma_start3A_242 = tpu.memref_slice %arg5[%add3A_56, %dma_start3A_241] : memref<4096x1024xf32, #tpu.memory_space<hbm>> -> memref<16x1024xf32, #tpu.memory_space<hbm>>
      tpu.enqueue_dma source(%arg11 : memref<16x1024xf32, #tpu.memory_space<vmem>>) target(%dma_start3A_242 : memref<16x1024xf32, #tpu.memory_space<hbm>>) target_semaphore(%run_scoped3A : memref<!tpu.dma_semaphore, #tpu.memory_space<semaphore_mem>>)
      %dma_wait3A_243 = arith.constant 0 : i32
      %dma_wait3A_244 = tpu.memref_slice %arg5[%add3A_56, %dma_wait3A_243] : memref<4096x1024xf32, #tpu.memory_space<hbm>> -> memref<16x1024xf32, #tpu.memory_space<hbm>>
      %dma_wait3A_245 = arith.constant 0 : i32
      %dma_wait3A_246 = tpu.memref_slice %arg5[%add3A_56, %dma_wait3A_245] : memref<4096x1024xf32, #tpu.memory_space<hbm>> -> memref<16x1024xf32, #tpu.memory_space<hbm>>
      tpu.wait_dma2 semaphore(%run_scoped3A : memref<!tpu.dma_semaphore, #tpu.memory_space<semaphore_mem>>) src(%arg11 : memref<16x1024xf32, #tpu.memory_space<vmem>>) dst(%dma_wait3A_246 : memref<16x1024xf32, #tpu.memory_space<hbm>>)
      tpu.yield
    }) : () -> ()
    %add3A_57 = arith.constant 16 : i32
    %add3A_58 = arith.addi %mul3A_2, %add3A_57 : i32
    "tpu.region"() ({
      %run_scoped3A = tpu.sem_alloc : memref<!tpu.dma_semaphore, #tpu.memory_space<semaphore_mem>>
      %dma_start3A_239 = arith.constant 0 : i32
      %dma_start3A_240 = tpu.memref_slice %arg6[%add3A_58, %dma_start3A_239] : memref<4096x1024xf32, #tpu.memory_space<hbm>> -> memref<16x1024xf32, #tpu.memory_space<hbm>>
      %dma_start3A_241 = arith.constant 0 : i32
      %dma_start3A_242 = tpu.memref_slice %arg6[%add3A_58, %dma_start3A_241] : memref<4096x1024xf32, #tpu.memory_space<hbm>> -> memref<16x1024xf32, #tpu.memory_space<hbm>>
      tpu.enqueue_dma source(%arg12 : memref<16x1024xf32, #tpu.memory_space<vmem>>) target(%dma_start3A_242 : memref<16x1024xf32, #tpu.memory_space<hbm>>) target_semaphore(%run_scoped3A : memref<!tpu.dma_semaphore, #tpu.memory_space<semaphore_mem>>)
      %dma_wait3A_243 = arith.constant 0 : i32
      %dma_wait3A_244 = tpu.memref_slice %arg6[%add3A_58, %dma_wait3A_243] : memref<4096x1024xf32, #tpu.memory_space<hbm>> -> memref<16x1024xf32, #tpu.memory_space<hbm>>
      %dma_wait3A_245 = arith.constant 0 : i32
      %dma_wait3A_246 = tpu.memref_slice %arg6[%add3A_58, %dma_wait3A_245] : memref<4096x1024xf32, #tpu.memory_space<hbm>> -> memref<16x1024xf32, #tpu.memory_space<hbm>>
      tpu.wait_dma2 semaphore(%run_scoped3A : memref<!tpu.dma_semaphore, #tpu.memory_space<semaphore_mem>>) src(%arg12 : memref<16x1024xf32, #tpu.memory_space<vmem>>) dst(%dma_wait3A_246 : memref<16x1024xf32, #tpu.memory_space<hbm>>)
      tpu.yield
    }) : () -> ()
    %get3A_59 = arith.constant 32 : index
    %get3A_60 = tpu.vector_load %arg7[%get3A_59] {strides = array<i32>} : memref<128xi32, #tpu.memory_space<vmem>>, vector<16xi32>,
    %get3A_61 = vector.shape_cast %get3A_60 : vector<16xi32> to vector<16xi32>
    %swap3A_62 = arith.constant 0 : index
    %swap3A_63 = tpu.vector_load %arg9[%swap3A_62] {strides = array<i32>} : memref<16xi32, #tpu.memory_space<vmem>>, vector<16xi32>,
    %swap3A_64 = vector.shape_cast %swap3A_63 : vector<16xi32> to vector<16xi32>
    %swap3A_65 = vector.shape_cast %get3A_61 : vector<16xi32> to vector<16xi32>
    tpu.vector_store %arg9[%swap3A_62], %swap3A_65 {strides = array<i32>} : memref<16xi32, #tpu.memory_space<vmem>>, vector<16xi32>,
    %get3A_66 = arith.constant 32 : index
    %get3A_67 = tpu.vector_load %arg8[%get3A_66] {strides = array<i32>} : memref<128xi32, #tpu.memory_space<vmem>>, vector<16xi32>,
    %get3A_68 = vector.shape_cast %get3A_67 : vector<16xi32> to vector<16xi32>
    %swap3A_69 = arith.constant 0 : index
    %swap3A_70 = tpu.vector_load %arg10[%swap3A_69] {strides = array<i32>} : memref<16xi32, #tpu.memory_space<vmem>>, vector<16xi32>,
    %swap3A_71 = vector.shape_cast %swap3A_70 : vector<16xi32> to vector<16xi32>
    %swap3A_72 = vector.shape_cast %get3A_68 : vector<16xi32> to vector<16xi32>
    tpu.vector_store %arg10[%swap3A_69], %swap3A_72 {strides = array<i32>} : memref<16xi32, #tpu.memory_space<vmem>>, vector<16xi32>,
    %dma_start3A_73 = arith.constant 0 : i32
    %dma_start3A_74 = arith.constant 0 : i32
    %dma_start3A_75 = tpu.memref_slice %arg2[%dma_start3A_73, %dma_start3A_74] : memref<10240x1024xf32, #tpu.memory_space<hbm>> -> memref<10240x1024xf32, #tpu.memory_space<hbm>>
    tpu.enqueue_indirect_dma source(%dma_start3A_75 : memref<10240x1024xf32, #tpu.memory_space<hbm>>) target(%arg11 : memref<16x1024xf32, #tpu.memory_space<vmem>>) offsets(%arg9 : memref<16xi32, #tpu.memory_space<vmem>>) semaphore(%arg13 : memref<!tpu.dma_semaphore, #tpu.memory_space<semaphore_mem>>)
    %dma_wait3A_76 = arith.constant 0 : i32
    %dma_wait3A_77 = arith.constant 0 : i32
    %dma_wait3A_78 = tpu.memref_slice %arg2[%dma_wait3A_76, %dma_wait3A_77] : memref<10240x1024xf32, #tpu.memory_space<hbm>> -> memref<10240x1024xf32, #tpu.memory_space<hbm>>
    tpu.wait_indirect_dma semaphore(%arg13 : memref<!tpu.dma_semaphore, #tpu.memory_space<semaphore_mem>>) src(%dma_wait3A_78 : memref<10240x1024xf32, #tpu.memory_space<hbm>>) dst(%arg11 : memref<16x1024xf32, #tpu.memory_space<vmem>>)
    %dma_start3A_79 = arith.constant 0 : i32
    %dma_start3A_80 = arith.constant 0 : i32
    %dma_start3A_81 = tpu.memref_slice %arg2[%dma_start3A_79, %dma_start3A_80] : memref<10240x1024xf32, #tpu.memory_space<hbm>> -> memref<10240x1024xf32, #tpu.memory_space<hbm>>
    tpu.enqueue_indirect_dma source(%dma_start3A_81 : memref<10240x1024xf32, #tpu.memory_space<hbm>>) target(%arg12 : memref<16x1024xf32, #tpu.memory_space<vmem>>) offsets(%arg10 : memref<16xi32, #tpu.memory_space<vmem>>) semaphore(%arg13 : memref<!tpu.dma_semaphore, #tpu.memory_space<semaphore_mem>>)
    %dma_wait3A_82 = arith.constant 0 : i32
    %dma_wait3A_83 = arith.constant 0 : i32
    %dma_wait3A_84 = tpu.memref_slice %arg2[%dma_wait3A_82, %dma_wait3A_83] : memref<10240x1024xf32, #tpu.memory_space<hbm>> -> memref<10240x1024xf32, #tpu.memory_space<hbm>>
    tpu.wait_indirect_dma semaphore(%arg13 : memref<!tpu.dma_semaphore, #tpu.memory_space<semaphore_mem>>) src(%dma_wait3A_84 : memref<10240x1024xf32, #tpu.memory_space<hbm>>) dst(%arg12 : memref<16x1024xf32, #tpu.memory_space<vmem>>)
    %add3A_85 = arith.constant 32 : i32
    %add3A_86 = arith.addi %mul3A_2, %add3A_85 : i32
    "tpu.region"() ({
      %run_scoped3A = tpu.sem_alloc : memref<!tpu.dma_semaphore, #tpu.memory_space<semaphore_mem>>
      %dma_start3A_239 = arith.constant 0 : i32
      %dma_start3A_240 = tpu.memref_slice %arg5[%add3A_86, %dma_start3A_239] : memref<4096x1024xf32, #tpu.memory_space<hbm>> -> memref<16x1024xf32, #tpu.memory_space<hbm>>
      %dma_start3A_241 = arith.constant 0 : i32
      %dma_start3A_242 = tpu.memref_slice %arg5[%add3A_86, %dma_start3A_241] : memref<4096x1024xf32, #tpu.memory_space<hbm>> -> memref<16x1024xf32, #tpu.memory_space<hbm>>
      tpu.enqueue_dma source(%arg11 : memref<16x1024xf32, #tpu.memory_space<vmem>>) target(%dma_start3A_242 : memref<16x1024xf32, #tpu.memory_space<hbm>>) target_semaphore(%run_scoped3A : memref<!tpu.dma_semaphore, #tpu.memory_space<semaphore_mem>>)
      %dma_wait3A_243 = arith.constant 0 : i32
      %dma_wait3A_244 = tpu.memref_slice %arg5[%add3A_86, %dma_wait3A_243] : memref<4096x1024xf32, #tpu.memory_space<hbm>> -> memref<16x1024xf32, #tpu.memory_space<hbm>>
      %dma_wait3A_245 = arith.constant 0 : i32
      %dma_wait3A_246 = tpu.memref_slice %arg5[%add3A_86, %dma_wait3A_245] : memref<4096x1024xf32, #tpu.memory_space<hbm>> -> memref<16x1024xf32, #tpu.memory_space<hbm>>
      tpu.wait_dma2 semaphore(%run_scoped3A : memref<!tpu.dma_semaphore, #tpu.memory_space<semaphore_mem>>) src(%arg11 : memref<16x1024xf32, #tpu.memory_space<vmem>>) dst(%dma_wait3A_246 : memref<16x1024xf32, #tpu.memory_space<hbm>>)
      tpu.yield
    }) : () -> ()
    %add3A_87 = arith.constant 32 : i32
    %add3A_88 = arith.addi %mul3A_2, %add3A_87 : i32
    "tpu.region"() ({
      %run_scoped3A = tpu.sem_alloc : memref<!tpu.dma_semaphore, #tpu.memory_space<semaphore_mem>>
      %dma_start3A_239 = arith.constant 0 : i32
      %dma_start3A_240 = tpu.memref_slice %arg6[%add3A_88, %dma_start3A_239] : memref<4096x1024xf32, #tpu.memory_space<hbm>> -> memref<16x1024xf32, #tpu.memory_space<hbm>>
      %dma_start3A_241 = arith.constant 0 : i32
      %dma_start3A_242 = tpu.memref_slice %arg6[%add3A_88, %dma_start3A_241] : memref<4096x1024xf32, #tpu.memory_space<hbm>> -> memref<16x1024xf32, #tpu.memory_space<hbm>>
      tpu.enqueue_dma source(%arg12 : memref<16x1024xf32, #tpu.memory_space<vmem>>) target(%dma_start3A_242 : memref<16x1024xf32, #tpu.memory_space<hbm>>) target_semaphore(%run_scoped3A : memref<!tpu.dma_semaphore, #tpu.memory_space<semaphore_mem>>)
      %dma_wait3A_243 = arith.constant 0 : i32
      %dma_wait3A_244 = tpu.memref_slice %arg6[%add3A_88, %dma_wait3A_243] : memref<4096x1024xf32, #tpu.memory_space<hbm>> -> memref<16x1024xf32, #tpu.memory_space<hbm>>
      %dma_wait3A_245 = arith.constant 0 : i32
      %dma_wait3A_246 = tpu.memref_slice %arg6[%add3A_88, %dma_wait3A_245] : memref<4096x1024xf32, #tpu.memory_space<hbm>> -> memref<16x1024xf32, #tpu.memory_space<hbm>>
      tpu.wait_dma2 semaphore(%run_scoped3A : memref<!tpu.dma_semaphore, #tpu.memory_space<semaphore_mem>>) src(%arg12 : memref<16x1024xf32, #tpu.memory_space<vmem>>) dst(%dma_wait3A_246 : memref<16x1024xf32, #tpu.memory_space<hbm>>)
      tpu.yield
    }) : () -> ()
    %get3A_89 = arith.constant 48 : index
    %get3A_90 = tpu.vector_load %arg7[%get3A_89] {strides = array<i32>} : memref<128xi32, #tpu.memory_space<vmem>>, vector<16xi32>,
    %get3A_91 = vector.shape_cast %get3A_90 : vector<16xi32> to vector<16xi32>
    %swap3A_92 = arith.constant 0 : index
    %swap3A_93 = tpu.vector_load %arg9[%swap3A_92] {strides = array<i32>} : memref<16xi32, #tpu.memory_space<vmem>>, vector<16xi32>,
    %swap3A_94 = vector.shape_cast %swap3A_93 : vector<16xi32> to vector<16xi32>
    %swap3A_95 = vector.shape_cast %get3A_91 : vector<16xi32> to vector<16xi32>
    tpu.vector_store %arg9[%swap3A_92], %swap3A_95 {strides = array<i32>} : memref<16xi32, #tpu.memory_space<vmem>>, vector<16xi32>,
    %get3A_96 = arith.constant 48 : index
    %get3A_97 = tpu.vector_load %arg8[%get3A_96] {strides = array<i32>} : memref<128xi32, #tpu.memory_space<vmem>>, vector<16xi32>,
    %get3A_98 = vector.shape_cast %get3A_97 : vector<16xi32> to vector<16xi32>
    %swap3A_99 = arith.constant 0 : index
    %swap3A_100 = tpu.vector_load %arg10[%swap3A_99] {strides = array<i32>} : memref<16xi32, #tpu.memory_space<vmem>>, vector<16xi32>,
    %swap3A_101 = vector.shape_cast %swap3A_100 : vector<16xi32> to vector<16xi32>
    %swap3A_102 = vector.shape_cast %get3A_98 : vector<16xi32> to vector<16xi32>
    tpu.vector_store %arg10[%swap3A_99], %swap3A_102 {strides = array<i32>} : memref<16xi32, #tpu.memory_space<vmem>>, vector<16xi32>,
    %dma_start3A_103 = arith.constant 0 : i32
    %dma_start3A_104 = arith.constant 0 : i32
    %dma_start3A_105 = tpu.memref_slice %arg2[%dma_start3A_103, %dma_start3A_104] : memref<10240x1024xf32, #tpu.memory_space<hbm>> -> memref<10240x1024xf32, #tpu.memory_space<hbm>>
    tpu.enqueue_indirect_dma source(%dma_start3A_105 : memref<10240x1024xf32, #tpu.memory_space<hbm>>) target(%arg11 : memref<16x1024xf32, #tpu.memory_space<vmem>>) offsets(%arg9 : memref<16xi32, #tpu.memory_space<vmem>>) semaphore(%arg13 : memref<!tpu.dma_semaphore, #tpu.memory_space<semaphore_mem>>)
    %dma_wait3A_106 = arith.constant 0 : i32
    %dma_wait3A_107 = arith.constant 0 : i32
    %dma_wait3A_108 = tpu.memref_slice %arg2[%dma_wait3A_106, %dma_wait3A_107] : memref<10240x1024xf32, #tpu.memory_space<hbm>> -> memref<10240x1024xf32, #tpu.memory_space<hbm>>
    tpu.wait_indirect_dma semaphore(%arg13 : memref<!tpu.dma_semaphore, #tpu.memory_space<semaphore_mem>>) src(%dma_wait3A_108 : memref<10240x1024xf32, #tpu.memory_space<hbm>>) dst(%arg11 : memref<16x1024xf32, #tpu.memory_space<vmem>>)
    %dma_start3A_109 = arith.constant 0 : i32
    %dma_start3A_110 = arith.constant 0 : i32
    %dma_start3A_111 = tpu.memref_slice %arg2[%dma_start3A_109, %dma_start3A_110] : memref<10240x1024xf32, #tpu.memory_space<hbm>> -> memref<10240x1024xf32, #tpu.memory_space<hbm>>
    tpu.enqueue_indirect_dma source(%dma_start3A_111 : memref<10240x1024xf32, #tpu.memory_space<hbm>>) target(%arg12 : memref<16x1024xf32, #tpu.memory_space<vmem>>) offsets(%arg10 : memref<16xi32, #tpu.memory_space<vmem>>) semaphore(%arg13 : memref<!tpu.dma_semaphore, #tpu.memory_space<semaphore_mem>>)
    %dma_wait3A_112 = arith.constant 0 : i32
    %dma_wait3A_113 = arith.constant 0 : i32
    %dma_wait3A_114 = tpu.memref_slice %arg2[%dma_wait3A_112, %dma_wait3A_113] : memref<10240x1024xf32, #tpu.memory_space<hbm>> -> memref<10240x1024xf32, #tpu.memory_space<hbm>>
    tpu.wait_indirect_dma semaphore(%arg13 : memref<!tpu.dma_semaphore, #tpu.memory_space<semaphore_mem>>) src(%dma_wait3A_114 : memref<10240x1024xf32, #tpu.memory_space<hbm>>) dst(%arg12 : memref<16x1024xf32, #tpu.memory_space<vmem>>)
    %add3A_115 = arith.constant 48 : i32
    %add3A_116 = arith.addi %mul3A_2, %add3A_115 : i32
    "tpu.region"() ({
      %run_scoped3A = tpu.sem_alloc : memref<!tpu.dma_semaphore, #tpu.memory_space<semaphore_mem>>
      %dma_start3A_239 = arith.constant 0 : i32
      %dma_start3A_240 = tpu.memref_slice %arg5[%add3A_116, %dma_start3A_239] : memref<4096x1024xf32, #tpu.memory_space<hbm>> -> memref<16x1024xf32, #tpu.memory_space<hbm>>
      %dma_start3A_241 = arith.constant 0 : i32
      %dma_start3A_242 = tpu.memref_slice %arg5[%add3A_116, %dma_start3A_241] : memref<4096x1024xf32, #tpu.memory_space<hbm>> -> memref<16x1024xf32, #tpu.memory_space<hbm>>
      tpu.enqueue_dma source(%arg11 : memref<16x1024xf32, #tpu.memory_space<vmem>>) target(%dma_start3A_242 : memref<16x1024xf32, #tpu.memory_space<hbm>>) target_semaphore(%run_scoped3A : memref<!tpu.dma_semaphore, #tpu.memory_space<semaphore_mem>>)
      %dma_wait3A_243 = arith.constant 0 : i32
      %dma_wait3A_244 = tpu.memref_slice %arg5[%add3A_116, %dma_wait3A_243] : memref<4096x1024xf32, #tpu.memory_space<hbm>> -> memref<16x1024xf32, #tpu.memory_space<hbm>>
      %dma_wait3A_245 = arith.constant 0 : i32
      %dma_wait3A_246 = tpu.memref_slice %arg5[%add3A_116, %dma_wait3A_245] : memref<4096x1024xf32, #tpu.memory_space<hbm>> -> memref<16x1024xf32, #tpu.memory_space<hbm>>
      tpu.wait_dma2 semaphore(%run_scoped3A : memref<!tpu.dma_semaphore, #tpu.memory_space<semaphore_mem>>) src(%arg11 : memref<16x1024xf32, #tpu.memory_space<vmem>>) dst(%dma_wait3A_246 : memref<16x1024xf32, #tpu.memory_space<hbm>>)
      tpu.yield
    }) : () -> ()
    %add3A_117 = arith.constant 48 : i32
    %add3A_118 = arith.addi %mul3A_2, %add3A_117 : i32
    "tpu.region"() ({
      %run_scoped3A = tpu.sem_alloc : memref<!tpu.dma_semaphore, #tpu.memory_space<semaphore_mem>>
      %dma_start3A_239 = arith.constant 0 : i32
      %dma_start3A_240 = tpu.memref_slice %arg6[%add3A_118, %dma_start3A_239] : memref<4096x1024xf32, #tpu.memory_space<hbm>> -> memref<16x1024xf32, #tpu.memory_space<hbm>>
      %dma_start3A_241 = arith.constant 0 : i32
      %dma_start3A_242 = tpu.memref_slice %arg6[%add3A_118, %dma_start3A_241] : memref<4096x1024xf32, #tpu.memory_space<hbm>> -> memref<16x1024xf32, #tpu.memory_space<hbm>>
      tpu.enqueue_dma source(%arg12 : memref<16x1024xf32, #tpu.memory_space<vmem>>) target(%dma_start3A_242 : memref<16x1024xf32, #tpu.memory_space<hbm>>) target_semaphore(%run_scoped3A : memref<!tpu.dma_semaphore, #tpu.memory_space<semaphore_mem>>)
      %dma_wait3A_243 = arith.constant 0 : i32
      %dma_wait3A_244 = tpu.memref_slice %arg6[%add3A_118, %dma_wait3A_243] : memref<4096x1024xf32, #tpu.memory_space<hbm>> -> memref<16x1024xf32, #tpu.memory_space<hbm>>
      %dma_wait3A_245 = arith.constant 0 : i32
      %dma_wait3A_246 = tpu.memref_slice %arg6[%add3A_118, %dma_wait3A_245] : memref<4096x1024xf32, #tpu.memory_space<hbm>> -> memref<16x1024xf32, #tpu.memory_space<hbm>>
      tpu.wait_dma2 semaphore(%run_scoped3A : memref<!tpu.dma_semaphore, #tpu.memory_space<semaphore_mem>>) src(%arg12 : memref<16x1024xf32, #tpu.memory_space<vmem>>) dst(%dma_wait3A_246 : memref<16x1024xf32, #tpu.memory_space<hbm>>)
      tpu.yield
    }) : () -> ()
    %get3A_119 = arith.constant 64 : index
    %get3A_120 = tpu.vector_load %arg7[%get3A_119] {strides = array<i32>} : memref<128xi32, #tpu.memory_space<vmem>>, vector<16xi32>,
    %get3A_121 = vector.shape_cast %get3A_120 : vector<16xi32> to vector<16xi32>
    %swap3A_122 = arith.constant 0 : index
    %swap3A_123 = tpu.vector_load %arg9[%swap3A_122] {strides = array<i32>} : memref<16xi32, #tpu.memory_space<vmem>>, vector<16xi32>,
    %swap3A_124 = vector.shape_cast %swap3A_123 : vector<16xi32> to vector<16xi32>
    %swap3A_125 = vector.shape_cast %get3A_121 : vector<16xi32> to vector<16xi32>
    tpu.vector_store %arg9[%swap3A_122], %swap3A_125 {strides = array<i32>} : memref<16xi32, #tpu.memory_space<vmem>>, vector<16xi32>,
    %get3A_126 = arith.constant 64 : index
    %get3A_127 = tpu.vector_load %arg8[%get3A_126] {strides = array<i32>} : memref<128xi32, #tpu.memory_space<vmem>>, vector<16xi32>,
    %get3A_128 = vector.shape_cast %get3A_127 : vector<16xi32> to vector<16xi32>
    %swap3A_129 = arith.constant 0 : index
    %swap3A_130 = tpu.vector_load %arg10[%swap3A_129] {strides = array<i32>} : memref<16xi32, #tpu.memory_space<vmem>>, vector<16xi32>,
    %swap3A_131 = vector.shape_cast %swap3A_130 : vector<16xi32> to vector<16xi32>
    %swap3A_132 = vector.shape_cast %get3A_128 : vector<16xi32> to vector<16xi32>
    tpu.vector_store %arg10[%swap3A_129], %swap3A_132 {strides = array<i32>} : memref<16xi32, #tpu.memory_space<vmem>>, vector<16xi32>,
    %dma_start3A_133 = arith.constant 0 : i32
    %dma_start3A_134 = arith.constant 0 : i32
    %dma_start3A_135 = tpu.memref_slice %arg2[%dma_start3A_133, %dma_start3A_134] : memref<10240x1024xf32, #tpu.memory_space<hbm>> -> memref<10240x1024xf32, #tpu.memory_space<hbm>>
    tpu.enqueue_indirect_dma source(%dma_start3A_135 : memref<10240x1024xf32, #tpu.memory_space<hbm>>) target(%arg11 : memref<16x1024xf32, #tpu.memory_space<vmem>>) offsets(%arg9 : memref<16xi32, #tpu.memory_space<vmem>>) semaphore(%arg13 : memref<!tpu.dma_semaphore, #tpu.memory_space<semaphore_mem>>)
    %dma_wait3A_136 = arith.constant 0 : i32
    %dma_wait3A_137 = arith.constant 0 : i32
    %dma_wait3A_138 = tpu.memref_slice %arg2[%dma_wait3A_136, %dma_wait3A_137] : memref<10240x1024xf32, #tpu.memory_space<hbm>> -> memref<10240x1024xf32, #tpu.memory_space<hbm>>
    tpu.wait_indirect_dma semaphore(%arg13 : memref<!tpu.dma_semaphore, #tpu.memory_space<semaphore_mem>>) src(%dma_wait3A_138 : memref<10240x1024xf32, #tpu.memory_space<hbm>>) dst(%arg11 : memref<16x1024xf32, #tpu.memory_space<vmem>>)
    %dma_start3A_139 = arith.constant 0 : i32
    %dma_start3A_140 = arith.constant 0 : i32
    %dma_start3A_141 = tpu.memref_slice %arg2[%dma_start3A_139, %dma_start3A_140] : memref<10240x1024xf32, #tpu.memory_space<hbm>> -> memref<10240x1024xf32, #tpu.memory_space<hbm>>
    tpu.enqueue_indirect_dma source(%dma_start3A_141 : memref<10240x1024xf32, #tpu.memory_space<hbm>>) target(%arg12 : memref<16x1024xf32, #tpu.memory_space<vmem>>) offsets(%arg10 : memref<16xi32, #tpu.memory_space<vmem>>) semaphore(%arg13 : memref<!tpu.dma_semaphore, #tpu.memory_space<semaphore_mem>>)
    %dma_wait3A_142 = arith.constant 0 : i32
    %dma_wait3A_143 = arith.constant 0 : i32
    %dma_wait3A_144 = tpu.memref_slice %arg2[%dma_wait3A_142, %dma_wait3A_143] : memref<10240x1024xf32, #tpu.memory_space<hbm>> -> memref<10240x1024xf32, #tpu.memory_space<hbm>>
    tpu.wait_indirect_dma semaphore(%arg13 : memref<!tpu.dma_semaphore, #tpu.memory_space<semaphore_mem>>) src(%dma_wait3A_144 : memref<10240x1024xf32, #tpu.memory_space<hbm>>) dst(%arg12 : memref<16x1024xf32, #tpu.memory_space<vmem>>)
    %add3A_145 = arith.constant 64 : i32
    %add3A_146 = arith.addi %mul3A_2, %add3A_145 : i32
    "tpu.region"() ({
      %run_scoped3A = tpu.sem_alloc : memref<!tpu.dma_semaphore, #tpu.memory_space<semaphore_mem>>
      %dma_start3A_239 = arith.constant 0 : i32
      %dma_start3A_240 = tpu.memref_slice %arg5[%add3A_146, %dma_start3A_239] : memref<4096x1024xf32, #tpu.memory_space<hbm>> -> memref<16x1024xf32, #tpu.memory_space<hbm>>
      %dma_start3A_241 = arith.constant 0 : i32
      %dma_start3A_242 = tpu.memref_slice %arg5[%add3A_146, %dma_start3A_241] : memref<4096x1024xf32, #tpu.memory_space<hbm>> -> memref<16x1024xf32, #tpu.memory_space<hbm>>
      tpu.enqueue_dma source(%arg11 : memref<16x1024xf32, #tpu.memory_space<vmem>>) target(%dma_start3A_242 : memref<16x1024xf32, #tpu.memory_space<hbm>>) target_semaphore(%run_scoped3A : memref<!tpu.dma_semaphore, #tpu.memory_space<semaphore_mem>>)
      %dma_wait3A_243 = arith.constant 0 : i32
      %dma_wait3A_244 = tpu.memref_slice %arg5[%add3A_146, %dma_wait3A_243] : memref<4096x1024xf32, #tpu.memory_space<hbm>> -> memref<16x1024xf32, #tpu.memory_space<hbm>>
      %dma_wait3A_245 = arith.constant 0 : i32
      %dma_wait3A_246 = tpu.memref_slice %arg5[%add3A_146, %dma_wait3A_245] : memref<4096x1024xf32, #tpu.memory_space<hbm>> -> memref<16x1024xf32, #tpu.memory_space<hbm>>
      tpu.wait_dma2 semaphore(%run_scoped3A : memref<!tpu.dma_semaphore, #tpu.memory_space<semaphore_mem>>) src(%arg11 : memref<16x1024xf32, #tpu.memory_space<vmem>>) dst(%dma_wait3A_246 : memref<16x1024xf32, #tpu.memory_space<hbm>>)
      tpu.yield
    }) : () -> ()
    %add3A_147 = arith.constant 64 : i32
    %add3A_148 = arith.addi %mul3A_2, %add3A_147 : i32
    "tpu.region"() ({
      %run_scoped3A = tpu.sem_alloc : memref<!tpu.dma_semaphore, #tpu.memory_space<semaphore_mem>>
      %dma_start3A_239 = arith.constant 0 : i32
      %dma_start3A_240 = tpu.memref_slice %arg6[%add3A_148, %dma_start3A_239] : memref<4096x1024xf32, #tpu.memory_space<hbm>> -> memref<16x1024xf32, #tpu.memory_space<hbm>>
      %dma_start3A_241 = arith.constant 0 : i32
      %dma_start3A_242 = tpu.memref_slice %arg6[%add3A_148, %dma_start3A_241] : memref<4096x1024xf32, #tpu.memory_space<hbm>> -> memref<16x1024xf32, #tpu.memory_space<hbm>>
      tpu.enqueue_dma source(%arg12 : memref<16x1024xf32, #tpu.memory_space<vmem>>) target(%dma_start3A_242 : memref<16x1024xf32, #tpu.memory_space<hbm>>) target_semaphore(%run_scoped3A : memref<!tpu.dma_semaphore, #tpu.memory_space<semaphore_mem>>)
      %dma_wait3A_243 = arith.constant 0 : i32
      %dma_wait3A_244 = tpu.memref_slice %arg6[%add3A_148, %dma_wait3A_243] : memref<4096x1024xf32, #tpu.memory_space<hbm>> -> memref<16x1024xf32, #tpu.memory_space<hbm>>
      %dma_wait3A_245 = arith.constant 0 : i32
      %dma_wait3A_246 = tpu.memref_slice %arg6[%add3A_148, %dma_wait3A_245] : memref<4096x1024xf32, #tpu.memory_space<hbm>> -> memref<16x1024xf32, #tpu.memory_space<hbm>>
      tpu.wait_dma2 semaphore(%run_scoped3A : memref<!tpu.dma_semaphore, #tpu.memory_space<semaphore_mem>>) src(%arg12 : memref<16x1024xf32, #tpu.memory_space<vmem>>) dst(%dma_wait3A_246 : memref<16x1024xf32, #tpu.memory_space<hbm>>)
      tpu.yield
    }) : () -> ()
    %get3A_149 = arith.constant 80 : index
    %get3A_150 = tpu.vector_load %arg7[%get3A_149] {strides = array<i32>} : memref<128xi32, #tpu.memory_space<vmem>>, vector<16xi32>,
    %get3A_151 = vector.shape_cast %get3A_150 : vector<16xi32> to vector<16xi32>
    %swap3A_152 = arith.constant 0 : index
    %swap3A_153 = tpu.vector_load %arg9[%swap3A_152] {strides = array<i32>} : memref<16xi32, #tpu.memory_space<vmem>>, vector<16xi32>,
    %swap3A_154 = vector.shape_cast %swap3A_153 : vector<16xi32> to vector<16xi32>
    %swap3A_155 = vector.shape_cast %get3A_151 : vector<16xi32> to vector<16xi32>
    tpu.vector_store %arg9[%swap3A_152], %swap3A_155 {strides = array<i32>} : memref<16xi32, #tpu.memory_space<vmem>>, vector<16xi32>,
    %get3A_156 = arith.constant 80 : index
    %get3A_157 = tpu.vector_load %arg8[%get3A_156] {strides = array<i32>} : memref<128xi32, #tpu.memory_space<vmem>>, vector<16xi32>,
    %get3A_158 = vector.shape_cast %get3A_157 : vector<16xi32> to vector<16xi32>
    %swap3A_159 = arith.constant 0 : index
    %swap3A_160 = tpu.vector_load %arg10[%swap3A_159] {strides = array<i32>} : memref<16xi32, #tpu.memory_space<vmem>>, vector<16xi32>,
    %swap3A_161 = vector.shape_cast %swap3A_160 : vector<16xi32> to vector<16xi32>
    %swap3A_162 = vector.shape_cast %get3A_158 : vector<16xi32> to vector<16xi32>
    tpu.vector_store %arg10[%swap3A_159], %swap3A_162 {strides = array<i32>} : memref<16xi32, #tpu.memory_space<vmem>>, vector<16xi32>,
    %dma_start3A_163 = arith.constant 0 : i32
    %dma_start3A_164 = arith.constant 0 : i32
    %dma_start3A_165 = tpu.memref_slice %arg2[%dma_start3A_163, %dma_start3A_164] : memref<10240x1024xf32, #tpu.memory_space<hbm>> -> memref<10240x1024xf32, #tpu.memory_space<hbm>>
    tpu.enqueue_indirect_dma source(%dma_start3A_165 : memref<10240x1024xf32, #tpu.memory_space<hbm>>) target(%arg11 : memref<16x1024xf32, #tpu.memory_space<vmem>>) offsets(%arg9 : memref<16xi32, #tpu.memory_space<vmem>>) semaphore(%arg13 : memref<!tpu.dma_semaphore, #tpu.memory_space<semaphore_mem>>)
    %dma_wait3A_166 = arith.constant 0 : i32
    %dma_wait3A_167 = arith.constant 0 : i32
    %dma_wait3A_168 = tpu.memref_slice %arg2[%dma_wait3A_166, %dma_wait3A_167] : memref<10240x1024xf32, #tpu.memory_space<hbm>> -> memref<10240x1024xf32, #tpu.memory_space<hbm>>
    tpu.wait_indirect_dma semaphore(%arg13 : memref<!tpu.dma_semaphore, #tpu.memory_space<semaphore_mem>>) src(%dma_wait3A_168 : memref<10240x1024xf32, #tpu.memory_space<hbm>>) dst(%arg11 : memref<16x1024xf32, #tpu.memory_space<vmem>>)
    %dma_start3A_169 = arith.constant 0 : i32
    %dma_start3A_170 = arith.constant 0 : i32
    %dma_start3A_171 = tpu.memref_slice %arg2[%dma_start3A_169, %dma_start3A_170] : memref<10240x1024xf32, #tpu.memory_space<hbm>> -> memref<10240x1024xf32, #tpu.memory_space<hbm>>
    tpu.enqueue_indirect_dma source(%dma_start3A_171 : memref<10240x1024xf32, #tpu.memory_space<hbm>>) target(%arg12 : memref<16x1024xf32, #tpu.memory_space<vmem>>) offsets(%arg10 : memref<16xi32, #tpu.memory_space<vmem>>) semaphore(%arg13 : memref<!tpu.dma_semaphore, #tpu.memory_space<semaphore_mem>>)
    %dma_wait3A_172 = arith.constant 0 : i32
    %dma_wait3A_173 = arith.constant 0 : i32
    %dma_wait3A_174 = tpu.memref_slice %arg2[%dma_wait3A_172, %dma_wait3A_173] : memref<10240x1024xf32, #tpu.memory_space<hbm>> -> memref<10240x1024xf32, #tpu.memory_space<hbm>>
    tpu.wait_indirect_dma semaphore(%arg13 : memref<!tpu.dma_semaphore, #tpu.memory_space<semaphore_mem>>) src(%dma_wait3A_174 : memref<10240x1024xf32, #tpu.memory_space<hbm>>) dst(%arg12 : memref<16x1024xf32, #tpu.memory_space<vmem>>)
    %add3A_175 = arith.constant 80 : i32
    %add3A_176 = arith.addi %mul3A_2, %add3A_175 : i32
    "tpu.region"() ({
      %run_scoped3A = tpu.sem_alloc : memref<!tpu.dma_semaphore, #tpu.memory_space<semaphore_mem>>
      %dma_start3A_239 = arith.constant 0 : i32
      %dma_start3A_240 = tpu.memref_slice %arg5[%add3A_176, %dma_start3A_239] : memref<4096x1024xf32, #tpu.memory_space<hbm>> -> memref<16x1024xf32, #tpu.memory_space<hbm>>
      %dma_start3A_241 = arith.constant 0 : i32
      %dma_start3A_242 = tpu.memref_slice %arg5[%add3A_176, %dma_start3A_241] : memref<4096x1024xf32, #tpu.memory_space<hbm>> -> memref<16x1024xf32, #tpu.memory_space<hbm>>
      tpu.enqueue_dma source(%arg11 : memref<16x1024xf32, #tpu.memory_space<vmem>>) target(%dma_start3A_242 : memref<16x1024xf32, #tpu.memory_space<hbm>>) target_semaphore(%run_scoped3A : memref<!tpu.dma_semaphore, #tpu.memory_space<semaphore_mem>>)
      %dma_wait3A_243 = arith.constant 0 : i32
      %dma_wait3A_244 = tpu.memref_slice %arg5[%add3A_176, %dma_wait3A_243] : memref<4096x1024xf32, #tpu.memory_space<hbm>> -> memref<16x1024xf32, #tpu.memory_space<hbm>>
      %dma_wait3A_245 = arith.constant 0 : i32
      %dma_wait3A_246 = tpu.memref_slice %arg5[%add3A_176, %dma_wait3A_245] : memref<4096x1024xf32, #tpu.memory_space<hbm>> -> memref<16x1024xf32, #tpu.memory_space<hbm>>
      tpu.wait_dma2 semaphore(%run_scoped3A : memref<!tpu.dma_semaphore, #tpu.memory_space<semaphore_mem>>) src(%arg11 : memref<16x1024xf32, #tpu.memory_space<vmem>>) dst(%dma_wait3A_246 : memref<16x1024xf32, #tpu.memory_space<hbm>>)
      tpu.yield
    }) : () -> ()
    %add3A_177 = arith.constant 80 : i32
    %add3A_178 = arith.addi %mul3A_2, %add3A_177 : i32
    "tpu.region"() ({
      %run_scoped3A = tpu.sem_alloc : memref<!tpu.dma_semaphore, #tpu.memory_space<semaphore_mem>>
      %dma_start3A_239 = arith.constant 0 : i32
      %dma_start3A_240 = tpu.memref_slice %arg6[%add3A_178, %dma_start3A_239] : memref<4096x1024xf32, #tpu.memory_space<hbm>> -> memref<16x1024xf32, #tpu.memory_space<hbm>>
      %dma_start3A_241 = arith.constant 0 : i32
      %dma_start3A_242 = tpu.memref_slice %arg6[%add3A_178, %dma_start3A_241] : memref<4096x1024xf32, #tpu.memory_space<hbm>> -> memref<16x1024xf32, #tpu.memory_space<hbm>>
      tpu.enqueue_dma source(%arg12 : memref<16x1024xf32, #tpu.memory_space<vmem>>) target(%dma_start3A_242 : memref<16x1024xf32, #tpu.memory_space<hbm>>) target_semaphore(%run_scoped3A : memref<!tpu.dma_semaphore, #tpu.memory_space<semaphore_mem>>)
      %dma_wait3A_243 = arith.constant 0 : i32
      %dma_wait3A_244 = tpu.memref_slice %arg6[%add3A_178, %dma_wait3A_243] : memref<4096x1024xf32, #tpu.memory_space<hbm>> -> memref<16x1024xf32, #tpu.memory_space<hbm>>
      %dma_wait3A_245 = arith.constant 0 : i32
      %dma_wait3A_246 = tpu.memref_slice %arg6[%add3A_178, %dma_wait3A_245] : memref<4096x1024xf32, #tpu.memory_space<hbm>> -> memref<16x1024xf32, #tpu.memory_space<hbm>>
      tpu.wait_dma2 semaphore(%run_scoped3A : memref<!tpu.dma_semaphore, #tpu.memory_space<semaphore_mem>>) src(%arg12 : memref<16x1024xf32, #tpu.memory_space<vmem>>) dst(%dma_wait3A_246 : memref<16x1024xf32, #tpu.memory_space<hbm>>)
      tpu.yield
    }) : () -> ()
    %get3A_179 = arith.constant 96 : index
    %get3A_180 = tpu.vector_load %arg7[%get3A_179] {strides = array<i32>} : memref<128xi32, #tpu.memory_space<vmem>>, vector<16xi32>,
    %get3A_181 = vector.shape_cast %get3A_180 : vector<16xi32> to vector<16xi32>
    %swap3A_182 = arith.constant 0 : index
    %swap3A_183 = tpu.vector_load %arg9[%swap3A_182] {strides = array<i32>} : memref<16xi32, #tpu.memory_space<vmem>>, vector<16xi32>,
    %swap3A_184 = vector.shape_cast %swap3A_183 : vector<16xi32> to vector<16xi32>
    %swap3A_185 = vector.shape_cast %get3A_181 : vector<16xi32> to vector<16xi32>
    tpu.vector_store %arg9[%swap3A_182], %swap3A_185 {strides = array<i32>} : memref<16xi32, #tpu.memory_space<vmem>>, vector<16xi32>,
    %get3A_186 = arith.constant 96 : index
    %get3A_187 = tpu.vector_load %arg8[%get3A_186] {strides = array<i32>} : memref<128xi32, #tpu.memory_space<vmem>>, vector<16xi32>,
    %get3A_188 = vector.shape_cast %get3A_187 : vector<16xi32> to vector<16xi32>
    %swap3A_189 = arith.constant 0 : index
    %swap3A_190 = tpu.vector_load %arg10[%swap3A_189] {strides = array<i32>} : memref<16xi32, #tpu.memory_space<vmem>>, vector<16xi32>,
    %swap3A_191 = vector.shape_cast %swap3A_190 : vector<16xi32> to vector<16xi32>
    %swap3A_192 = vector.shape_cast %get3A_188 : vector<16xi32> to vector<16xi32>
    tpu.vector_store %arg10[%swap3A_189], %swap3A_192 {strides = array<i32>} : memref<16xi32, #tpu.memory_space<vmem>>, vector<16xi32>,
    %dma_start3A_193 = arith.constant 0 : i32
    %dma_start3A_194 = arith.constant 0 : i32
    %dma_start3A_195 = tpu.memref_slice %arg2[%dma_start3A_193, %dma_start3A_194] : memref<10240x1024xf32, #tpu.memory_space<hbm>> -> memref<10240x1024xf32, #tpu.memory_space<hbm>>
    tpu.enqueue_indirect_dma source(%dma_start3A_195 : memref<10240x1024xf32, #tpu.memory_space<hbm>>) target(%arg11 : memref<16x1024xf32, #tpu.memory_space<vmem>>) offsets(%arg9 : memref<16xi32, #tpu.memory_space<vmem>>) semaphore(%arg13 : memref<!tpu.dma_semaphore, #tpu.memory_space<semaphore_mem>>)
    %dma_wait3A_196 = arith.constant 0 : i32
    %dma_wait3A_197 = arith.constant 0 : i32
    %dma_wait3A_198 = tpu.memref_slice %arg2[%dma_wait3A_196, %dma_wait3A_197] : memref<10240x1024xf32, #tpu.memory_space<hbm>> -> memref<10240x1024xf32, #tpu.memory_space<hbm>>
    tpu.wait_indirect_dma semaphore(%arg13 : memref<!tpu.dma_semaphore, #tpu.memory_space<semaphore_mem>>) src(%dma_wait3A_198 : memref<10240x1024xf32, #tpu.memory_space<hbm>>) dst(%arg11 : memref<16x1024xf32, #tpu.memory_space<vmem>>)
    %dma_start3A_199 = arith.constant 0 : i32
    %dma_start3A_200 = arith.constant 0 : i32
    %dma_start3A_201 = tpu.memref_slice %arg2[%dma_start3A_199, %dma_start3A_200] : memref<10240x1024xf32, #tpu.memory_space<hbm>> -> memref<10240x1024xf32, #tpu.memory_space<hbm>>
    tpu.enqueue_indirect_dma source(%dma_start3A_201 : memref<10240x1024xf32, #tpu.memory_space<hbm>>) target(%arg12 : memref<16x1024xf32, #tpu.memory_space<vmem>>) offsets(%arg10 : memref<16xi32, #tpu.memory_space<vmem>>) semaphore(%arg13 : memref<!tpu.dma_semaphore, #tpu.memory_space<semaphore_mem>>)
    %dma_wait3A_202 = arith.constant 0 : i32
    %dma_wait3A_203 = arith.constant 0 : i32
    %dma_wait3A_204 = tpu.memref_slice %arg2[%dma_wait3A_202, %dma_wait3A_203] : memref<10240x1024xf32, #tpu.memory_space<hbm>> -> memref<10240x1024xf32, #tpu.memory_space<hbm>>
    tpu.wait_indirect_dma semaphore(%arg13 : memref<!tpu.dma_semaphore, #tpu.memory_space<semaphore_mem>>) src(%dma_wait3A_204 : memref<10240x1024xf32, #tpu.memory_space<hbm>>) dst(%arg12 : memref<16x1024xf32, #tpu.memory_space<vmem>>)
    %add3A_205 = arith.constant 96 : i32
    %add3A_206 = arith.addi %mul3A_2, %add3A_205 : i32
    "tpu.region"() ({
      %run_scoped3A = tpu.sem_alloc : memref<!tpu.dma_semaphore, #tpu.memory_space<semaphore_mem>>
      %dma_start3A_239 = arith.constant 0 : i32
      %dma_start3A_240 = tpu.memref_slice %arg5[%add3A_206, %dma_start3A_239] : memref<4096x1024xf32, #tpu.memory_space<hbm>> -> memref<16x1024xf32, #tpu.memory_space<hbm>>
      %dma_start3A_241 = arith.constant 0 : i32
      %dma_start3A_242 = tpu.memref_slice %arg5[%add3A_206, %dma_start3A_241] : memref<4096x1024xf32, #tpu.memory_space<hbm>> -> memref<16x1024xf32, #tpu.memory_space<hbm>>
      tpu.enqueue_dma source(%arg11 : memref<16x1024xf32, #tpu.memory_space<vmem>>) target(%dma_start3A_242 : memref<16x1024xf32, #tpu.memory_space<hbm>>) target_semaphore(%run_scoped3A : memref<!tpu.dma_semaphore, #tpu.memory_space<semaphore_mem>>)
      %dma_wait3A_243 = arith.constant 0 : i32
      %dma_wait3A_244 = tpu.memref_slice %arg5[%add3A_206, %dma_wait3A_243] : memref<4096x1024xf32, #tpu.memory_space<hbm>> -> memref<16x1024xf32, #tpu.memory_space<hbm>>
      %dma_wait3A_245 = arith.constant 0 : i32
      %dma_wait3A_246 = tpu.memref_slice %arg5[%add3A_206, %dma_wait3A_245] : memref<4096x1024xf32, #tpu.memory_space<hbm>> -> memref<16x1024xf32, #tpu.memory_space<hbm>>
      tpu.wait_dma2 semaphore(%run_scoped3A : memref<!tpu.dma_semaphore, #tpu.memory_space<semaphore_mem>>) src(%arg11 : memref<16x1024xf32, #tpu.memory_space<vmem>>) dst(%dma_wait3A_246 : memref<16x1024xf32, #tpu.memory_space<hbm>>)
      tpu.yield
    }) : () -> ()
    %add3A_207 = arith.constant 96 : i32
    %add3A_208 = arith.addi %mul3A_2, %add3A_207 : i32
    "tpu.region"() ({
      %run_scoped3A = tpu.sem_alloc : memref<!tpu.dma_semaphore, #tpu.memory_space<semaphore_mem>>
      %dma_start3A_239 = arith.constant 0 : i32
      %dma_start3A_240 = tpu.memref_slice %arg6[%add3A_208, %dma_start3A_239] : memref<4096x1024xf32, #tpu.memory_space<hbm>> -> memref<16x1024xf32, #tpu.memory_space<hbm>>
      %dma_start3A_241 = arith.constant 0 : i32
      %dma_start3A_242 = tpu.memref_slice %arg6[%add3A_208, %dma_start3A_241] : memref<4096x1024xf32, #tpu.memory_space<hbm>> -> memref<16x1024xf32, #tpu.memory_space<hbm>>
      tpu.enqueue_dma source(%arg12 : memref<16x1024xf32, #tpu.memory_space<vmem>>) target(%dma_start3A_242 : memref<16x1024xf32, #tpu.memory_space<hbm>>) target_semaphore(%run_scoped3A : memref<!tpu.dma_semaphore, #tpu.memory_space<semaphore_mem>>)
      %dma_wait3A_243 = arith.constant 0 : i32
      %dma_wait3A_244 = tpu.memref_slice %arg6[%add3A_208, %dma_wait3A_243] : memref<4096x1024xf32, #tpu.memory_space<hbm>> -> memref<16x1024xf32, #tpu.memory_space<hbm>>
      %dma_wait3A_245 = arith.constant 0 : i32
      %dma_wait3A_246 = tpu.memref_slice %arg6[%add3A_208, %dma_wait3A_245] : memref<4096x1024xf32, #tpu.memory_space<hbm>> -> memref<16x1024xf32, #tpu.memory_space<hbm>>
      tpu.wait_dma2 semaphore(%run_scoped3A : memref<!tpu.dma_semaphore, #tpu.memory_space<semaphore_mem>>) src(%arg12 : memref<16x1024xf32, #tpu.memory_space<vmem>>) dst(%dma_wait3A_246 : memref<16x1024xf32, #tpu.memory_space<hbm>>)
      tpu.yield
    }) : () -> ()
    %get3A_209 = arith.constant 112 : index
    %get3A_210 = tpu.vector_load %arg7[%get3A_209] {strides = array<i32>} : memref<128xi32, #tpu.memory_space<vmem>>, vector<16xi32>,
    %get3A_211 = vector.shape_cast %get3A_210 : vector<16xi32> to vector<16xi32>
    %swap3A_212 = arith.constant 0 : index
    %swap3A_213 = tpu.vector_load %arg9[%swap3A_212] {strides = array<i32>} : memref<16xi32, #tpu.memory_space<vmem>>, vector<16xi32>,
    %swap3A_214 = vector.shape_cast %swap3A_213 : vector<16xi32> to vector<16xi32>
    %swap3A_215 = vector.shape_cast %get3A_211 : vector<16xi32> to vector<16xi32>
    tpu.vector_store %arg9[%swap3A_212], %swap3A_215 {strides = array<i32>} : memref<16xi32, #tpu.memory_space<vmem>>, vector<16xi32>,
    %get3A_216 = arith.constant 112 : index
    %get3A_217 = tpu.vector_load %arg8[%get3A_216] {strides = array<i32>} : memref<128xi32, #tpu.memory_space<vmem>>, vector<16xi32>,
    %get3A_218 = vector.shape_cast %get3A_217 : vector<16xi32> to vector<16xi32>
    %swap3A_219 = arith.constant 0 : index
    %swap3A_220 = tpu.vector_load %arg10[%swap3A_219] {strides = array<i32>} : memref<16xi32, #tpu.memory_space<vmem>>, vector<16xi32>,
    %swap3A_221 = vector.shape_cast %swap3A_220 : vector<16xi32> to vector<16xi32>
    %swap3A_222 = vector.shape_cast %get3A_218 : vector<16xi32> to vector<16xi32>
    tpu.vector_store %arg10[%swap3A_219], %swap3A_222 {strides = array<i32>} : memref<16xi32, #tpu.memory_space<vmem>>, vector<16xi32>,
    %dma_start3A_223 = arith.constant 0 : i32
    %dma_start3A_224 = arith.constant 0 : i32
    %dma_start3A_225 = tpu.memref_slice %arg2[%dma_start3A_223, %dma_start3A_224] : memref<10240x1024xf32, #tpu.memory_space<hbm>> -> memref<10240x1024xf32, #tpu.memory_space<hbm>>
    tpu.enqueue_indirect_dma source(%dma_start3A_225 : memref<10240x1024xf32, #tpu.memory_space<hbm>>) target(%arg11 : memref<16x1024xf32, #tpu.memory_space<vmem>>) offsets(%arg9 : memref<16xi32, #tpu.memory_space<vmem>>) semaphore(%arg13 : memref<!tpu.dma_semaphore, #tpu.memory_space<semaphore_mem>>)
    %dma_wait3A_226 = arith.constant 0 : i32
    %dma_wait3A_227 = arith.constant 0 : i32
    %dma_wait3A_228 = tpu.memref_slice %arg2[%dma_wait3A_226, %dma_wait3A_227] : memref<10240x1024xf32, #tpu.memory_space<hbm>> -> memref<10240x1024xf32, #tpu.memory_space<hbm>>
    tpu.wait_indirect_dma semaphore(%arg13 : memref<!tpu.dma_semaphore, #tpu.memory_space<semaphore_mem>>) src(%dma_wait3A_228 : memref<10240x1024xf32, #tpu.memory_space<hbm>>) dst(%arg11 : memref<16x1024xf32, #tpu.memory_space<vmem>>)
    %dma_start3A_229 = arith.constant 0 : i32
    %dma_start3A_230 = arith.constant 0 : i32
    %dma_start3A_231 = tpu.memref_slice %arg2[%dma_start3A_229, %dma_start3A_230] : memref<10240x1024xf32, #tpu.memory_space<hbm>> -> memref<10240x1024xf32, #tpu.memory_space<hbm>>
    tpu.enqueue_indirect_dma source(%dma_start3A_231 : memref<10240x1024xf32, #tpu.memory_space<hbm>>) target(%arg12 : memref<16x1024xf32, #tpu.memory_space<vmem>>) offsets(%arg10 : memref<16xi32, #tpu.memory_space<vmem>>) semaphore(%arg13 : memref<!tpu.dma_semaphore, #tpu.memory_space<semaphore_mem>>)
    %dma_wait3A_232 = arith.constant 0 : i32
    %dma_wait3A_233 = arith.constant 0 : i32
    %dma_wait3A_234 = tpu.memref_slice %arg2[%dma_wait3A_232, %dma_wait3A_233] : memref<10240x1024xf32, #tpu.memory_space<hbm>> -> memref<10240x1024xf32, #tpu.memory_space<hbm>>
    tpu.wait_indirect_dma semaphore(%arg13 : memref<!tpu.dma_semaphore, #tpu.memory_space<semaphore_mem>>) src(%dma_wait3A_234 : memref<10240x1024xf32, #tpu.memory_space<hbm>>) dst(%arg12 : memref<16x1024xf32, #tpu.memory_space<vmem>>)
    %add3A_235 = arith.constant 112 : i32
    %add3A_236 = arith.addi %mul3A_2, %add3A_235 : i32
    "tpu.region"() ({
      %run_scoped3A = tpu.sem_alloc : memref<!tpu.dma_semaphore, #tpu.memory_space<semaphore_mem>>
      %dma_start3A_239 = arith.constant 0 : i32
      %dma_start3A_240 = tpu.memref_slice %arg5[%add3A_236, %dma_start3A_239] : memref<4096x1024xf32, #tpu.memory_space<hbm>> -> memref<16x1024xf32, #tpu.memory_space<hbm>>
      %dma_start3A_241 = arith.constant 0 : i32
      %dma_start3A_242 = tpu.memref_slice %arg5[%add3A_236, %dma_start3A_241] : memref<4096x1024xf32, #tpu.memory_space<hbm>> -> memref<16x1024xf32, #tpu.memory_space<hbm>>
      tpu.enqueue_dma source(%arg11 : memref<16x1024xf32, #tpu.memory_space<vmem>>) target(%dma_start3A_242 : memref<16x1024xf32, #tpu.memory_space<hbm>>) target_semaphore(%run_scoped3A : memref<!tpu.dma_semaphore, #tpu.memory_space<semaphore_mem>>)
      %dma_wait3A_243 = arith.constant 0 : i32
      %dma_wait3A_244 = tpu.memref_slice %arg5[%add3A_236, %dma_wait3A_243] : memref<4096x1024xf32, #tpu.memory_space<hbm>> -> memref<16x1024xf32, #tpu.memory_space<hbm>>
      %dma_wait3A_245 = arith.constant 0 : i32
      %dma_wait3A_246 = tpu.memref_slice %arg5[%add3A_236, %dma_wait3A_245] : memref<4096x1024xf32, #tpu.memory_space<hbm>> -> memref<16x1024xf32, #tpu.memory_space<hbm>>
      tpu.wait_dma2 semaphore(%run_scoped3A : memref<!tpu.dma_semaphore, #tpu.memory_space<semaphore_mem>>) src(%arg11 : memref<16x1024xf32, #tpu.memory_space<vmem>>) dst(%dma_wait3A_246 : memref<16x1024xf32, #tpu.memory_space<hbm>>)
      tpu.yield
    }) : () -> ()
    %add3A_237 = arith.constant 112 : i32
    %add3A_238 = arith.addi %mul3A_2, %add3A_237 : i32
    "tpu.region"() ({
      %run_scoped3A = tpu.sem_alloc : memref<!tpu.dma_semaphore, #tpu.memory_space<semaphore_mem>>
      %dma_start3A_239 = arith.constant 0 : i32
      %dma_start3A_240 = tpu.memref_slice %arg6[%add3A_238, %dma_start3A_239] : memref<4096x1024xf32, #tpu.memory_space<hbm>> -> memref<16x1024xf32, #tpu.memory_space<hbm>>
      %dma_start3A_241 = arith.constant 0 : i32
      %dma_start3A_242 = tpu.memref_slice %arg6[%add3A_238, %dma_start3A_241] : memref<4096x1024xf32, #tpu.memory_space<hbm>> -> memref<16x1024xf32, #tpu.memory_space<hbm>>
      tpu.enqueue_dma source(%arg12 : memref<16x1024xf32, #tpu.memory_space<vmem>>) target(%dma_start3A_242 : memref<16x1024xf32, #tpu.memory_space<hbm>>) target_semaphore(%run_scoped3A : memref<!tpu.dma_semaphore, #tpu.memory_space<semaphore_mem>>)
      %dma_wait3A_243 = arith.constant 0 : i32
      %dma_wait3A_244 = tpu.memref_slice %arg6[%add3A_238, %dma_wait3A_243] : memref<4096x1024xf32, #tpu.memory_space<hbm>> -> memref<16x1024xf32, #tpu.memory_space<hbm>>
      %dma_wait3A_245 = arith.constant 0 : i32
      %dma_wait3A_246 = tpu.memref_slice %arg6[%add3A_238, %dma_wait3A_245] : memref<4096x1024xf32, #tpu.memory_space<hbm>> -> memref<16x1024xf32, #tpu.memory_space<hbm>>
      tpu.wait_dma2 semaphore(%run_scoped3A : memref<!tpu.dma_semaphore, #tpu.memory_space<semaphore_mem>>) src(%arg12 : memref<16x1024xf32, #tpu.memory_space<vmem>>) dst(%dma_wait3A_246 : memref<16x1024xf32, #tpu.memory_space<hbm>>)
      tpu.yield
    }) : () -> ()
    return
  }
}

module attributes {stable_mosaic.version = 14 : i64} {
  func.func @_gate_kernel(%arg0: i32, %arg1: i32, %arg2: memref<256x1024xf32, #tpu.memory_space<vmem>>, %arg3: memref<1024x128xf32, #tpu.memory_space<vmem>>, %arg4: memref<128x1xf32, #tpu.memory_space<vmem>>, %arg5: memref<256x1xi32, #tpu.memory_space<vmem>>, %arg6: memref<256x1xi32, #tpu.memory_space<vmem>>, %arg7: memref<256x1xf32, #tpu.memory_space<vmem>>, %arg8: memref<256x1xf32, #tpu.memory_space<vmem>>, %arg9: memref<128x1xi32, #tpu.memory_space<vmem>>, %arg10: memref<128x1xi32, #tpu.memory_space<vmem>>, %arg11: memref<128x1xf32, #tpu.memory_space<vmem>>, %arg12: memref<128x1xf32, #tpu.memory_space<vmem>>, %arg13: memref<16x256xf32, #tpu.memory_space<vmem>>, %arg14: memref<16x256xf32, #tpu.memory_space<vmem>>, %arg15: memref<16x256xf32, #tpu.memory_space<vmem>>, %arg16: memref<16x256xf32, #tpu.memory_space<vmem>>, %arg17: memref<16x256xf32, #tpu.memory_space<vmem>>, %arg18: memref<16x256xf32, #tpu.memory_space<vmem>>) attributes {dimension_semantics = [#tpu.dimension_semantics<arbitrary>, #tpu.dimension_semantics<arbitrary>], iteration_bounds = array<i64: 2, 16>, scalar_prefetch = 0 : i64, scratch_operands = 8 : i64, tpu.core_type = #tpu.core_type<tc>, window_params = [{transform_indices = @transform_0, window_bounds = array<i64: 256, 1024>}, {pipeline_mode = #tpu.pipeline_mode<synchronous>, transform_indices = @transform_1, window_bounds = array<i64: 1024, 128>}, {pipeline_mode = #tpu.pipeline_mode<synchronous>, transform_indices = @transform_2, window_bounds = array<i64: 128, 1>}, {transform_indices = @transform_3, window_bounds = array<i64: 256, 1>}, {transform_indices = @transform_4, window_bounds = array<i64: 256, 1>}, {transform_indices = @transform_5, window_bounds = array<i64: 256, 1>}, {transform_indices = @transform_6, window_bounds = array<i64: 256, 1>}, {pipeline_mode = #tpu.pipeline_mode<synchronous>, transform_indices = @transform_7, window_bounds = array<i64: 128, 1>}, {pipeline_mode = #tpu.pipeline_mode<synchronous>, transform_indices = @transform_8, window_bounds = array<i64: 128, 1>}]} {
    %iota3A = tpu.iota {dimensions = array<i32: 0>} : vector<128x256xi32>
    %eq3A = arith.constant 0 : i32
    %eq3A_0 = arith.cmpi eq, %arg0, %eq3A : i32
    %convert_element_type3A = arith.extui %eq3A_0 : i1 to i32
    %cond3A = arith.constant 0 : i32
    %cond3A_1 = arith.cmpi ne, %convert_element_type3A, %cond3A : i32
    scf.if %cond3A_1 {
      %get3A = arith.constant 0 : index
      %get3A_14 = arith.constant 0 : index
      %get3A_15 = vector.load %arg2[%get3A, %get3A_14] : memref<256x1024xf32, #tpu.memory_space<vmem>>, vector<256x1024xf32>
      %convert_element_type3A_16 = arith.truncf %get3A_15 : vector<256x1024xf32> to vector<256x1024xbf16>
      %get3A_17 = arith.constant 0 : index
      %get3A_18 = arith.constant 0 : index
      %get3A_19 = vector.load %arg3[%get3A_17, %get3A_18] : memref<1024x128xf32, #tpu.memory_space<vmem>>, vector<1024x128xf32>
      %convert_element_type3A_20 = arith.truncf %get3A_19 : vector<1024x128xf32> to vector<1024x128xbf16>
      %dot_general3A = arith.constant dense<0.000000e+00> : vector<256x128xf32>
      %dot_general3A_21 = tpu.matmul %convert_element_type3A_16, %convert_element_type3A_20, %dot_general3A {dimension_numbers = #tpu.dot_dimension_numbers<[1], [0], [0], [1], [0, 0, 1, 1], [], []>, transpose_lhs_hint = false} : vector<256x1024xbf16>, vector<1024x128xbf16>, vector<256x128xf32> -> vector<256x128xf32>
      %transpose3A = tpu.transpose %dot_general3A_21, [1, 0] : vector<256x128xf32> -> vector<128x256xf32>
      %get3A_22 = arith.constant 0 : index
      %get3A_23 = arith.constant 0 : index
      %get3A_24 = vector.load %arg4[%get3A_22, %get3A_23] : memref<128x1xf32, #tpu.memory_space<vmem>>, vector<128x1xf32>
      %add3A = vector.broadcast %get3A_24 : vector<128x1xf32> to vector<128x256xf32>
      %add3A_25 = arith.addf %transpose3A, %add3A : vector<128x256xf32>
      %reduce_max3A = arith.constant dense<0xFF800000> : vector<256xf32>
      %reduce_max3A_26 = vector.multi_reduction <maximumf>, %add3A_25, %reduce_max3A [0] : vector<128x256xf32> to vector<256xf32>
      %broadcast_in_dim3A = vector.shape_cast %reduce_max3A_26 : vector<256xf32> to vector<1x256xf32>
      %sub3A = vector.broadcast %broadcast_in_dim3A : vector<1x256xf32> to vector<128x256xf32>
      %sub3A_27 = arith.subf %add3A_25, %sub3A : vector<128x256xf32>
      %exp3A = math.exp %sub3A_27 : vector<128x256xf32>
      %reduce_sum3A = arith.constant dense<0.000000e+00> : vector<256xf32>
      %reduce_sum3A_28 = vector.multi_reduction <add>, %exp3A, %reduce_sum3A [0] : vector<128x256xf32> to vector<256xf32>
      %broadcast_in_dim3A_29 = vector.shape_cast %reduce_sum3A_28 : vector<256xf32> to vector<1x256xf32>
      %div3A = vector.broadcast %broadcast_in_dim3A_29 : vector<1x256xf32> to vector<128x256xf32>
      %div3A_30 = arith.divf %exp3A, %div3A : vector<128x256xf32>
      %reduce_max3A_31 = arith.constant dense<0xFF800000> : vector<256xf32>
      %reduce_max3A_32 = vector.multi_reduction <maximumf>, %div3A_30, %reduce_max3A_31 [0] : vector<128x256xf32> to vector<256xf32>
      %broadcast_in_dim3A_33 = vector.shape_cast %reduce_max3A_32 : vector<256xf32> to vector<1x256xf32>
      %eq3A_34 = vector.broadcast %broadcast_in_dim3A_33 : vector<1x256xf32> to vector<128x256xf32>
      %eq3A_35 = arith.cmpf oeq, %div3A_30, %eq3A_34 : vector<128x256xf32>
      %jit3A = arith.constant 128 : i32
      %broadcast_in_dim3A_36 = vector.broadcast %jit3A : i32 to vector<128x256xi32>
      %select_n3A = arith.select %eq3A_35, %iota3A, %broadcast_in_dim3A_36 : vector<128x256xi1>, vector<128x256xi32>
      %reduce_min3A = arith.constant dense<2147483647> : vector<256xi32>
      %reduce_min3A_37 = vector.multi_reduction <minsi>, %select_n3A, %reduce_min3A [0] : vector<128x256xi32> to vector<256xi32>
      %broadcast_in_dim3A_38 = vector.shape_cast %reduce_min3A_37 : vector<256xi32> to vector<1x256xi32>
      %eq3A_39 = vector.broadcast %broadcast_in_dim3A_38 : vector<1x256xi32> to vector<128x256xi32>
      %eq3A_40 = arith.cmpi eq, %iota3A, %eq3A_39 : vector<128x256xi32>
      %jit3A_41 = arith.constant -1.000000e+00 : f32
      %broadcast_in_dim3A_42 = vector.broadcast %jit3A_41 : f32 to vector<128x256xf32>
      %select_n3A_43 = arith.select %eq3A_40, %broadcast_in_dim3A_42, %div3A_30 : vector<128x256xi1>, vector<128x256xf32>
      %reduce_max3A_44 = arith.constant dense<0xFF800000> : vector<256xf32>
      %reduce_max3A_45 = vector.multi_reduction <maximumf>, %select_n3A_43, %reduce_max3A_44 [0] : vector<128x256xf32> to vector<256xf32>
      %broadcast_in_dim3A_46 = vector.shape_cast %reduce_max3A_45 : vector<256xf32> to vector<1x256xf32>
      %eq3A_47 = vector.broadcast %broadcast_in_dim3A_46 : vector<1x256xf32> to vector<128x256xf32>
      %eq3A_48 = arith.cmpf oeq, %select_n3A_43, %eq3A_47 : vector<128x256xf32>
      %jit3A_49 = arith.constant 128 : i32
      %broadcast_in_dim3A_50 = vector.broadcast %jit3A_49 : i32 to vector<128x256xi32>
      %select_n3A_51 = arith.select %eq3A_48, %iota3A, %broadcast_in_dim3A_50 : vector<128x256xi1>, vector<128x256xi32>
      %reduce_min3A_52 = arith.constant dense<2147483647> : vector<256xi32>
      %reduce_min3A_53 = vector.multi_reduction <minsi>, %select_n3A_51, %reduce_min3A_52 [0] : vector<128x256xi32> to vector<256xi32>
      %broadcast_in_dim3A_54 = vector.shape_cast %reduce_min3A_53 : vector<256xi32> to vector<1x256xi32>
      %eq3A_55 = vector.broadcast %broadcast_in_dim3A_54 : vector<1x256xi32> to vector<128x256xi32>
      %eq3A_56 = arith.cmpi eq, %iota3A, %eq3A_55 : vector<128x256xi32>
      %add3A_57 = arith.addf %broadcast_in_dim3A_33, %broadcast_in_dim3A_46 : vector<1x256xf32>
      %add3A_58 = arith.constant 9.99999997E-7 : f32
      %add3A_59 = vector.broadcast %add3A_58 : f32 to vector<1x256xf32>
      %add3A_60 = arith.addf %add3A_57, %add3A_59 : vector<1x256xf32>
      %eq3A_61 = arith.constant 0 : i32
      %eq3A_62 = arith.cmpi eq, %arg1, %eq3A_61 : i32
      %convert_element_type3A_63 = arith.extui %eq3A_62 : i1 to i32
      %cond3A_64 = arith.constant 0 : i32
      %cond3A_65 = arith.cmpi ne, %convert_element_type3A_63, %cond3A_64 : i32
      scf.if %cond3A_65 {
        %broadcast_in_dim3A_121 = arith.constant 0.000000e+00 : f32
        %broadcast_in_dim3A_122 = vector.broadcast %broadcast_in_dim3A_121 : f32 to vector<128x1xf32>
        %swap3A_123 = arith.constant 0 : index
        %swap3A_124 = arith.constant 0 : index
        %swap3A_125 = vector.load %arg11[%swap3A_123, %swap3A_124] : memref<128x1xf32, #tpu.memory_space<vmem>>, vector<128x1xf32>
        tpu.vector_store %arg11[%swap3A_123, %swap3A_124], %broadcast_in_dim3A_122 {strides = array<i32>} : memref<128x1xf32, #tpu.memory_space<vmem>>, vector<128x1xf32>,
      } else {
      }
      %convert_element_type3A_66 = arith.extui %eq3A_40 : vector<128x256xi1> to vector<128x256xi32>
      %convert_element_type3A_67 = arith.sitofp %convert_element_type3A_66 : vector<128x256xi32> to vector<128x256xf32>
      %convert_element_type3A_68 = arith.extui %eq3A_56 : vector<128x256xi1> to vector<128x256xi32>
      %convert_element_type3A_69 = arith.sitofp %convert_element_type3A_68 : vector<128x256xi32> to vector<128x256xf32>
      %add3A_70 = arith.addf %convert_element_type3A_67, %convert_element_type3A_69 : vector<128x256xf32>
      %iota3A_71 = tpu.iota {dimensions = array<i32: 0>} : vector<256x256xi32>
      %iota3A_72 = tpu.iota {dimensions = array<i32: 1>} : vector<256x256xi32>
      %lt3A = arith.cmpi slt, %iota3A_71, %iota3A_72 : vector<256x256xi32>
      %convert_element_type3A_73 = arith.extui %lt3A : vector<256x256xi1> to vector<256x256xi32>
      %convert_element_type3A_74 = arith.sitofp %convert_element_type3A_73 : vector<256x256xi32> to vector<256x256xf32>
      %dot_general3A_75 = arith.constant dense<0.000000e+00> : vector<128x256xf32>
      %dot_general3A_76 = tpu.matmul %add3A_70, %convert_element_type3A_74, %dot_general3A_75 {dimension_numbers = #tpu.dot_dimension_numbers<[1], [0], [0], [1], [0, 0, 1, 1], [], []>, transpose_lhs_hint = false} : vector<128x256xf32>, vector<256x256xf32>, vector<128x256xf32> -> vector<128x256xf32>
      %get3A_77 = arith.constant 0 : index
      %get3A_78 = arith.constant 0 : index
      %get3A_79 = vector.load %arg11[%get3A_77, %get3A_78] : memref<128x1xf32, #tpu.memory_space<vmem>>, vector<128x1xf32>
      %add3A_80 = vector.broadcast %get3A_79 : vector<128x1xf32> to vector<128x256xf32>
      %add3A_81 = arith.addf %add3A_80, %dot_general3A_76 : vector<128x256xf32>
      %convert_element_type3A_82 = arith.sitofp %broadcast_in_dim3A_38 : vector<1x256xi32> to vector<1x256xf32>
      %swap3A = arith.index_cast %arg1 : i32 to index
      %swap3A_83 = arith.constant 0 : index
      %swap3A_84 = vector.load %arg13[%swap3A, %swap3A_83] : memref<16x256xf32, #tpu.memory_space<vmem>>, vector<1x256xf32>
      tpu.vector_store %arg13[%swap3A, %swap3A_83], %convert_element_type3A_82 {strides = array<i32>} : memref<16x256xf32, #tpu.memory_space<vmem>>, vector<1x256xf32>,
      %convert_element_type3A_85 = arith.sitofp %broadcast_in_dim3A_54 : vector<1x256xi32> to vector<1x256xf32>
      %swap3A_86 = arith.index_cast %arg1 : i32 to index
      %swap3A_87 = arith.constant 0 : index
      %swap3A_88 = vector.load %arg14[%swap3A_86, %swap3A_87] : memref<16x256xf32, #tpu.memory_space<vmem>>, vector<1x256xf32>
      tpu.vector_store %arg14[%swap3A_86, %swap3A_87], %convert_element_type3A_85 {strides = array<i32>} : memref<16x256xf32, #tpu.memory_space<vmem>>, vector<1x256xf32>,
      %mul3A = arith.mulf %convert_element_type3A_67, %add3A_81 : vector<128x256xf32>
      %reduce_sum3A_89 = arith.constant dense<0.000000e+00> : vector<256xf32>
      %reduce_sum3A_90 = vector.multi_reduction <add>, %mul3A, %reduce_sum3A_89 [0] : vector<128x256xf32> to vector<256xf32>
      %broadcast_in_dim3A_91 = vector.shape_cast %reduce_sum3A_90 : vector<256xf32> to vector<1x256xf32>
      %swap3A_92 = arith.index_cast %arg1 : i32 to index
      %swap3A_93 = arith.constant 0 : index
      %swap3A_94 = vector.load %arg15[%swap3A_92, %swap3A_93] : memref<16x256xf32, #tpu.memory_space<vmem>>, vector<1x256xf32>
      tpu.vector_store %arg15[%swap3A_92, %swap3A_93], %broadcast_in_dim3A_91 {strides = array<i32>} : memref<16x256xf32, #tpu.memory_space<vmem>>, vector<1x256xf32>,
      %add3A_95 = arith.addf %add3A_81, %convert_element_type3A_67 : vector<128x256xf32>
      %mul3A_96 = arith.mulf %convert_element_type3A_69, %add3A_95 : vector<128x256xf32>
      %reduce_sum3A_97 = arith.constant dense<0.000000e+00> : vector<256xf32>
      %reduce_sum3A_98 = vector.multi_reduction <add>, %mul3A_96, %reduce_sum3A_97 [0] : vector<128x256xf32> to vector<256xf32>
      %broadcast_in_dim3A_99 = vector.shape_cast %reduce_sum3A_98 : vector<256xf32> to vector<1x256xf32>
      %swap3A_100 = arith.index_cast %arg1 : i32 to index
      %swap3A_101 = arith.constant 0 : index
      %swap3A_102 = vector.load %arg16[%swap3A_100, %swap3A_101] : memref<16x256xf32, #tpu.memory_space<vmem>>, vector<1x256xf32>
      tpu.vector_store %arg16[%swap3A_100, %swap3A_101], %broadcast_in_dim3A_99 {strides = array<i32>} : memref<16x256xf32, #tpu.memory_space<vmem>>, vector<1x256xf32>,
      %div3A_103 = arith.divf %broadcast_in_dim3A_33, %add3A_60 : vector<1x256xf32>
      %swap3A_104 = arith.index_cast %arg1 : i32 to index
      %swap3A_105 = arith.constant 0 : index
      %swap3A_106 = vector.load %arg17[%swap3A_104, %swap3A_105] : memref<16x256xf32, #tpu.memory_space<vmem>>, vector<1x256xf32>
      tpu.vector_store %arg17[%swap3A_104, %swap3A_105], %div3A_103 {strides = array<i32>} : memref<16x256xf32, #tpu.memory_space<vmem>>, vector<1x256xf32>,
      %div3A_107 = arith.divf %broadcast_in_dim3A_46, %add3A_60 : vector<1x256xf32>
      %swap3A_108 = arith.index_cast %arg1 : i32 to index
      %swap3A_109 = arith.constant 0 : index
      %swap3A_110 = vector.load %arg18[%swap3A_108, %swap3A_109] : memref<16x256xf32, #tpu.memory_space<vmem>>, vector<1x256xf32>
      tpu.vector_store %arg18[%swap3A_108, %swap3A_109], %div3A_107 {strides = array<i32>} : memref<16x256xf32, #tpu.memory_space<vmem>>, vector<1x256xf32>,
      %get3A_111 = arith.constant 0 : index
      %get3A_112 = arith.constant 0 : index
      %get3A_113 = vector.load %arg11[%get3A_111, %get3A_112] : memref<128x1xf32, #tpu.memory_space<vmem>>, vector<128x1xf32>
      %reduce_sum3A_114 = arith.constant dense<0.000000e+00> : vector<128xf32>
      %reduce_sum3A_115 = vector.multi_reduction <add>, %add3A_70, %reduce_sum3A_114 [1] : vector<128x256xf32> to vector<128xf32>
      %broadcast_in_dim3A_116 = vector.shape_cast %reduce_sum3A_115 : vector<128xf32> to vector<128x1xf32>
      %add3A_117 = arith.addf %get3A_113, %broadcast_in_dim3A_116 : vector<128x1xf32>
      %swap3A_118 = arith.constant 0 : index
      %swap3A_119 = arith.constant 0 : index
      %swap3A_120 = vector.load %arg11[%swap3A_118, %swap3A_119] : memref<128x1xf32, #tpu.memory_space<vmem>>, vector<128x1xf32>
      tpu.vector_store %arg11[%swap3A_118, %swap3A_119], %add3A_117 {strides = array<i32>} : memref<128x1xf32, #tpu.memory_space<vmem>>, vector<128x1xf32>,
    } else {
    }
    %eq3A_2 = arith.constant 1 : i32
    %eq3A_3 = arith.cmpi eq, %arg0, %eq3A_2 : i32
    %eq3A_4 = arith.constant 0 : i32
    %eq3A_5 = arith.cmpi eq, %arg1, %eq3A_4 : i32
    %and3A = arith.andi %eq3A_3, %eq3A_5 : i1
    %convert_element_type3A_6 = arith.extui %and3A : i1 to i32
    %cond3A_7 = arith.constant 0 : i32
    %cond3A_8 = arith.cmpi ne, %convert_element_type3A_6, %cond3A_7 : i32
    scf.if %cond3A_8 {
      %get3A = arith.constant 0 : index
      %get3A_14 = arith.constant 0 : index
      %get3A_15 = vector.load %arg11[%get3A, %get3A_14] : memref<128x1xf32, #tpu.memory_space<vmem>>, vector<128x1xf32>
      %add3A = arith.constant 2.550000e+02 : f32
      %add3A_16 = vector.broadcast %add3A : f32 to vector<128x1xf32>
      %add3A_17 = arith.addf %get3A_15, %add3A_16 : vector<128x1xf32>
      %mul3A = arith.constant 3.906250e-03 : f32
      %mul3A_18 = vector.broadcast %mul3A : f32 to vector<128x1xf32>
      %mul3A_19 = arith.mulf %add3A_17, %mul3A_18 : vector<128x1xf32>
      %floor3A = math.floor %mul3A_19 : vector<128x1xf32>
      %mul3A_20 = arith.constant 2.560000e+02 : f32
      %mul3A_21 = vector.broadcast %mul3A_20 : f32 to vector<128x1xf32>
      %mul3A_22 = arith.mulf %floor3A, %mul3A_21 : vector<128x1xf32>
      %iota3A_23 = tpu.iota {dimensions = array<i32: 0>} : vector<128x128xi32>
      %iota3A_24 = tpu.iota {dimensions = array<i32: 1>} : vector<128x128xi32>
      %lt3A = arith.cmpi slt, %iota3A_24, %iota3A_23 : vector<128x128xi32>
      %convert_element_type3A_25 = arith.extui %lt3A : vector<128x128xi1> to vector<128x128xi32>
      %convert_element_type3A_26 = arith.sitofp %convert_element_type3A_25 : vector<128x128xi32> to vector<128x128xf32>
      %dot_general3A = arith.constant dense<0.000000e+00> : vector<128x1xf32>
      %dot_general3A_27 = tpu.matmul %convert_element_type3A_26, %mul3A_22, %dot_general3A {dimension_numbers = #tpu.dot_dimension_numbers<[1], [0], [0], [1], [0, 0, 1, 1], [], []>, precision = #tpu.contract_precision<fp32>, transpose_lhs_hint = false} : vector<128x128xf32>, vector<128x1xf32>, vector<128x1xf32> -> vector<128x1xf32>
      %swap3A = arith.constant 0 : index
      %swap3A_28 = arith.constant 0 : index
      %swap3A_29 = vector.load %arg12[%swap3A, %swap3A_28] : memref<128x1xf32, #tpu.memory_space<vmem>>, vector<128x1xf32>
      tpu.vector_store %arg12[%swap3A, %swap3A_28], %dot_general3A_27 {strides = array<i32>} : memref<128x1xf32, #tpu.memory_space<vmem>>, vector<128x1xf32>,
    } else {
    }
    %eq3A_9 = arith.constant 1 : i32
    %eq3A_10 = arith.cmpi eq, %arg0, %eq3A_9 : i32
    %convert_element_type3A_11 = arith.extui %eq3A_10 : i1 to i32
    %cond3A_12 = arith.constant 0 : i32
    %cond3A_13 = arith.cmpi ne, %convert_element_type3A_11, %cond3A_12 : i32
    scf.if %cond3A_13 {
      %get3A = arith.index_cast %arg1 : i32 to index
      %get3A_14 = arith.constant 0 : index
      %get3A_15 = vector.load %arg13[%get3A, %get3A_14] : memref<16x256xf32, #tpu.memory_space<vmem>>, vector<1x256xf32>
      %get3A_16 = arith.index_cast %arg1 : i32 to index
      %get3A_17 = arith.constant 0 : index
      %get3A_18 = vector.load %arg14[%get3A_16, %get3A_17] : memref<16x256xf32, #tpu.memory_space<vmem>>, vector<1x256xf32>
      %convert_element_type3A_19 = arith.fptosi %get3A_15 : vector<1x256xf32> to vector<1x256xi32>
      %eq3A_20 = vector.broadcast %convert_element_type3A_19 : vector<1x256xi32> to vector<128x256xi32>
      %eq3A_21 = arith.cmpi eq, %iota3A, %eq3A_20 : vector<128x256xi32>
      %convert_element_type3A_22 = arith.extui %eq3A_21 : vector<128x256xi1> to vector<128x256xi32>
      %convert_element_type3A_23 = arith.sitofp %convert_element_type3A_22 : vector<128x256xi32> to vector<128x256xf32>
      %convert_element_type3A_24 = arith.fptosi %get3A_18 : vector<1x256xf32> to vector<1x256xi32>
      %eq3A_25 = vector.broadcast %convert_element_type3A_24 : vector<1x256xi32> to vector<128x256xi32>
      %eq3A_26 = arith.cmpi eq, %iota3A, %eq3A_25 : vector<128x256xi32>
      %convert_element_type3A_27 = arith.extui %eq3A_26 : vector<128x256xi1> to vector<128x256xi32>
      %convert_element_type3A_28 = arith.sitofp %convert_element_type3A_27 : vector<128x256xi32> to vector<128x256xf32>
      %get3A_29 = arith.constant 0 : index
      %get3A_30 = arith.constant 0 : index
      %get3A_31 = vector.load %arg12[%get3A_29, %get3A_30] : memref<128x1xf32, #tpu.memory_space<vmem>>, vector<128x1xf32>
      %mul3A = vector.broadcast %get3A_31 : vector<128x1xf32> to vector<128x256xf32>
      %mul3A_32 = arith.mulf %convert_element_type3A_23, %mul3A : vector<128x256xf32>
      %reduce_sum3A = arith.constant dense<0.000000e+00> : vector<256xf32>
      %reduce_sum3A_33 = vector.multi_reduction <add>, %mul3A_32, %reduce_sum3A [0] : vector<128x256xf32> to vector<256xf32>
      %broadcast_in_dim3A = vector.shape_cast %reduce_sum3A_33 : vector<256xf32> to vector<1x256xf32>
      %get3A_34 = arith.constant 0 : index
      %get3A_35 = arith.constant 0 : index
      %get3A_36 = vector.load %arg12[%get3A_34, %get3A_35] : memref<128x1xf32, #tpu.memory_space<vmem>>, vector<128x1xf32>
      %mul3A_37 = vector.broadcast %get3A_36 : vector<128x1xf32> to vector<128x256xf32>
      %mul3A_38 = arith.mulf %convert_element_type3A_28, %mul3A_37 : vector<128x256xf32>
      %reduce_sum3A_39 = arith.constant dense<0.000000e+00> : vector<256xf32>
      %reduce_sum3A_40 = vector.multi_reduction <add>, %mul3A_38, %reduce_sum3A_39 [0] : vector<128x256xf32> to vector<256xf32>
      %broadcast_in_dim3A_41 = vector.shape_cast %reduce_sum3A_40 : vector<256xf32> to vector<1x256xf32>
      %get3A_42 = arith.index_cast %arg1 : i32 to index
      %get3A_43 = arith.constant 0 : index
      %get3A_44 = vector.load %arg15[%get3A_42, %get3A_43] : memref<16x256xf32, #tpu.memory_space<vmem>>, vector<1x256xf32>
      %add3A = arith.addf %broadcast_in_dim3A, %get3A_44 : vector<1x256xf32>
      %get3A_45 = arith.index_cast %arg1 : i32 to index
      %get3A_46 = arith.constant 0 : index
      %get3A_47 = vector.load %arg16[%get3A_45, %get3A_46] : memref<16x256xf32, #tpu.memory_space<vmem>>, vector<1x256xf32>
      %add3A_48 = arith.addf %broadcast_in_dim3A_41, %get3A_47 : vector<1x256xf32>
      %transpose3A = tpu.transpose %add3A, [1, 0] : vector<1x256xf32> -> vector<256x1xf32>
      %convert_element_type3A_49 = arith.fptosi %transpose3A : vector<256x1xf32> to vector<256x1xi32>
      %swap3A = arith.constant 0 : index
      %swap3A_50 = arith.constant 0 : index
      %swap3A_51 = vector.load %arg5[%swap3A, %swap3A_50] : memref<256x1xi32, #tpu.memory_space<vmem>>, vector<256x1xi32>
      tpu.vector_store %arg5[%swap3A, %swap3A_50], %convert_element_type3A_49 {strides = array<i32>} : memref<256x1xi32, #tpu.memory_space<vmem>>, vector<256x1xi32>,
      %transpose3A_52 = tpu.transpose %add3A_48, [1, 0] : vector<1x256xf32> -> vector<256x1xf32>
      %convert_element_type3A_53 = arith.fptosi %transpose3A_52 : vector<256x1xf32> to vector<256x1xi32>
      %swap3A_54 = arith.constant 0 : index
      %swap3A_55 = arith.constant 0 : index
      %swap3A_56 = vector.load %arg6[%swap3A_54, %swap3A_55] : memref<256x1xi32, #tpu.memory_space<vmem>>, vector<256x1xi32>
      tpu.vector_store %arg6[%swap3A_54, %swap3A_55], %convert_element_type3A_53 {strides = array<i32>} : memref<256x1xi32, #tpu.memory_space<vmem>>, vector<256x1xi32>,
      %get3A_57 = arith.index_cast %arg1 : i32 to index
      %get3A_58 = arith.constant 0 : index
      %get3A_59 = vector.load %arg17[%get3A_57, %get3A_58] : memref<16x256xf32, #tpu.memory_space<vmem>>, vector<1x256xf32>
      %transpose3A_60 = tpu.transpose %get3A_59, [1, 0] : vector<1x256xf32> -> vector<256x1xf32>
      %swap3A_61 = arith.constant 0 : index
      %swap3A_62 = arith.constant 0 : index
      %swap3A_63 = vector.load %arg7[%swap3A_61, %swap3A_62] : memref<256x1xf32, #tpu.memory_space<vmem>>, vector<256x1xf32>
      tpu.vector_store %arg7[%swap3A_61, %swap3A_62], %transpose3A_60 {strides = array<i32>} : memref<256x1xf32, #tpu.memory_space<vmem>>, vector<256x1xf32>,
      %get3A_64 = arith.index_cast %arg1 : i32 to index
      %get3A_65 = arith.constant 0 : index
      %get3A_66 = vector.load %arg18[%get3A_64, %get3A_65] : memref<16x256xf32, #tpu.memory_space<vmem>>, vector<1x256xf32>
      %transpose3A_67 = tpu.transpose %get3A_66, [1, 0] : vector<1x256xf32> -> vector<256x1xf32>
      %swap3A_68 = arith.constant 0 : index
      %swap3A_69 = arith.constant 0 : index
      %swap3A_70 = vector.load %arg8[%swap3A_68, %swap3A_69] : memref<256x1xf32, #tpu.memory_space<vmem>>, vector<256x1xf32>
      tpu.vector_store %arg8[%swap3A_68, %swap3A_69], %transpose3A_67 {strides = array<i32>} : memref<256x1xf32, #tpu.memory_space<vmem>>, vector<256x1xf32>,
      %eq3A_71 = arith.constant 15 : i32
      %eq3A_72 = arith.cmpi eq, %arg1, %eq3A_71 : i32
      %convert_element_type3A_73 = arith.extui %eq3A_72 : i1 to i32
      %cond3A_74 = arith.constant 0 : i32
      %cond3A_75 = arith.cmpi ne, %convert_element_type3A_73, %cond3A_74 : i32
      scf.if %cond3A_75 {
        %get3A_76 = arith.constant 0 : index
        %get3A_77 = arith.constant 0 : index
        %get3A_78 = vector.load %arg11[%get3A_76, %get3A_77] : memref<128x1xf32, #tpu.memory_space<vmem>>, vector<128x1xf32>
        %add3A_79 = arith.constant 2.550000e+02 : f32
        %add3A_80 = vector.broadcast %add3A_79 : f32 to vector<128x1xf32>
        %add3A_81 = arith.addf %get3A_78, %add3A_80 : vector<128x1xf32>
        %mul3A_82 = arith.constant 3.906250e-03 : f32
        %mul3A_83 = vector.broadcast %mul3A_82 : f32 to vector<128x1xf32>
        %mul3A_84 = arith.mulf %add3A_81, %mul3A_83 : vector<128x1xf32>
        %floor3A = math.floor %mul3A_84 : vector<128x1xf32>
        %mul3A_85 = arith.constant 2.560000e+02 : f32
        %mul3A_86 = vector.broadcast %mul3A_85 : f32 to vector<128x1xf32>
        %mul3A_87 = arith.mulf %floor3A, %mul3A_86 : vector<128x1xf32>
        %get3A_88 = arith.constant 0 : index
        %get3A_89 = arith.constant 0 : index
        %get3A_90 = vector.load %arg12[%get3A_88, %get3A_89] : memref<128x1xf32, #tpu.memory_space<vmem>>, vector<128x1xf32>
        %add3A_91 = arith.addf %get3A_90, %mul3A_87 : vector<128x1xf32>
        %iota3A_92 = tpu.iota {dimensions = array<i32: 0>} : vector<128x1xi32>
        %mul3A_93 = arith.constant 256 : i32
        %mul3A_94 = vector.broadcast %mul3A_93 : i32 to vector<128x1xi32>
        %mul3A_95 = arith.muli %iota3A_92, %mul3A_94 : vector<128x1xi32>
        %convert_element_type3A_96 = arith.sitofp %mul3A_95 : vector<128x1xi32> to vector<128x1xf32>
        %transpose3A_97 = tpu.transpose %add3A_91, [1, 0] : vector<128x1xf32> -> vector<1x128xf32>
        %ge3A = vector.broadcast %convert_element_type3A_96 : vector<128x1xf32> to vector<128x128xf32>
        %ge3A_98 = vector.broadcast %transpose3A_97 : vector<1x128xf32> to vector<128x128xf32>
        %ge3A_99 = arith.cmpf oge, %ge3A, %ge3A_98 : vector<128x128xf32>
        %convert_element_type3A_100 = arith.extui %ge3A_99 : vector<128x128xi1> to vector<128x128xi32>
        %convert_element_type3A_101 = arith.sitofp %convert_element_type3A_100 : vector<128x128xi32> to vector<128x128xf32>
        %reduce_sum3A_102 = arith.constant dense<0.000000e+00> : vector<128xf32>
        %reduce_sum3A_103 = vector.multi_reduction <add>, %convert_element_type3A_101, %reduce_sum3A_102 [1] : vector<128x128xf32> to vector<128xf32>
        %broadcast_in_dim3A_104 = vector.shape_cast %reduce_sum3A_103 : vector<128xf32> to vector<128x1xf32>
        %min3A = arith.constant 7.000000e+00 : f32
        %min3A_105 = vector.broadcast %min3A : f32 to vector<128x1xf32>
        %min3A_106 = arith.minimumf %broadcast_in_dim3A_104, %min3A_105 : vector<128x1xf32>
        %convert_element_type3A_107 = arith.fptosi %min3A_106 : vector<128x1xf32> to vector<128x1xi32>
        %swap3A_108 = arith.constant 0 : index
        %swap3A_109 = arith.constant 0 : index
        %swap3A_110 = vector.load %arg9[%swap3A_108, %swap3A_109] : memref<128x1xi32, #tpu.memory_space<vmem>>, vector<128x1xi32>
        tpu.vector_store %arg9[%swap3A_108, %swap3A_109], %convert_element_type3A_107 {strides = array<i32>} : memref<128x1xi32, #tpu.memory_space<vmem>>, vector<128x1xi32>,
        %reduce_max3A = vector.shape_cast %add3A_91 : vector<128x1xf32> to vector<1x128x1xf32>
        %reduce_max3A_111 = arith.constant dense<0xFF800000> : vector<1xf32>
        %reduce_max3A_112 = vector.multi_reduction <maximumf>, %reduce_max3A, %reduce_max3A_111 [1, 2] : vector<1x128x1xf32> to vector<1xf32>
        %reduce_max3A_113 = vector.shape_cast %reduce_max3A_112 : vector<1xf32> to vector<1x1x1xf32>
        %reduce_max3A_114 = vector.extract %reduce_max3A_113[0, 0, 0] : f32 from vector<1x1x1xf32>
        %lt3A = vector.broadcast %reduce_max3A_114 : f32 to vector<128x1xf32>
        %lt3A_115 = arith.cmpf olt, %convert_element_type3A_96, %lt3A : vector<128x1xf32>
        %convert_element_type3A_116 = arith.extui %lt3A_115 : vector<128x1xi1> to vector<128x1xi32>
        %swap3A_117 = arith.constant 0 : index
        %swap3A_118 = arith.constant 0 : index
        %swap3A_119 = vector.load %arg10[%swap3A_117, %swap3A_118] : memref<128x1xi32, #tpu.memory_space<vmem>>, vector<128x1xi32>
        tpu.vector_store %arg10[%swap3A_117, %swap3A_118], %convert_element_type3A_116 {strides = array<i32>} : memref<128x1xi32, #tpu.memory_space<vmem>>, vector<128x1xi32>,
      } else {
      }
    } else {
    }
    return
  }
  func.func @transform_0(%arg0: i32, %arg1: i32) -> (i32, i32) {
    %c0_i32 = arith.constant 0 : i32
    %c0_i32_0 = arith.constant 0 : i32
    return %arg1, %c0_i32 : i32, i32
  }
  func.func @transform_1(%arg0: i32, %arg1: i32) -> (i32, i32) {
    %c0_i32 = arith.constant 0 : i32
    %c0_i32_0 = arith.constant 0 : i32
    %c0_i32_1 = arith.constant 0 : i32
    return %c0_i32, %c0_i32_0 : i32, i32
  }
  func.func @transform_2(%arg0: i32, %arg1: i32) -> (i32, i32) {
    %c0_i32 = arith.constant 0 : i32
    %c0_i32_0 = arith.constant 0 : i32
    %c0_i32_1 = arith.constant 0 : i32
    return %c0_i32, %c0_i32_0 : i32, i32
  }
  func.func @transform_3(%arg0: i32, %arg1: i32) -> (i32, i32) {
    %c0_i32 = arith.constant 0 : i32
    %c0_i32_0 = arith.constant 0 : i32
    return %arg1, %c0_i32 : i32, i32
  }
  func.func @transform_4(%arg0: i32, %arg1: i32) -> (i32, i32) {
    %c0_i32 = arith.constant 0 : i32
    %c0_i32_0 = arith.constant 0 : i32
    return %arg1, %c0_i32 : i32, i32
  }
  func.func @transform_5(%arg0: i32, %arg1: i32) -> (i32, i32) {
    %c0_i32 = arith.constant 0 : i32
    %c0_i32_0 = arith.constant 0 : i32
    return %arg1, %c0_i32 : i32, i32
  }
  func.func @transform_6(%arg0: i32, %arg1: i32) -> (i32, i32) {
    %c0_i32 = arith.constant 0 : i32
    %c0_i32_0 = arith.constant 0 : i32
    return %arg1, %c0_i32 : i32, i32
  }
  func.func @transform_7(%arg0: i32, %arg1: i32) -> (i32, i32) {
    %c0_i32 = arith.constant 0 : i32
    %c0_i32_0 = arith.constant 0 : i32
    %c0_i32_1 = arith.constant 0 : i32
    return %c0_i32, %c0_i32_0 : i32, i32
  }
  func.func @transform_8(%arg0: i32, %arg1: i32) -> (i32, i32) {
    %c0_i32 = arith.constant 0 : i32
    %c0_i32_0 = arith.constant 0 : i32
    %c0_i32_1 = arith.constant 0 : i32
    return %c0_i32, %c0_i32_0 : i32, i32
  }
}

module attributes {stable_mosaic.version = 14 : i64} {
  func.func @_gemm_kernel(%arg0: i32, %arg1: i32, %arg2: memref<48xi32, #tpu.memory_space<smem>>, %arg3: memref<48xi32, #tpu.memory_space<smem>>, %arg4: memref<256x1024xf32, #tpu.memory_space<vmem>>, %arg5: memref<1x1024x2048xbf16, #tpu.memory_space<vmem>>, %arg6: memref<1x1x2048xf32, #tpu.memory_space<vmem>>, %arg7: memref<1x2048x1024xbf16, #tpu.memory_space<vmem>>, %arg8: memref<1x1x1024xf32, #tpu.memory_space<vmem>>, %arg9: memref<256x1024xf32, #tpu.memory_space<vmem>>) attributes {dimension_semantics = [#tpu.dimension_semantics<arbitrary>, #tpu.dimension_semantics<arbitrary>], iteration_bounds = array<i64: 40, 2>, scalar_prefetch = 2 : i64, scratch_operands = 0 : i64, tpu.core_type = #tpu.core_type<tc>, window_params = [{transform_indices = @transform_0, window_bounds = array<i64: 256, 1024>}, {transform_indices = @transform_1, window_bounds = array<i64: 1, 1024, 2048>}, {transform_indices = @transform_2, window_bounds = array<i64: 1, 1, 2048>}, {transform_indices = @transform_3, window_bounds = array<i64: 1, 2048, 1024>}, {transform_indices = @transform_4, window_bounds = array<i64: 1, 1, 1024>}, {transform_indices = @transform_5, window_bounds = array<i64: 256, 1024>}]} {
    %get3A = arith.index_cast %arg0 : i32 to index
    %get3A_0 = memref.load %arg3[%get3A] : memref<48xi32, #tpu.memory_space<smem>>
    %eq3A = arith.constant 1 : i32
    %eq3A_1 = arith.cmpi eq, %get3A_0, %eq3A : i32
    %convert_element_type3A = arith.extui %eq3A_1 : i1 to i32
    %cond3A = arith.constant 0 : i32
    %cond3A_2 = arith.cmpi ne, %convert_element_type3A, %cond3A : i32
    scf.if %cond3A_2 {
      %get3A_3 = arith.constant 0 : index
      %get3A_4 = arith.constant 0 : index
      %get3A_5 = vector.load %arg4[%get3A_3, %get3A_4] : memref<256x1024xf32, #tpu.memory_space<vmem>>, vector<256x1024xf32>
      %convert_element_type3A_6 = arith.truncf %get3A_5 : vector<256x1024xf32> to vector<256x1024xbf16>
      %get3A_7 = arith.constant 0 : index
      %get3A_8 = arith.constant 0 : index
      %get3A_9 = arith.constant 0 : index
      %get3A_10 = vector.load %arg5[%get3A_7, %get3A_8, %get3A_9] : memref<1x1024x2048xbf16, #tpu.memory_space<vmem>>, vector<1x1024x2048xbf16>
      %get3A_11 = vector.shape_cast %get3A_10 : vector<1x1024x2048xbf16> to vector<1024x2048xbf16>
      %dot_general3A = arith.constant dense<0.000000e+00> : vector<256x2048xf32>
      %dot_general3A_12 = tpu.matmul %convert_element_type3A_6, %get3A_11, %dot_general3A {dimension_numbers = #tpu.dot_dimension_numbers<[1], [0], [0], [1], [0, 0, 1, 1], [], []>, transpose_lhs_hint = false} : vector<256x1024xbf16>, vector<1024x2048xbf16>, vector<256x2048xf32> -> vector<256x2048xf32>
      %get3A_13 = arith.constant 0 : index
      %get3A_14 = arith.constant 0 : index
      %get3A_15 = arith.constant 0 : index
      %get3A_16 = vector.load %arg6[%get3A_13, %get3A_14, %get3A_15] : memref<1x1x2048xf32, #tpu.memory_space<vmem>>, vector<1x1x2048xf32>
      %get3A_17 = vector.shape_cast %get3A_16 : vector<1x1x2048xf32> to vector<1x2048xf32>
      %add3A = vector.broadcast %get3A_17 : vector<1x2048xf32> to vector<256x2048xf32>
      %add3A_18 = arith.addf %dot_general3A_12, %add3A : vector<256x2048xf32>
      %mul3A = arith.constant 5.000000e-01 : f32
      %mul3A_19 = vector.broadcast %mul3A : f32 to vector<256x2048xf32>
      %mul3A_20 = arith.mulf %mul3A_19, %add3A_18 : vector<256x2048xf32>
      %mul3A_21 = arith.constant 0.707106769 : f32
      %mul3A_22 = vector.broadcast %mul3A_21 : f32 to vector<256x2048xf32>
      %mul3A_23 = arith.mulf %add3A_18, %mul3A_22 : vector<256x2048xf32>
      %erf3A = math.erf %mul3A_23 : vector<256x2048xf32>
      %add3A_24 = arith.constant 1.000000e+00 : f32
      %add3A_25 = vector.broadcast %add3A_24 : f32 to vector<256x2048xf32>
      %add3A_26 = arith.addf %add3A_25, %erf3A : vector<256x2048xf32>
      %mul3A_27 = arith.mulf %mul3A_20, %add3A_26 : vector<256x2048xf32>
      %convert_element_type3A_28 = arith.truncf %mul3A_27 : vector<256x2048xf32> to vector<256x2048xbf16>
      %get3A_29 = arith.constant 0 : index
      %get3A_30 = arith.constant 0 : index
      %get3A_31 = arith.constant 0 : index
      %get3A_32 = vector.load %arg7[%get3A_29, %get3A_30, %get3A_31] : memref<1x2048x1024xbf16, #tpu.memory_space<vmem>>, vector<1x2048x1024xbf16>
      %get3A_33 = vector.shape_cast %get3A_32 : vector<1x2048x1024xbf16> to vector<2048x1024xbf16>
      %dot_general3A_34 = arith.constant dense<0.000000e+00> : vector<256x1024xf32>
      %dot_general3A_35 = tpu.matmul %convert_element_type3A_28, %get3A_33, %dot_general3A_34 {dimension_numbers = #tpu.dot_dimension_numbers<[1], [0], [0], [1], [0, 0, 1, 1], [], []>, transpose_lhs_hint = false} : vector<256x2048xbf16>, vector<2048x1024xbf16>, vector<256x1024xf32> -> vector<256x1024xf32>
      %eq3A_36 = arith.constant 0 : i32
      %eq3A_37 = arith.cmpi eq, %arg1, %eq3A_36 : i32
      %convert_element_type3A_38 = arith.extui %eq3A_37 : i1 to i32
      %cond3A_39 = arith.constant 0 : i32
      %cond3A_40 = arith.cmpi ne, %convert_element_type3A_38, %cond3A_39 : i32
      scf.if %cond3A_40 {
        %get3A_45 = arith.constant 0 : index
        %get3A_46 = arith.constant 0 : index
        %get3A_47 = arith.constant 0 : index
        %get3A_48 = vector.load %arg8[%get3A_45, %get3A_46, %get3A_47] : memref<1x1x1024xf32, #tpu.memory_space<vmem>>, vector<1x1x1024xf32>
        %get3A_49 = vector.shape_cast %get3A_48 : vector<1x1x1024xf32> to vector<1x1024xf32>
        %add3A_50 = vector.broadcast %get3A_49 : vector<1x1024xf32> to vector<256x1024xf32>
        %add3A_51 = arith.addf %dot_general3A_35, %add3A_50 : vector<256x1024xf32>
        %swap3A = arith.constant 0 : index
        %swap3A_52 = arith.constant 0 : index
        %swap3A_53 = vector.load %arg9[%swap3A, %swap3A_52] : memref<256x1024xf32, #tpu.memory_space<vmem>>, vector<256x1024xf32>
        tpu.vector_store %arg9[%swap3A, %swap3A_52], %add3A_51 {strides = array<i32>} : memref<256x1024xf32, #tpu.memory_space<vmem>>, vector<256x1024xf32>,
      } else {
      }
      %gt3A = arith.constant 0 : i32
      %gt3A_41 = arith.cmpi sgt, %arg1, %gt3A : i32
      %convert_element_type3A_42 = arith.extui %gt3A_41 : i1 to i32
      %cond3A_43 = arith.constant 0 : i32
      %cond3A_44 = arith.cmpi ne, %convert_element_type3A_42, %cond3A_43 : i32
      scf.if %cond3A_44 {
        %get3A_45 = arith.constant 0 : index
        %get3A_46 = arith.constant 0 : index
        %get3A_47 = vector.load %arg9[%get3A_45, %get3A_46] : memref<256x1024xf32, #tpu.memory_space<vmem>>, vector<256x1024xf32>
        %add3A_48 = arith.addf %get3A_47, %dot_general3A_35 : vector<256x1024xf32>
        %swap3A = arith.constant 0 : index
        %swap3A_49 = arith.constant 0 : index
        %swap3A_50 = vector.load %arg9[%swap3A, %swap3A_49] : memref<256x1024xf32, #tpu.memory_space<vmem>>, vector<256x1024xf32>
        tpu.vector_store %arg9[%swap3A, %swap3A_49], %add3A_48 {strides = array<i32>} : memref<256x1024xf32, #tpu.memory_space<vmem>>, vector<256x1024xf32>,
      } else {
      }
    } else {
    }
    return
  }
  func.func @transform_0(%arg0: i32, %arg1: i32, %arg2: memref<48xi32, #tpu.memory_space<smem>>, %arg3: memref<48xi32, #tpu.memory_space<smem>>) -> (i32, i32) {
    %c0_i32 = arith.constant 0 : i32
    %c0_i32_0 = arith.constant 0 : i32
    return %arg0, %c0_i32 : i32, i32
  }
  func.func @transform_1(%arg0: i32, %arg1: i32, %arg2: memref<48xi32, #tpu.memory_space<smem>>, %arg3: memref<48xi32, #tpu.memory_space<smem>>) -> (i32, i32, i32) {
    %get3A = arith.index_cast %arg0 : i32 to index
    %get3A_0 = memref.load %arg2[%get3A] : memref<48xi32, #tpu.memory_space<smem>>
    %c0_i32 = arith.constant 0 : i32
    %c0_i32_1 = arith.constant 0 : i32
    return %get3A_0, %c0_i32, %arg1 : i32, i32, i32
  }
  func.func @transform_2(%arg0: i32, %arg1: i32, %arg2: memref<48xi32, #tpu.memory_space<smem>>, %arg3: memref<48xi32, #tpu.memory_space<smem>>) -> (i32, i32, i32) {
    %get3A = arith.index_cast %arg0 : i32 to index
    %get3A_0 = memref.load %arg2[%get3A] : memref<48xi32, #tpu.memory_space<smem>>
    %c0_i32 = arith.constant 0 : i32
    %c0_i32_1 = arith.constant 0 : i32
    return %get3A_0, %c0_i32, %arg1 : i32, i32, i32
  }
  func.func @transform_3(%arg0: i32, %arg1: i32, %arg2: memref<48xi32, #tpu.memory_space<smem>>, %arg3: memref<48xi32, #tpu.memory_space<smem>>) -> (i32, i32, i32) {
    %get3A = arith.index_cast %arg0 : i32 to index
    %get3A_0 = memref.load %arg2[%get3A] : memref<48xi32, #tpu.memory_space<smem>>
    %c0_i32 = arith.constant 0 : i32
    %c0_i32_1 = arith.constant 0 : i32
    return %get3A_0, %arg1, %c0_i32 : i32, i32, i32
  }
  func.func @transform_4(%arg0: i32, %arg1: i32, %arg2: memref<48xi32, #tpu.memory_space<smem>>, %arg3: memref<48xi32, #tpu.memory_space<smem>>) -> (i32, i32, i32) {
    %get3A = arith.index_cast %arg0 : i32 to index
    %get3A_0 = memref.load %arg2[%get3A] : memref<48xi32, #tpu.memory_space<smem>>
    %c0_i32 = arith.constant 0 : i32
    %c0_i32_1 = arith.constant 0 : i32
    %c0_i32_2 = arith.constant 0 : i32
    return %get3A_0, %c0_i32, %c0_i32_1 : i32, i32, i32
  }
  func.func @transform_5(%arg0: i32, %arg1: i32, %arg2: memref<48xi32, #tpu.memory_space<smem>>, %arg3: memref<48xi32, #tpu.memory_space<smem>>) -> (i32, i32) {
    %c0_i32 = arith.constant 0 : i32
    %c0_i32_0 = arith.constant 0 : i32
    return %arg0, %c0_i32 : i32, i32
  }
}

module attributes {stable_mosaic.version = 14 : i64} {
  func.func @_mix_kernel(%arg0: i32, %arg1: memref<512x1024xf32, #tpu.memory_space<vmem>>, %arg2: memref<512x1024xf32, #tpu.memory_space<vmem>>, %arg3: memref<512x1xf32, #tpu.memory_space<vmem>>, %arg4: memref<512x1xf32, #tpu.memory_space<vmem>>, %arg5: memref<512x1024xf32, #tpu.memory_space<vmem>>) attributes {dimension_semantics = [#tpu.dimension_semantics<arbitrary>], iteration_bounds = array<i64: 8>, scalar_prefetch = 0 : i64, scratch_operands = 0 : i64, tpu.core_type = #tpu.core_type<tc>, window_params = [{transform_indices = @transform_0, window_bounds = array<i64: 512, 1024>}, {transform_indices = @transform_1, window_bounds = array<i64: 512, 1024>}, {transform_indices = @transform_2, window_bounds = array<i64: 512, 1>}, {transform_indices = @transform_3, window_bounds = array<i64: 512, 1>}, {transform_indices = @transform_4, window_bounds = array<i64: 512, 1024>}]} {
    %get3A = arith.constant 0 : index
    %get3A_0 = arith.constant 0 : index
    %get3A_1 = vector.load %arg3[%get3A, %get3A_0] : memref<512x1xf32, #tpu.memory_space<vmem>>, vector<512x1xf32>
    %get3A_2 = arith.constant 0 : index
    %get3A_3 = arith.constant 0 : index
    %get3A_4 = vector.load %arg1[%get3A_2, %get3A_3] : memref<512x1024xf32, #tpu.memory_space<vmem>>, vector<512x1024xf32>
    %mul3A = vector.broadcast %get3A_1 : vector<512x1xf32> to vector<512x1024xf32>
    %mul3A_5 = arith.mulf %mul3A, %get3A_4 : vector<512x1024xf32>
    %get3A_6 = arith.constant 0 : index
    %get3A_7 = arith.constant 0 : index
    %get3A_8 = vector.load %arg4[%get3A_6, %get3A_7] : memref<512x1xf32, #tpu.memory_space<vmem>>, vector<512x1xf32>
    %get3A_9 = arith.constant 0 : index
    %get3A_10 = arith.constant 0 : index
    %get3A_11 = vector.load %arg2[%get3A_9, %get3A_10] : memref<512x1024xf32, #tpu.memory_space<vmem>>, vector<512x1024xf32>
    %mul3A_12 = vector.broadcast %get3A_8 : vector<512x1xf32> to vector<512x1024xf32>
    %mul3A_13 = arith.mulf %mul3A_12, %get3A_11 : vector<512x1024xf32>
    %add3A = arith.addf %mul3A_5, %mul3A_13 : vector<512x1024xf32>
    %swap3A = arith.constant 0 : index
    %swap3A_14 = arith.constant 0 : index
    %swap3A_15 = vector.load %arg5[%swap3A, %swap3A_14] : memref<512x1024xf32, #tpu.memory_space<vmem>>, vector<512x1024xf32>
    tpu.vector_store %arg5[%swap3A, %swap3A_14], %add3A {strides = array<i32>} : memref<512x1024xf32, #tpu.memory_space<vmem>>, vector<512x1024xf32>,
    return
  }
  func.func @transform_0(%arg0: i32) -> (i32, i32) {
    %c0_i32 = arith.constant 0 : i32
    %c0_i32_0 = arith.constant 0 : i32
    return %arg0, %c0_i32 : i32, i32
  }
  func.func @transform_1(%arg0: i32) -> (i32, i32) {
    %c0_i32 = arith.constant 0 : i32
    %c0_i32_0 = arith.constant 0 : i32
    return %arg0, %c0_i32 : i32, i32
  }
  func.func @transform_2(%arg0: i32) -> (i32, i32) {
    %c0_i32 = arith.constant 0 : i32
    %c0_i32_0 = arith.constant 0 : i32
    return %arg0, %c0_i32 : i32, i32
  }
  func.func @transform_3(%arg0: i32) -> (i32, i32) {
    %c0_i32 = arith.constant 0 : i32
    %c0_i32_0 = arith.constant 0 : i32
    return %arg0, %c0_i32 : i32, i32
  }
  func.func @transform_4(%arg0: i32) -> (i32, i32) {
    %c0_i32 = arith.constant 0 : i32
    %c0_i32_0 = arith.constant 0 : i32
    return %arg0, %c0_i32 : i32, i32
  }
}

</mosaic_0001>

<sc_bundles>
// kernel: kernel.10.cloned.1.call-start
scs
__scs_entry_jumppad:
0x0: {  	(pc) =	sbr.rel $0x88, $3  }
0x1: {  	(tag) =	ssettag $0x0;
	lr =	simm.s32 $0x1  }
0x2: {  	[smem:$0x3F9A] =	sst lr;
	_ =	strace $0xD0000000  }
0x3: {  	_ = 	snop  }
0x4: {  	_ = 	snop  }
0x5: {  	_ = 	snop  }
0x6: {  	_ = 	snop  }
0x7: {  	_ = 	snop  }
__scs_overlays_trampoline_lowered:
0x8: {  	[smem:$0x3FA9] =	sst s0  }
0x9: {  	[smem:$0x3FAA] =	sst s1  }
0xa: {  	[smem:$0x3FAB] =	sst s2  }
0xb: {  	[smem:$0x3FAC] =	sst s3  }
0xc: {  	[smem:$0x3FAD] =	sst s4  }
0xd: {  	[smem:$0x3FAE] =	sst s5  }
0xe: {  	[smem:$0x3FAF] =	sst s6  }
0xf: {  	[smem:$0x3FB0] =	sst s7  }
0x10: {  	[smem:$0x3FB1] =	sst s8  }
0x11: {  	[smem:$0x3FB2] =	sst s9;
	s0 =	simm.s32 @!p0 $0x0  }
0x12: {  	s1 =	sld [smem:$0x3F98];
	s0 =	simm.s32 @p0 $0x1  }
0x13: {  	[smem:$0x3FB3] =	sst s0;
	s0 =	simm.s32 @!p1 $0x0  }
0x14: {  	s2 =	sld [smem:$0x3F97];
	s0 =	simm.s32 @p1 $0x1  }
0x15: {  	[smem:$0x3FB4] =	sst s0;
	s0 =	simm.s32 @!p2 $0x0  }
0x16: {  	s3 =	sld [smem:$0x3FDB];
	s0 =	simm.s32 @p2 $0x1  }
0x17: {  	s4 =	simm.s32 $0x1BF5;
	[smem:$0x3FB6] =	sst s0  }
0x18: {  	s0 =	sld [smem:$0x3F99];
	_ =	swait.ge [sflag:s4], $0x0  }
0x19: {  	s7 =	sld [smem:$0x3F9A]  }
0x1a: {  	s8 =	sadd.s32 $0xFFFFE003, lr  }
0x1b: {  	s9 =	sadd.s32 $0xFFFFFEF7, lr;
	s5 =	simm.s32 $0xFFFFFFFF;
	p2 =	slt.u32 s8, $0xFFFFF086  }
0x1c: {  	p1 =	slt.u32 s9, $0xF7A;
	s5 =	simm.s32 @!p2 $0x0  }
0x1d: {  	s5 =	simm.s32 @p1 $0x1;
	p0 =	seq.s32 s7, s2  }
0x1e: {  	s7 =	smul.u32 @!p0 $0xF7A, s2;
	p2 =	seq.s32 @!p0 s5, $0x0  }
0x1f: {  	s9 =	smul.u32 $0xF7A, s1;
	s8 =	simm.s32 @!p0 $0x1BF5;
	p2 =	por !p2, p0  }
0x20: {  	[sflag:s8] =	ssyncset.s32 @!p0 $0xFFFFF086;
	s6 =	sadd.s32 @!p0 s3, s7;
	s7 =	simm.s32 @!p0 $0x108  }
0x21: {  	s3 =	sadd.s32 s3, s9;
	s6 =	sadd.s32 @!p0 $0x88, s6;
	s7 =	simm.s32 @p2 $0x1082  }
0x22: {  	[simem:s7], [sflag:s8] =	dma.local @!p0 [hbm:s6], $0xF7A  }
0x23: {  	s9 =	sor.u32 $0xD0000000, s2;
	s6 =	simm.s32 $0x108;
	_ =	swait.ge @!p0 [sflag:s8], $0x0  }
0x24: {  	s3 =	sadd.s32 $0x88, s3;
	s6 =	simm.s32 @!p1 $0x1082;
	[sflag:s4] =	ssyncset.s32 $0xFFFFF086  }
0x25: {  	[simem:s6], [sflag:s4] =	dma.local [hbm:s3], $0xF7A  }
0x26: {  	[smem:$0x3F9A] =	sst s1;
	(tag) =	ssettag s2;
	_ =	strace s9  }
0x27: {  	s1 =	sld [smem:$0x3FAA]  }
0x28: {  	s2 =	sld [smem:$0x3FAB]  }
0x29: {  	s4 =	sld [smem:$0x3FAD]  }
0x2a: {  	p0 =	seq.s32 s5, $0x0;
	s5 =	sld [smem:$0x3FAE]  }
0x2b: {  	s6 =	sld [smem:$0x3FAF]  }
0x2c: {  	s7 =	sld [smem:$0x3FB0]  }
0x2d: {  	s3 =	simm.s32 $0x108;
	s8 =	sld [smem:$0x3FB1]  }
0x2e: {  	s3 =	simm.s32 @!p0 $0x1082;
	s9 =	sld [smem:$0x3FB2]  }
0x2f: {  	lr =	sadd.s32 s0, s3;
	s0 =	sld [smem:$0x3FA9]  }
0x30: {  	s3 =	sld [smem:$0x3FAC]  }
0x31: {  	[smem:$0x3FB5] =	sst s10  }
0x32: {  	s10 =	sld [smem:$0x3FB3];
	_ =	sdelay $0x3  }
0x33: {  	p0 =	seq.s32 s10, $0x1;
	s10 =	sld [smem:$0x3FB5];
	_ =	sdelay $0x3  }
0x34: {  	[smem:$0x3FB5] =	sst s10  }
0x35: {  	s10 =	sld [smem:$0x3FB4];
	_ =	sdelay $0x3  }
0x36: {  	p1 =	seq.s32 s10, $0x1;
	s10 =	sld [smem:$0x3FB5];
	_ =	sdelay $0x3  }
0x37: {  	[smem:$0x3FB5] =	sst s10  }
0x38: {  	s10 =	sld [smem:$0x3FB6]  }
0x39: {  	_ = 	snop;
	(pc) =	sbr.ind lr, $3  }
0x3a: {  	_ = 	snop  }
0x3b: {  	_ = 	snop  }
0x3c: {  	p2 =	seq.s32 s10, $0x1;
	s10 =	sld [smem:$0x3FB5]  }
0x3d: {  	_ =	shalt  }
0x3e: {  	_ =	shalt  }
0x3f: {  	_ =	shalt  }
0x40: {  	_ =	shalt  }
0x41: {  	_ =	shalt  }
0x42: {  	_ =	shalt  }
0x43: {  	_ =	shalt  }
0x44: {  	_ =	shalt  }
0x45: {  	_ =	shalt  }
0x46: {  	_ =	shalt  }
0x47: {  	_ =	shalt  }
0x48: {  	_ =	shalt  }
0x49: {  	_ =	shalt  }
0x4a: {  	_ =	shalt  }
0x4b: {  	_ =	shalt  }
0x4c: {  	_ =	shalt  }
0x4d: {  	_ =	shalt  }
0x4e: {  	_ =	shalt  }
0x4f: {  	_ =	shalt  }
0x50: {  	_ =	shalt  }
0x51: {  	_ =	shalt  }
0x52: {  	_ =	shalt  }
0x53: {  	_ =	shalt  }
0x54: {  	_ =	shalt  }
0x55: {  	_ =	shalt  }
0x56: {  	_ =	shalt  }
0x57: {  	_ =	shalt  }
0x58: {  	_ =	shalt  }
0x59: {  	_ =	shalt  }
0x5a: {  	_ =	shalt  }
0x5b: {  	_ =	shalt  }
0x5c: {  	_ =	shalt  }
0x5d: {  	_ =	shalt  }
0x5e: {  	_ =	shalt  }
0x5f: {  	_ =	shalt  }
0x60: {  	_ =	shalt  }
0x61: {  	_ =	shalt  }
0x62: {  	_ =	shalt  }
0x63: {  	_ =	shalt  }
0x64: {  	_ =	shalt  }
0x65: {  	_ =	shalt  }
0x66: {  	_ =	shalt  }
0x67: {  	_ =	shalt  }
0x68: {  	_ =	shalt  }
0x69: {  	_ =	shalt  }
0x6a: {  	_ =	shalt  }
0x6b: {  	_ =	shalt  }
0x6c: {  	_ =	shalt  }
0x6d: {  	_ =	shalt  }
0x6e: {  	_ =	shalt  }
0x6f: {  	_ =	shalt  }
0x70: {  	_ =	shalt  }
0x71: {  	_ =	shalt  }
0x72: {  	_ =	shalt  }
0x73: {  	_ =	shalt  }
0x74: {  	_ =	shalt  }
0x75: {  	_ =	shalt  }
0x76: {  	_ =	shalt  }
0x77: {  	_ =	shalt  }
0x78: {  	_ =	shalt  }
0x79: {  	_ =	shalt  }
0x7a: {  	_ =	shalt  }
0x7b: {  	_ =	shalt  }
0x7c: {  	_ =	shalt  }
0x7d: {  	_ =	shalt  }
0x7e: {  	_ =	shalt  }
0x7f: {  	_ =	shalt  }
0x80: {  	_ =	shalt  }
0x81: {  	_ =	shalt  }
0x82: {  	_ =	shalt  }
0x83: {  	_ =	shalt  }
0x84: {  	_ =	shalt  }
0x85: {  	_ =	shalt  }
0x86: {  	_ =	shalt  }
0x87: {  	_ =	shalt  }
.Lfunc_end0:
.L_simem_size_0:
called_computation.1_lowered:
.L_overlay_start_0:
0x88: {  	s2 =	sld [smem:$0x3FD9]  }
0x89: {  	s3 =	sld [smem:$0x3FFE];
	_ =	sdelay $0x1  }
0x8a: {  	s1 =	srdreg.scid  }
0x8b: {  	s0 =	sand.u32 $0x1, s1  }
0x8c: {  	s17 =	sshll.u32 s0, $0xA;
	s2 =	sadd.s32 s3, s2  }
0x8d: {  	s2 =	sadd.s32 s2, s17  }
0x8e: {  	[smem:$0x3FC1] =	sst s2  }
0x8f: {  	_ = 	snop  }
0x90: {  	s2 =	sld [smem:$0x3FD0];
	(tm) =	ssettm $0x1  }
0x91: {  	s18 =	sld [smem:$0x3FFB];
	_ =	sdelay $0x3  }
0x92: {  	_ =	strace s18  }
0x93: {  	s3 =	sld [smem:$0x3FFC];
	_ =	sdelay $0x3  }
0x94: {  	_ =	strace s3  }
0x95: {  	s3 =	sld [smem:$0x3FFD];
	_ =	sdelay $0x3  }
0x96: {  	_ =	strace s3  }
0x97: {  	_ =	strace $0x8FFFFFFF  }
0x98: {  	s19 =	sld [smem:$0x3FDB];
	_ =	sdelay $0x1  }
0x99: {  	s4 =	simm.s32 $_scs_section_size  }
0x9a: {  	s5 =	simm.s32 $_size__tile_overlayer_lowered;
	s6 =	simm.s32 $_tile_overlayer_lowered  }
0x9b: {  	s22 =	simm.s32 $0x1BFF;
	s21 =	sshll.u32 s6, $0x1;
	s3 =	sadd.s32 s4, s19  }
0x9c: {  	s7 =	simm.s32 $0x0;
	s20 =	sshll.u32 s5, $0x1;
	s5 =	sadd.s32 s21, s3  }
0x9d: {  	[timem:s7], [sflag:s22] =	dma.local [hbm:s5], s20  }
0x9e: {  	_ =	swait.ge [sflag:s22], s20  }
0x9f: {  	s4 =	ssub.s32 $0x0, s20;
	[sflag:s22] =	ssyncset.done $0x0  }
0xa0: {  	[sflag:s22] =	ssyncadd.s32 s4;
	_ =	sdelay $0x1  }
0xa1: {  	s23 =	simm.s32 $0x1B8B  }
0xa2: {  	_ =	swait.ge [sflag:s23], $0x1  }
0xa3: {  	[sflag:s23] =	ssyncset.done $0x0  }
0xa4: {  	s25 =	simm.s32 $0x1B8E;
	s24 =	sld [smem:$0x3FFE];
	[sflag:s23] =	ssyncadd.s32 $0xFFFFFFFF  }
0xa5: {  	s26 =	simm.s32 $execute0_lowered;
	[smem:$0x3FD2] =	sst s25  }
0xa6: {  	s5 =	sshll.u32 s26, $0x1;
	_ =	strace $0x80000049;
	[dreg:$0x1] =	wrdreg $0xFFFFFFFF  }
0xa7: {  	s28 =	simm.s32 $_size_execute0_lowered;
	s3 =	sadd.s32 s3, s5;
	[dreg:$0x0] =	wrdreg $0x0  }
0xa8: {  	s5 =	sshll.u32 s28, $0x1;
	[dreg:$0x2] =	wrdreg s3  }
0xa9: {  	[dreg:$0x3] =	wrdreg s5  }
0xaa: {  	[dreg:$0x4] =	wrdreg $0xC0  }
0xab: {  	_ =	task [dreg:s7], $0x5FFFF  }
0xac: {  	[dreg:$0x1] =	wrdreg $0xFFFFFFFF  }
0xad: {  	[dreg:$0x0] =	wrdreg $0x60  }
0xae: {  	[dreg:$0x2] =	wrdreg s24  }
0xaf: {  	[dreg:$0x3] =	wrdreg s2  }
0xb0: {  	[dreg:$0x4] =	wrdreg $0x9  }
0xb1: {  	_ =	task.clear_ibuf [dreg:s7], $0x5FFFF;
	_ =	strace $0x90000049  }
0xb2: {  	s29 =	simm.s32 $0x9;
	_ =	strace $0x8000004B  }
0xb3: {  	_ =	swait.ge [sflag:s29], $0x1  }
0xb4: {  	[sflag:s29] =	ssyncadd.s32 $0xFFFFFFFF  }
0xb5: {  	_ =	strace $0x9000004B  }
0xb6: {  	_ =	sfence  }
0xb7: {  	s30 =	sld [smem:$0x0];
	_ =	sdelay $0x2  }
0xb8: {  	s31 =	sshll.u32 s1, $0xD;
	s1 =	sshrl.u32 s1, $0x2  }
0xb9: {  	s3 =	sand.u32 $0x4000, s31;
	s1 =	sadd.s32 s1, s30  }
0xba: {  	s0 =	sor.u32 s3, s0;
	s1 =	sshll.u32 s1, $0x11  }
0xbb: {  	s0 =	sor.u32 s1, s0  }
0xbc: {  	s0 =	sadd.s32 $0x8F2B, s0  }
0xbd: {  	[sflag:s0] =	ssyncadd.remote.s32 $0x1  }
0xbe: {  	_ =	sfence.sel $0xFFFF  }
0xbf: {  	[dreg:$0x0] =	wrdreg $0xFFFFFFFF;
	(pc) =	sbr.abs _section_cstart, $3  }
0xc0: {  	[dreg:$0x1] =	wrdreg $0xFFFFFFFF  }
0xc1: {  	_ =	task.clear_ibuf [dreg:s7], $0x2FFFF;
	_ =	strace $0x9FFFFFFF  }
0xc2: {  	(tm) =	ssettm $0x7FFFFFFF  }
0xc3: {  	_ =	shalt  }
tec
execute0_lowered:
.L_overlay_start_1:
0x0: {  	(tag) =	ssettag $0x1  }
0x1: {  	s1 =	srdreg.scid;
	s6 =	rddreg [dreg:$0x0]  }
0x2: {  	s0 =	stileid.u32;
	s10 =	rddreg [dreg:$0x1];
	s28 =	simm.s32 $0x5A00  }
0x3: {  	s29 =	simm.s32 $0x6200;
	s30 =	simm.s32 $0x6A00;
	s1 =	sand.u32 $0x1, s1  }
0x4: {  	s31 =	simm.s32 $0x7200;
	s2 =	sshll.u32 s0, $0x8;
	s3 =	sshll.u32 s1, $0x7  }
0x5: {  	s11 =	sadd.s32 $0x21200, s6;
	s1 =	ssub.s32 $0x2, s1;
	s3 =	sor.u32 s3, s2  }
0x6: {  	s2 =	simm.s32 $0x0;
	s7 =	sshrl.u32 s1, $0x1;
	s4 =	sshrl.u32 s3, $0x3  }
0x7: {  	[smem:$0x7FF] =	sst s2;
	s8 =	sshll.u32 s3, $0x7;
	s1 =	ssub.s32 s1, s7  }
0x8: {  	s4 =	sadd.s32 s4, s6;
	_ =	strace $0x8000004A;
	s3 =	sadd.s32 s10, s8  }
0x9: {  	s13 =	sadd.s32 s11, s8;
	s14 =	sor.u32 $0x800, s8;
	s17 =	sor.u32 $0x1000, s8  }
0xa: {  	s20 =	sor.u32 $0x1800, s8;
	s23 =	sor.u32 $0x2000, s8;
	s25 =	sor.u32 $0x2800, s8  }
0xb: {  	s26 =	sor.u32 $0x3000, s8;
	s12 =	sor.u32 $0x3800, s8;
	[dreg:$0x5] =	wrdreg s3  }
0xc: {  	s5 =	sadd.s32 $0x20E00, s4;
	s4 =	sadd.s32 $0x21000, s4;
	[dreg:$0x6] =	wrdreg s13  }
0xd: {  	s3 =	sadd.s32 $0x561200, s6;
	s15 =	sadd.s32 s10, s14;
	[dreg:$0x3] =	wrdreg s5  }
0xe: {  	s16 =	sadd.s32 s11, s14;
	s18 =	sadd.s32 s10, s17;
	[dreg:$0x4] =	wrdreg s4  }
0xf: {  	s19 =	sadd.s32 s11, s17;
	s21 =	sadd.s32 s10, s20;
	[dreg:$0x7] =	wrdreg s15  }
0x10: {  	s22 =	sadd.s32 s11, s20;
	s24 =	sadd.s32 s10, s23;
	[dreg:$0x8] =	wrdreg s16  }
0x11: {  	s9 =	sadd.s32 s10, s25;
	s7 =	sadd.s32 s11, s25;
	[dreg:$0x9] =	wrdreg s18  }
0x12: {  	s8 =	sadd.s32 s10, s26;
	s10 =	sadd.s32 s10, s12;
	[dreg:$0xa] =	wrdreg s19  }
0x13: {  	s13 =	simm.s32 $0x2;
	s14 =	simm.s32 $0x80;
	[dreg:$0xb] =	wrdreg s21  }
0x14: {  	s17 =	simm.s32 $0x1200;
	s20 =	simm.s32 $0x2A00;
	[dreg:$0xc] =	wrdreg s22  }
0x15: {  	s25 =	simm.s32 $0x4A00;
	[dreg:$0xd] =	wrdreg s24;
	s5 =	sadd.s32 s11, s23  }
0x16: {  	s4 =	sadd.s32 $0x561300, s6;
	[dreg:$0xf] =	wrdreg s9;
	s9 =	sadd.s32 s11, s26  }
0x17: {  	s11 =	sadd.s32 s11, s12;
	s12 =	smax.u32 s1, $0x1;
	s15 =	simm.s32 $0x200  }
0x18: {  	s16 =	simm.s32 $0xA00;
	s18 =	simm.s32 $0x1A00;
	s19 =	simm.s32 $0x2200  }
0x19: {  	v2 =	vlaneseq.u32;
	s21 =	simm.s32 $0x3200;
	s22 =	simm.s32 $0x3A00;
	s23 =	simm.s32 $0x1  }
0x1a: {  	vm0 =	vmmov $0xffff;
	v1 =	vshrl.u32 v2, $0x3;
	s24 =	simm.s32 $0x4200;
	s26 =	simm.s32 $0x5200;
	s1 =	simm.s32 $0x7A00  }
0x1b: {  	v0 =	vand.u32 $0x7, v2;
	v2 =	vor.u32 $0x8, v2;
	v1 =	vmul.u32 $0x8, v1;
	[dreg:$0xe] =	wrdreg s5;
	s5 =	sadd.s32 $0x561400, s6;
	s6 =	sadd.s32 $0x561500, s6  }
.LBB2_1:
0x1c: {  	s0 =	rddreg [dreg:$0x3]  }
0x1d: {  	[tilespmem:s2], [sflag:$0x2] =	stream.linear.gather [hbm4b:s0+s2], $0x80, $0x38;
	[tilespmem:$0x8200] =	vst v63  }
0x1e: {  	_ =	swait.ge [sflag:s13], $0x80  }
0x1f: {  	[sflag:s13] =	ssyncset.done $0x0  }
0x20: {  	s0 =	rddreg [dreg:$0x4];
	[sflag:s13] =	ssyncadd.s32 $0xFFFFFF80  }
0x21: {  	[tilespmem:s14], [sflag:$0x2] =	stream.linear.gather [hbm4b:s0+s2], $0x80, $0x38;
	[tilespmem:$0x8200] =	vst v63  }
0x22: {  	_ =	swait.ge [sflag:s13], $0x80  }
0x23: {  	[sflag:s13] =	ssyncset.done $0x0  }
0x24: {  	[sflag:s13] =	ssyncadd.s32 $0xFFFFFF80  }
0x25: {  	v3 =	vld [tilespmem:$0x0];
	_ =	sdelay $0x4  }
0x26: {  	[tilespmem:$0x100] =	vst v3  }
0x27: {  	v3 =	vld [tilespmem:$0x100];
	_ =	sdelay $0x4  }
0x28: {  	v4 =	vshll.u32 v3, $0x3  }
0x29: {  	v3 =	vand.u32 $0x7, v3;
	v4 =	vand.u32 $0xFFFFFFC0, v4  }
0x2a: {  	v3 =	vor.u32 v3, v4  }
0x2b: {  	v4 =	vperm.xlane v3, v0  }
0x2c: {  	v5 =	vld [tilespmem:$0x80]  }
0x2d: {  	v4 =	vadd.s32 v1, v4;
	_ =	sdelay $0x3  }
0x2e: {  	[tilespmem:$0x180] =	vst v5  }
0x2f: {  	[tilespmem:s15], [sflag:$0x1] =	stream.indirect_vreg.gather [hbm4b:s3+s2], $0x80, v4, vm0, $0xb8;
	[tilespmem:$0x8200] =	vst v63  }
0x30: {  	v3 =	vperm.xlane v3, v2  }
0x31: {  	[tilespmem:s16], [sflag:$0x1] =	stream.indirect_vreg.gather [hbm4b:s4+s2], $0x80, v4, vm0, $0xb8;
	[tilespmem:$0x8200] =	vst v63  }
0x32: {  	v3 =	vadd.s32 v1, v3  }
0x33: {  	[tilespmem:s17], [sflag:$0x1] =	stream.indirect_vreg.gather [hbm4b:s5+s2], $0x80, v4, vm0, $0xb8;
	[tilespmem:$0x8200] =	vst v63  }
0x34: {  	_ = 	snop  }
0x35: {  	[tilespmem:s18], [sflag:$0x1] =	stream.indirect_vreg.gather [hbm4b:s6+s2], $0x80, v4, vm0, $0xb8;
	[tilespmem:$0x8200] =	vst v63  }
0x36: {  	_ = 	snop  }
0x37: {  	[tilespmem:s19], [sflag:$0x1] =	stream.indirect_vreg.gather [hbm4b:s3+s2], $0x80, v3, vm0, $0xb8;
	[tilespmem:$0x8200] =	vst v63  }
0x38: {  	_ = 	snop  }
0x39: {  	[tilespmem:s20], [sflag:$0x1] =	stream.indirect_vreg.gather [hbm4b:s4+s2], $0x80, v3, vm0, $0xb8;
	[tilespmem:$0x8200] =	vst v63  }
0x3a: {  	_ = 	snop  }
0x3b: {  	[tilespmem:s21], [sflag:$0x1] =	stream.indirect_vreg.gather [hbm4b:s5+s2], $0x80, v3, vm0, $0xb8;
	[tilespmem:$0x8200] =	vst v63  }
0x3c: {  	_ = 	snop  }
0x3d: {  	[tilespmem:s22], [sflag:$0x1] =	stream.indirect_vreg.gather [hbm4b:s6+s2], $0x80, v3, vm0, $0xb8;
	[tilespmem:$0x8200] =	vst v63  }
0x3e: {  	_ =	swait.ge [sflag:s23], $0x4000  }
0x3f: {  	[sflag:s23] =	ssyncset.done $0x0  }
0x40: {  	[sflag:s23] =	ssyncadd.s32 $0xFFFFC000  }
0x41: {  	v3 =	vld [tilespmem:$0x180];
	_ =	sdelay $0x4  }
0x42: {  	v42 =	vshll.u32 v3, $0x3  }
0x43: {  	v3 =	vand.u32 $0x7, v3;
	v4 =	vand.u32 $0xFFFFFFC0, v42  }
0x44: {  	v3 =	vor.u32 v3, v4  }
0x45: {  	v4 =	vperm.xlane v3, v0;
	_ =	sdelay $0x1  }
0x46: {  	v4 =	vadd.s32 v1, v4;
	_ =	sdelay $0x4  }
0x47: {  	[tilespmem:s24], [sflag:$0x1] =	stream.indirect_vreg.gather [hbm4b:s3+s2], $0x80, v4, vm0, $0xb8;
	[tilespmem:$0x8200] =	vst v63  }
0x48: {  	v3 =	vperm.xlane v3, v2  }
0x49: {  	[tilespmem:s25], [sflag:$0x1] =	stream.indirect_vreg.gather [hbm4b:s4+s2], $0x80, v4, vm0, $0xb8;
	[tilespmem:$0x8200] =	vst v63  }
0x4a: {  	v3 =	vadd.s32 v1, v3  }
0x4b: {  	[tilespmem:s26], [sflag:$0x1] =	stream.indirect_vreg.gather [hbm4b:s5+s2], $0x80, v4, vm0, $0xb8;
	[tilespmem:$0x8200] =	vst v63  }
0x4c: {  	_ = 	snop  }
0x4d: {  	[tilespmem:s28], [sflag:$0x1] =	stream.indirect_vreg.gather [hbm4b:s6+s2], $0x80, v4, vm0, $0xb8;
	[tilespmem:$0x8200] =	vst v63  }
0x4e: {  	_ = 	snop  }
0x4f: {  	[tilespmem:s29], [sflag:$0x1] =	stream.indirect_vreg.gather [hbm4b:s3+s2], $0x80, v3, vm0, $0xb8;
	[tilespmem:$0x8200] =	vst v63  }
0x50: {  	_ = 	snop  }
0x51: {  	[tilespmem:s30], [sflag:$0x1] =	stream.indirect_vreg.gather [hbm4b:s4+s2], $0x80, v3, vm0, $0xb8;
	[tilespmem:$0x8200] =	vst v63  }
0x52: {  	_ = 	snop  }
0x53: {  	[tilespmem:s31], [sflag:$0x1] =	stream.indirect_vreg.gather [hbm4b:s5+s2], $0x80, v3, vm0, $0xb8;
	[tilespmem:$0x8200] =	vst v63  }
0x54: {  	_ = 	snop  }
0x55: {  	[tilespmem:s1], [sflag:$0x1] =	stream.indirect_vreg.gather [hbm4b:s6+s2], $0x80, v3, vm0, $0xb8;
	[tilespmem:$0x8200] =	vst v63  }
0x56: {  	_ =	swait.ge [sflag:s23], $0x4000  }
0x57: {  	[sflag:s23] =	ssyncset.done $0x0  }
0x58: {  	s0 =	rddreg [dreg:$0x5];
	[sflag:s23] =	ssyncadd.s32 $0xFFFFC000  }
0x59: {  	[hbm4b:s0+s2] =	stream.linear.scatter [tilespmem:s15], [sflag:$0x2], $0x4000, $0x38;
	[tilespmem:$0x8200] =	vst v63  }
0x5a: {  	_ =	swait.ge [sflag:s13], $0x4000  }
0x5b: {  	[sflag:s13] =	ssyncset.done $0x0  }
0x5c: {  	s0 =	rddreg [dreg:$0x6];
	[sflag:s13] =	ssyncadd.s32 $0xFFFFC000  }
0x5d: {  	[hbm4b:s0+s2] =	stream.linear.scatter [tilespmem:s24], [sflag:$0x2], $0x4000, $0x38;
	[tilespmem:$0x8200] =	vst v63  }
0x5e: {  	_ =	swait.ge [sflag:s13], $0x4000  }
0x5f: {  	[sflag:s13] =	ssyncset.done $0x0  }
0x60: {  	[sflag:s13] =	ssyncadd.s32 $0xFFFFC000  }
0x61: {  	v3 =	vld [tilespmem:$0x10];
	_ =	sdelay $0x4  }
0x62: {  	[tilespmem:$0x100] =	vst v3  }
0x63: {  	v3 =	vld [tilespmem:$0x100];
	_ =	sdelay $0x4  }
0x64: {  	v43 =	vshll.u32 v3, $0x3  }
0x65: {  	v3 =	vand.u32 $0x7, v3;
	v4 =	vand.u32 $0xFFFFFFC0, v43  }
0x66: {  	v3 =	vor.u32 v3, v4  }
0x67: {  	v4 =	vperm.xlane v3, v0  }
0x68: {  	v44 =	vld [tilespmem:$0x90]  }
0x69: {  	v4 =	vadd.s32 v1, v4;
	_ =	sdelay $0x3  }
0x6a: {  	[tilespmem:$0x180] =	vst v44  }
0x6b: {  	[tilespmem:s15], [sflag:$0x1] =	stream.indirect_vreg.gather [hbm4b:s3+s2], $0x80, v4, vm0, $0xb8;
	[tilespmem:$0x8200] =	vst v63  }
0x6c: {  	v3 =	vperm.xlane v3, v2  }
0x6d: {  	[tilespmem:s16], [sflag:$0x1] =	stream.indirect_vreg.gather [hbm4b:s4+s2], $0x80, v4, vm0, $0xb8;
	[tilespmem:$0x8200] =	vst v63  }
0x6e: {  	v3 =	vadd.s32 v1, v3  }
0x6f: {  	[tilespmem:s17], [sflag:$0x1] =	stream.indirect_vreg.gather [hbm4b:s5+s2], $0x80, v4, vm0, $0xb8;
	[tilespmem:$0x8200] =	vst v63  }
0x70: {  	_ = 	snop  }
0x71: {  	[tilespmem:s18], [sflag:$0x1] =	stream.indirect_vreg.gather [hbm4b:s6+s2], $0x80, v4, vm0, $0xb8;
	[tilespmem:$0x8200] =	vst v63  }
0x72: {  	_ = 	snop  }
0x73: {  	[tilespmem:s19], [sflag:$0x1] =	stream.indirect_vreg.gather [hbm4b:s3+s2], $0x80, v3, vm0, $0xb8;
	[tilespmem:$0x8200] =	vst v63  }
0x74: {  	_ = 	snop  }
0x75: {  	[tilespmem:s20], [sflag:$0x1] =	stream.indirect_vreg.gather [hbm4b:s4+s2], $0x80, v3, vm0, $0xb8;
	[tilespmem:$0x8200] =	vst v63  }
0x76: {  	_ = 	snop  }
0x77: {  	[tilespmem:s21], [sflag:$0x1] =	stream.indirect_vreg.gather [hbm4b:s5+s2], $0x80, v3, vm0, $0xb8;
	[tilespmem:$0x8200] =	vst v63  }
0x78: {  	_ = 	snop  }
0x79: {  	[tilespmem:s22], [sflag:$0x1] =	stream.indirect_vreg.gather [hbm4b:s6+s2], $0x80, v3, vm0, $0xb8;
	[tilespmem:$0x8200] =	vst v63  }
0x7a: {  	_ =	swait.ge [sflag:s23], $0x4000  }
0x7b: {  	[sflag:s23] =	ssyncset.done $0x0  }
0x7c: {  	[sflag:s23] =	ssyncadd.s32 $0xFFFFC000  }
0x7d: {  	v3 =	vld [tilespmem:$0x180];
	_ =	sdelay $0x4  }
0x7e: {  	v45 =	vshll.u32 v3, $0x3  }
0x7f: {  	v3 =	vand.u32 $0x7, v3;
	v4 =	vand.u32 $0xFFFFFFC0, v45  }
0x80: {  	v3 =	vor.u32 v3, v4  }
0x81: {  	v4 =	vperm.xlane v3, v0;
	_ =	sdelay $0x1  }
0x82: {  	v4 =	vadd.s32 v1, v4;
	_ =	sdelay $0x4  }
0x83: {  	[tilespmem:s24], [sflag:$0x1] =	stream.indirect_vreg.gather [hbm4b:s3+s2], $0x80, v4, vm0, $0xb8;
	[tilespmem:$0x8200] =	vst v63  }
0x84: {  	v3 =	vperm.xlane v3, v2  }
0x85: {  	[tilespmem:s25], [sflag:$0x1] =	stream.indirect_vreg.gather [hbm4b:s4+s2], $0x80, v4, vm0, $0xb8;
	[tilespmem:$0x8200] =	vst v63  }
0x86: {  	v3 =	vadd.s32 v1, v3  }
0x87: {  	[tilespmem:s26], [sflag:$0x1] =	stream.indirect_vreg.gather [hbm4b:s5+s2], $0x80, v4, vm0, $0xb8;
	[tilespmem:$0x8200] =	vst v63  }
0x88: {  	_ = 	snop  }
0x89: {  	[tilespmem:s28], [sflag:$0x1] =	stream.indirect_vreg.gather [hbm4b:s6+s2], $0x80, v4, vm0, $0xb8;
	[tilespmem:$0x8200] =	vst v63  }
0x8a: {  	_ = 	snop  }
0x8b: {  	[tilespmem:s29], [sflag:$0x1] =	stream.indirect_vreg.gather [hbm4b:s3+s2], $0x80, v3, vm0, $0xb8;
	[tilespmem:$0x8200] =	vst v63  }
0x8c: {  	_ = 	snop  }
0x8d: {  	[tilespmem:s30], [sflag:$0x1] =	stream.indirect_vreg.gather [hbm4b:s4+s2], $0x80, v3, vm0, $0xb8;
	[tilespmem:$0x8200] =	vst v63  }
0x8e: {  	_ = 	snop  }
0x8f: {  	[tilespmem:s31], [sflag:$0x1] =	stream.indirect_vreg.gather [hbm4b:s5+s2], $0x80, v3, vm0, $0xb8;
	[tilespmem:$0x8200] =	vst v63  }
0x90: {  	_ = 	snop  }
0x91: {  	[tilespmem:s1], [sflag:$0x1] =	stream.indirect_vreg.gather [hbm4b:s6+s2], $0x80, v3, vm0, $0xb8;
	[tilespmem:$0x8200] =	vst v63  }
0x92: {  	_ =	swait.ge [sflag:s23], $0x4000  }
0x93: {  	[sflag:s23] =	ssyncset.done $0x0  }
0x94: {  	s0 =	rddreg [dreg:$0x7];
	[sflag:s23] =	ssyncadd.s32 $0xFFFFC000  }
0x95: {  	[hbm4b:s0+s2] =	stream.linear.scatter [tilespmem:s15], [sflag:$0x2], $0x4000, $0x38;
	[tilespmem:$0x8200] =	vst v63  }
0x96: {  	_ =	swait.ge [sflag:s13], $0x4000  }
0x97: {  	[sflag:s13] =	ssyncset.done $0x0  }
0x98: {  	s0 =	rddreg [dreg:$0x8];
	[sflag:s13] =	ssyncadd.s32 $0xFFFFC000  }
0x99: {  	[hbm4b:s0+s2] =	stream.linear.scatter [tilespmem:s24], [sflag:$0x2], $0x4000, $0x38;
	[tilespmem:$0x8200] =	vst v63  }
0x9a: {  	_ =	swait.ge [sflag:s13], $0x4000  }
0x9b: {  	[sflag:s13] =	ssyncset.done $0x0  }
0x9c: {  	[sflag:s13] =	ssyncadd.s32 $0xFFFFC000  }
0x9d: {  	v3 =	vld [tilespmem:$0x20];
	_ =	sdelay $0x4  }
0x9e: {  	[tilespmem:$0x100] =	vst v3  }
0x9f: {  	v3 =	vld [tilespmem:$0x100];
	_ =	sdelay $0x4  }
0xa0: {  	v46 =	vshll.u32 v3, $0x3  }
0xa1: {  	v3 =	vand.u32 $0x7, v3;
	v4 =	vand.u32 $0xFFFFFFC0, v46  }
0xa2: {  	v3 =	vor.u32 v3, v4  }
0xa3: {  	v4 =	vperm.xlane v3, v0  }
0xa4: {  	v47 =	vld [tilespmem:$0xA0]  }
0xa5: {  	v4 =	vadd.s32 v1, v4;
	_ =	sdelay $0x3  }
0xa6: {  	[tilespmem:$0x180] =	vst v47  }
0xa7: {  	[tilespmem:s15], [sflag:$0x1] =	stream.indirect_vreg.gather [hbm4b:s3+s2], $0x80, v4, vm0, $0xb8;
	[tilespmem:$0x8200] =	vst v63  }
0xa8: {  	v3 =	vperm.xlane v3, v2  }
0xa9: {  	[tilespmem:s16], [sflag:$0x1] =	stream.indirect_vreg.gather [hbm4b:s4+s2], $0x80, v4, vm0, $0xb8;
	[tilespmem:$0x8200] =	vst v63  }
0xaa: {  	v3 =	vadd.s32 v1, v3  }
0xab: {  	[tilespmem:s17], [sflag:$0x1] =	stream.indirect_vreg.gather [hbm4b:s5+s2], $0x80, v4, vm0, $0xb8;
	[tilespmem:$0x8200] =	vst v63  }
0xac: {  	_ = 	snop  }
0xad: {  	[tilespmem:s18], [sflag:$0x1] =	stream.indirect_vreg.gather [hbm4b:s6+s2], $0x80, v4, vm0, $0xb8;
	[tilespmem:$0x8200] =	vst v63  }
0xae: {  	_ = 	snop  }
0xaf: {  	[tilespmem:s19], [sflag:$0x1] =	stream.indirect_vreg.gather [hbm4b:s3+s2], $0x80, v3, vm0, $0xb8;
	[tilespmem:$0x8200] =	vst v63  }
0xb0: {  	_ = 	snop  }
0xb1: {  	[tilespmem:s20], [sflag:$0x1] =	stream.indirect_vreg.gather [hbm4b:s4+s2], $0x80, v3, vm0, $0xb8;
	[tilespmem:$0x8200] =	vst v63  }
0xb2: {  	_ = 	snop  }
0xb3: {  	[tilespmem:s21], [sflag:$0x1] =	stream.indirect_vreg.gather [hbm4b:s5+s2], $0x80, v3, vm0, $0xb8;
	[tilespmem:$0x8200] =	vst v63  }
0xb4: {  	_ = 	snop  }
0xb5: {  	[tilespmem:s22], [sflag:$0x1] =	stream.indirect_vreg.gather [hbm4b:s6+s2], $0x80, v3, vm0, $0xb8;
	[tilespmem:$0x8200] =	vst v63  }
0xb6: {  	_ =	swait.ge [sflag:s23], $0x4000  }
0xb7: {  	[sflag:s23] =	ssyncset.done $0x0  }
0xb8: {  	[sflag:s23] =	ssyncadd.s32 $0xFFFFC000  }
0xb9: {  	v3 =	vld [tilespmem:$0x180];
	_ =	sdelay $0x4  }
0xba: {  	v48 =	vshll.u32 v3, $0x3  }
0xbb: {  	v3 =	vand.u32 $0x7, v3;
	v4 =	vand.u32 $0xFFFFFFC0, v48  }
0xbc: {  	v3 =	vor.u32 v3, v4  }
0xbd: {  	v4 =	vperm.xlane v3, v0;
	_ =	sdelay $0x1  }
0xbe: {  	v4 =	vadd.s32 v1, v4;
	_ =	sdelay $0x4  }
0xbf: {  	[tilespmem:s24], [sflag:$0x1] =	stream.indirect_vreg.gather [hbm4b:s3+s2], $0x80, v4, vm0, $0xb8;
	[tilespmem:$0x8200] =	vst v63  }
0xc0: {  	v3 =	vperm.xlane v3, v2  }
0xc1: {  	[tilespmem:s25], [sflag:$0x1] =	stream.indirect_vreg.gather [hbm4b:s4+s2], $0x80, v4, vm0, $0xb8;
	[tilespmem:$0x8200] =	vst v63  }
0xc2: {  	v3 =	vadd.s32 v1, v3  }
0xc3: {  	[tilespmem:s26], [sflag:$0x1] =	stream.indirect_vreg.gather [hbm4b:s5+s2], $0x80, v4, vm0, $0xb8;
	[tilespmem:$0x8200] =	vst v63  }
0xc4: {  	_ = 	snop  }
0xc5: {  	[tilespmem:s28], [sflag:$0x1] =	stream.indirect_vreg.gather [hbm4b:s6+s2], $0x80, v4, vm0, $0xb8;
	[tilespmem:$0x8200] =	vst v63  }
0xc6: {  	_ = 	snop  }
0xc7: {  	[tilespmem:s29], [sflag:$0x1] =	stream.indirect_vreg.gather [hbm4b:s3+s2], $0x80, v3, vm0, $0xb8;
	[tilespmem:$0x8200] =	vst v63  }
0xc8: {  	_ = 	snop  }
0xc9: {  	[tilespmem:s30], [sflag:$0x1] =	stream.indirect_vreg.gather [hbm4b:s4+s2], $0x80, v3, vm0, $0xb8;
	[tilespmem:$0x8200] =	vst v63  }
0xca: {  	_ = 	snop  }
0xcb: {  	[tilespmem:s31], [sflag:$0x1] =	stream.indirect_vreg.gather [hbm4b:s5+s2], $0x80, v3, vm0, $0xb8;
	[tilespmem:$0x8200] =	vst v63  }
0xcc: {  	_ = 	snop  }
0xcd: {  	[tilespmem:s1], [sflag:$0x1] =	stream.indirect_vreg.gather [hbm4b:s6+s2], $0x80, v3, vm0, $0xb8;
	[tilespmem:$0x8200] =	vst v63  }
0xce: {  	_ =	swait.ge [sflag:s23], $0x4000  }
0xcf: {  	[sflag:s23] =	ssyncset.done $0x0  }
0xd0: {  	s0 =	rddreg [dreg:$0x9];
	[sflag:s23] =	ssyncadd.s32 $0xFFFFC000  }
0xd1: {  	[hbm4b:s0+s2] =	stream.linear.scatter [tilespmem:s15], [sflag:$0x2], $0x4000, $0x38;
	[tilespmem:$0x8200] =	vst v63  }
0xd2: {  	_ =	swait.ge [sflag:s13], $0x4000  }
0xd3: {  	[sflag:s13] =	ssyncset.done $0x0  }
0xd4: {  	s0 =	rddreg [dreg:$0xa];
	[sflag:s13] =	ssyncadd.s32 $0xFFFFC000  }
0xd5: {  	[hbm4b:s0+s2] =	stream.linear.scatter [tilespmem:s24], [sflag:$0x2], $0x4000, $0x38;
	[tilespmem:$0x8200] =	vst v63  }
0xd6: {  	_ =	swait.ge [sflag:s13], $0x4000  }
0xd7: {  	[sflag:s13] =	ssyncset.done $0x0  }
0xd8: {  	[sflag:s13] =	ssyncadd.s32 $0xFFFFC000  }
0xd9: {  	v3 =	vld [tilespmem:$0x30];
	_ =	sdelay $0x4  }
0xda: {  	[tilespmem:$0x100] =	vst v3  }
0xdb: {  	v3 =	vld [tilespmem:$0x100];
	_ =	sdelay $0x4  }
0xdc: {  	v49 =	vshll.u32 v3, $0x3  }
0xdd: {  	v3 =	vand.u32 $0x7, v3;
	v4 =	vand.u32 $0xFFFFFFC0, v49  }
0xde: {  	v3 =	vor.u32 v3, v4  }
0xdf: {  	v4 =	vperm.xlane v3, v0  }
0xe0: {  	v50 =	vld [tilespmem:$0xB0]  }
0xe1: {  	v4 =	vadd.s32 v1, v4;
	_ =	sdelay $0x3  }
0xe2: {  	[tilespmem:$0x180] =	vst v50  }
0xe3: {  	[tilespmem:s15], [sflag:$0x1] =	stream.indirect_vreg.gather [hbm4b:s3+s2], $0x80, v4, vm0, $0xb8;
	[tilespmem:$0x8200] =	vst v63  }
0xe4: {  	v3 =	vperm.xlane v3, v2  }
0xe5: {  	[tilespmem:s16], [sflag:$0x1] =	stream.indirect_vreg.gather [hbm4b:s4+s2], $0x80, v4, vm0, $0xb8;
	[tilespmem:$0x8200] =	vst v63  }
0xe6: {  	v3 =	vadd.s32 v1, v3  }
0xe7: {  	[tilespmem:s17], [sflag:$0x1] =	stream.indirect_vreg.gather [hbm4b:s5+s2], $0x80, v4, vm0, $0xb8;
	[tilespmem:$0x8200] =	vst v63  }
0xe8: {  	_ = 	snop  }
0xe9: {  	[tilespmem:s18], [sflag:$0x1] =	stream.indirect_vreg.gather [hbm4b:s6+s2], $0x80, v4, vm0, $0xb8;
	[tilespmem:$0x8200] =	vst v63  }
0xea: {  	_ = 	snop  }
0xeb: {  	[tilespmem:s19], [sflag:$0x1] =	stream.indirect_vreg.gather [hbm4b:s3+s2], $0x80, v3, vm0, $0xb8;
	[tilespmem:$0x8200] =	vst v63  }
0xec: {  	_ = 	snop  }
0xed: {  	[tilespmem:s20], [sflag:$0x1] =	stream.indirect_vreg.gather [hbm4b:s4+s2], $0x80, v3, vm0, $0xb8;
	[tilespmem:$0x8200] =	vst v63  }
0xee: {  	_ = 	snop  }
0xef: {  	[tilespmem:s21], [sflag:$0x1] =	stream.indirect_vreg.gather [hbm4b:s5+s2], $0x80, v3, vm0, $0xb8;
	[tilespmem:$0x8200] =	vst v63  }
0xf0: {  	_ = 	snop  }
0xf1: {  	[tilespmem:s22], [sflag:$0x1] =	stream.indirect_vreg.gather [hbm4b:s6+s2], $0x80, v3, vm0, $0xb8;
	[tilespmem:$0x8200] =	vst v63  }
0xf2: {  	_ =	swait.ge [sflag:s23], $0x4000  }
0xf3: {  	[sflag:s23] =	ssyncset.done $0x0  }
0xf4: {  	[sflag:s23] =	ssyncadd.s32 $0xFFFFC000  }
0xf5: {  	v3 =	vld [tilespmem:$0x180];
	_ =	sdelay $0x4  }
0xf6: {  	v51 =	vshll.u32 v3, $0x3  }
0xf7: {  	v3 =	vand.u32 $0x7, v3;
	v4 =	vand.u32 $0xFFFFFFC0, v51  }
0xf8: {  	v3 =	vor.u32 v3, v4  }
0xf9: {  	v4 =	vperm.xlane v3, v0;
	_ =	sdelay $0x1  }
0xfa: {  	v4 =	vadd.s32 v1, v4;
	_ =	sdelay $0x4  }
0xfb: {  	[tilespmem:s24], [sflag:$0x1] =	stream.indirect_vreg.gather [hbm4b:s3+s2], $0x80, v4, vm0, $0xb8;
	[tilespmem:$0x8200] =	vst v63  }
0xfc: {  	v3 =	vperm.xlane v3, v2  }
0xfd: {  	[tilespmem:s25], [sflag:$0x1] =	stream.indirect_vreg.gather [hbm4b:s4+s2], $0x80, v4, vm0, $0xb8;
	[tilespmem:$0x8200] =	vst v63  }
0xfe: {  	v3 =	vadd.s32 v1, v3  }
0xff: {  	[tilespmem:s26], [sflag:$0x1] =	stream.indirect_vreg.gather [hbm4b:s5+s2], $0x80, v4, vm0, $0xb8;
	[tilespmem:$0x8200] =	vst v63  }
0x100: {  	_ = 	snop  }
0x101: {  	[tilespmem:s28], [sflag:$0x1] =	stream.indirect_vreg.gather [hbm4b:s6+s2], $0x80, v4, vm0, $0xb8;
	[tilespmem:$0x8200] =	vst v63  }
0x102: {  	_ = 	snop  }
0x103: {  	[tilespmem:s29], [sflag:$0x1] =	stream.indirect_vreg.gather [hbm4b:s3+s2], $0x80, v3, vm0, $0xb8;
	[tilespmem:$0x8200] =	vst v63  }
0x104: {  	_ = 	snop  }
0x105: {  	[tilespmem:s30], [sflag:$0x1] =	stream.indirect_vreg.gather [hbm4b:s4+s2], $0x80, v3, vm0, $0xb8;
	[tilespmem:$0x8200] =	vst v63  }
0x106: {  	_ = 	snop  }
0x107: {  	[tilespmem:s31], [sflag:$0x1] =	stream.indirect_vreg.gather [hbm4b:s5+s2], $0x80, v3, vm0, $0xb8;
	[tilespmem:$0x8200] =	vst v63  }
0x108: {  	_ = 	snop  }
0x109: {  	[tilespmem:s1], [sflag:$0x1] =	stream.indirect_vreg.gather [hbm4b:s6+s2], $0x80, v3, vm0, $0xb8;
	[tilespmem:$0x8200] =	vst v63  }
0x10a: {  	_ =	swait.ge [sflag:s23], $0x4000  }
0x10b: {  	[sflag:s23] =	ssyncset.done $0x0  }
0x10c: {  	s0 =	rddreg [dreg:$0xb];
	[sflag:s23] =	ssyncadd.s32 $0xFFFFC000  }
0x10d: {  	[hbm4b:s0+s2] =	stream.linear.scatter [tilespmem:s15], [sflag:$0x2], $0x4000, $0x38;
	[tilespmem:$0x8200] =	vst v63  }
0x10e: {  	_ =	swait.ge [sflag:s13], $0x4000  }
0x10f: {  	[sflag:s13] =	ssyncset.done $0x0  }
0x110: {  	s0 =	rddreg [dreg:$0xc];
	[sflag:s13] =	ssyncadd.s32 $0xFFFFC000  }
0x111: {  	[hbm4b:s0+s2] =	stream.linear.scatter [tilespmem:s24], [sflag:$0x2], $0x4000, $0x38;
	[tilespmem:$0x8200] =	vst v63  }
0x112: {  	_ =	swait.ge [sflag:s13], $0x4000  }
0x113: {  	[sflag:s13] =	ssyncset.done $0x0  }
0x114: {  	[sflag:s13] =	ssyncadd.s32 $0xFFFFC000  }
0x115: {  	v3 =	vld [tilespmem:$0x40];
	_ =	sdelay $0x4  }
0x116: {  	[tilespmem:$0x100] =	vst v3  }
0x117: {  	v3 =	vld [tilespmem:$0x100];
	_ =	sdelay $0x4  }
0x118: {  	v52 =	vshll.u32 v3, $0x3  }
0x119: {  	v3 =	vand.u32 $0x7, v3;
	v4 =	vand.u32 $0xFFFFFFC0, v52  }
0x11a: {  	v3 =	vor.u32 v3, v4  }
0x11b: {  	v4 =	vperm.xlane v3, v0  }
0x11c: {  	v53 =	vld [tilespmem:$0xC0]  }
0x11d: {  	v4 =	vadd.s32 v1, v4;
	_ =	sdelay $0x3  }
0x11e: {  	[tilespmem:$0x180] =	vst v53  }
0x11f: {  	[tilespmem:s15], [sflag:$0x1] =	stream.indirect_vreg.gather [hbm4b:s3+s2], $0x80, v4, vm0, $0xb8;
	[tilespmem:$0x8200] =	vst v63  }
0x120: {  	v3 =	vperm.xlane v3, v2  }
0x121: {  	[tilespmem:s16], [sflag:$0x1] =	stream.indirect_vreg.gather [hbm4b:s4+s2], $0x80, v4, vm0, $0xb8;
	[tilespmem:$0x8200] =	vst v63  }
0x122: {  	v3 =	vadd.s32 v1, v3  }
0x123: {  	[tilespmem:s17], [sflag:$0x1] =	stream.indirect_vreg.gather [hbm4b:s5+s2], $0x80, v4, vm0, $0xb8;
	[tilespmem:$0x8200] =	vst v63  }
0x124: {  	_ = 	snop  }
0x125: {  	[tilespmem:s18], [sflag:$0x1] =	stream.indirect_vreg.gather [hbm4b:s6+s2], $0x80, v4, vm0, $0xb8;
	[tilespmem:$0x8200] =	vst v63  }
0x126: {  	_ = 	snop  }
0x127: {  	[tilespmem:s19], [sflag:$0x1] =	stream.indirect_vreg.gather [hbm4b:s3+s2], $0x80, v3, vm0, $0xb8;
	[tilespmem:$0x8200] =	vst v63  }
0x128: {  	_ = 	snop  }
0x129: {  	[tilespmem:s20], [sflag:$0x1] =	stream.indirect_vreg.gather [hbm4b:s4+s2], $0x80, v3, vm0, $0xb8;
	[tilespmem:$0x8200] =	vst v63  }
0x12a: {  	_ = 	snop  }
0x12b: {  	[tilespmem:s21], [sflag:$0x1] =	stream.indirect_vreg.gather [hbm4b:s5+s2], $0x80, v3, vm0, $0xb8;
	[tilespmem:$0x8200] =	vst v63  }
0x12c: {  	_ = 	snop  }
0x12d: {  	[tilespmem:s22], [sflag:$0x1] =	stream.indirect_vreg.gather [hbm4b:s6+s2], $0x80, v3, vm0, $0xb8;
	[tilespmem:$0x8200] =	vst v63  }
0x12e: {  	_ =	swait.ge [sflag:s23], $0x4000  }
0x12f: {  	[sflag:s23] =	ssyncset.done $0x0  }
0x130: {  	[sflag:s23] =	ssyncadd.s32 $0xFFFFC000  }
0x131: {  	v3 =	vld [tilespmem:$0x180];
	_ =	sdelay $0x4  }
0x132: {  	v54 =	vshll.u32 v3, $0x3  }
0x133: {  	v3 =	vand.u32 $0x7, v3;
	v4 =	vand.u32 $0xFFFFFFC0, v54  }
0x134: {  	v3 =	vor.u32 v3, v4  }
0x135: {  	v4 =	vperm.xlane v3, v0;
	_ =	sdelay $0x1  }
0x136: {  	v4 =	vadd.s32 v1, v4;
	_ =	sdelay $0x4  }
0x137: {  	[tilespmem:s24], [sflag:$0x1] =	stream.indirect_vreg.gather [hbm4b:s3+s2], $0x80, v4, vm0, $0xb8;
	[tilespmem:$0x8200] =	vst v63  }
0x138: {  	v3 =	vperm.xlane v3, v2  }
0x139: {  	[tilespmem:s25], [sflag:$0x1] =	stream.indirect_vreg.gather [hbm4b:s4+s2], $0x80, v4, vm0, $0xb8;
	[tilespmem:$0x8200] =	vst v63  }
0x13a: {  	v3 =	vadd.s32 v1, v3  }
0x13b: {  	[tilespmem:s26], [sflag:$0x1] =	stream.indirect_vreg.gather [hbm4b:s5+s2], $0x80, v4, vm0, $0xb8;
	[tilespmem:$0x8200] =	vst v63  }
0x13c: {  	_ = 	snop  }
0x13d: {  	[tilespmem:s28], [sflag:$0x1] =	stream.indirect_vreg.gather [hbm4b:s6+s2], $0x80, v4, vm0, $0xb8;
	[tilespmem:$0x8200] =	vst v63  }
0x13e: {  	_ = 	snop  }
0x13f: {  	[tilespmem:s29], [sflag:$0x1] =	stream.indirect_vreg.gather [hbm4b:s3+s2], $0x80, v3, vm0, $0xb8;
	[tilespmem:$0x8200] =	vst v63  }
0x140: {  	_ = 	snop  }
0x141: {  	[tilespmem:s30], [sflag:$0x1] =	stream.indirect_vreg.gather [hbm4b:s4+s2], $0x80, v3, vm0, $0xb8;
	[tilespmem:$0x8200] =	vst v63  }
0x142: {  	_ = 	snop  }
0x143: {  	[tilespmem:s31], [sflag:$0x1] =	stream.indirect_vreg.gather [hbm4b:s5+s2], $0x80, v3, vm0, $0xb8;
	[tilespmem:$0x8200] =	vst v63  }
0x144: {  	_ = 	snop  }
0x145: {  	[tilespmem:s1], [sflag:$0x1] =	stream.indirect_vreg.gather [hbm4b:s6+s2], $0x80, v3, vm0, $0xb8;
	[tilespmem:$0x8200] =	vst v63  }
0x146: {  	_ =	swait.ge [sflag:s23], $0x4000  }
0x147: {  	[sflag:s23] =	ssyncset.done $0x0  }
0x148: {  	s0 =	rddreg [dreg:$0xd];
	[sflag:s23] =	ssyncadd.s32 $0xFFFFC000  }
0x149: {  	[hbm4b:s0+s2] =	stream.linear.scatter [tilespmem:s15], [sflag:$0x2], $0x4000, $0x38;
	[tilespmem:$0x8200] =	vst v63  }
0x14a: {  	_ =	swait.ge [sflag:s13], $0x4000  }
0x14b: {  	[sflag:s13] =	ssyncset.done $0x0  }
0x14c: {  	s0 =	rddreg [dreg:$0xe];
	[sflag:s13] =	ssyncadd.s32 $0xFFFFC000  }
0x14d: {  	[hbm4b:s0+s2] =	stream.linear.scatter [tilespmem:s24], [sflag:$0x2], $0x4000, $0x38;
	[tilespmem:$0x8200] =	vst v63  }
0x14e: {  	_ =	swait.ge [sflag:s13], $0x4000  }
0x14f: {  	[sflag:s13] =	ssyncset.done $0x0  }
0x150: {  	[sflag:s13] =	ssyncadd.s32 $0xFFFFC000  }
0x151: {  	v3 =	vld [tilespmem:$0x50];
	_ =	sdelay $0x4  }
0x152: {  	[tilespmem:$0x100] =	vst v3  }
0x153: {  	v3 =	vld [tilespmem:$0x100];
	_ =	sdelay $0x4  }
0x154: {  	v55 =	vshll.u32 v3, $0x3  }
0x155: {  	v3 =	vand.u32 $0x7, v3;
	v4 =	vand.u32 $0xFFFFFFC0, v55  }
0x156: {  	v3 =	vor.u32 v3, v4  }
0x157: {  	v4 =	vperm.xlane v3, v0  }
0x158: {  	v56 =	vld [tilespmem:$0xD0]  }
0x159: {  	v4 =	vadd.s32 v1, v4;
	_ =	sdelay $0x3  }
0x15a: {  	[tilespmem:$0x180] =	vst v56  }
0x15b: {  	[tilespmem:s15], [sflag:$0x1] =	stream.indirect_vreg.gather [hbm4b:s3+s2], $0x80, v4, vm0, $0xb8;
	[tilespmem:$0x8200] =	vst v63  }
0x15c: {  	v3 =	vperm.xlane v3, v2  }
0x15d: {  	[tilespmem:s16], [sflag:$0x1] =	stream.indirect_vreg.gather [hbm4b:s4+s2], $0x80, v4, vm0, $0xb8;
	[tilespmem:$0x8200] =	vst v63  }
0x15e: {  	v3 =	vadd.s32 v1, v3  }
0x15f: {  	[tilespmem:s17], [sflag:$0x1] =	stream.indirect_vreg.gather [hbm4b:s5+s2], $0x80, v4, vm0, $0xb8;
	[tilespmem:$0x8200] =	vst v63  }
0x160: {  	_ = 	snop  }
0x161: {  	[tilespmem:s18], [sflag:$0x1] =	stream.indirect_vreg.gather [hbm4b:s6+s2], $0x80, v4, vm0, $0xb8;
	[tilespmem:$0x8200] =	vst v63  }
0x162: {  	_ = 	snop  }
0x163: {  	[tilespmem:s19], [sflag:$0x1] =	stream.indirect_vreg.gather [hbm4b:s3+s2], $0x80, v3, vm0, $0xb8;
	[tilespmem:$0x8200] =	vst v63  }
0x164: {  	_ = 	snop  }
0x165: {  	[tilespmem:s20], [sflag:$0x1] =	stream.indirect_vreg.gather [hbm4b:s4+s2], $0x80, v3, vm0, $0xb8;
	[tilespmem:$0x8200] =	vst v63  }
0x166: {  	_ = 	snop  }
0x167: {  	[tilespmem:s21], [sflag:$0x1] =	stream.indirect_vreg.gather [hbm4b:s5+s2], $0x80, v3, vm0, $0xb8;
	[tilespmem:$0x8200] =	vst v63  }
0x168: {  	_ = 	snop  }
0x169: {  	[tilespmem:s22], [sflag:$0x1] =	stream.indirect_vreg.gather [hbm4b:s6+s2], $0x80, v3, vm0, $0xb8;
	[tilespmem:$0x8200] =	vst v63  }
0x16a: {  	_ =	swait.ge [sflag:s23], $0x4000  }
0x16b: {  	[sflag:s23] =	ssyncset.done $0x0  }
0x16c: {  	[sflag:s23] =	ssyncadd.s32 $0xFFFFC000  }
0x16d: {  	v3 =	vld [tilespmem:$0x180];
	_ =	sdelay $0x4  }
0x16e: {  	v57 =	vshll.u32 v3, $0x3  }
0x16f: {  	v3 =	vand.u32 $0x7, v3;
	v4 =	vand.u32 $0xFFFFFFC0, v57  }
0x170: {  	v3 =	vor.u32 v3, v4  }
0x171: {  	v4 =	vperm.xlane v3, v0;
	_ =	sdelay $0x1  }
0x172: {  	v4 =	vadd.s32 v1, v4;
	_ =	sdelay $0x4  }
0x173: {  	[tilespmem:s24], [sflag:$0x1] =	stream.indirect_vreg.gather [hbm4b:s3+s2], $0x80, v4, vm0, $0xb8;
	[tilespmem:$0x8200] =	vst v63  }
0x174: {  	v3 =	vperm.xlane v3, v2  }
0x175: {  	[tilespmem:s25], [sflag:$0x1] =	stream.indirect_vreg.gather [hbm4b:s4+s2], $0x80, v4, vm0, $0xb8;
	[tilespmem:$0x8200] =	vst v63  }
0x176: {  	v3 =	vadd.s32 v1, v3  }
0x177: {  	[tilespmem:s26], [sflag:$0x1] =	stream.indirect_vreg.gather [hbm4b:s5+s2], $0x80, v4, vm0, $0xb8;
	[tilespmem:$0x8200] =	vst v63  }
0x178: {  	_ = 	snop  }
0x179: {  	[tilespmem:s28], [sflag:$0x1] =	stream.indirect_vreg.gather [hbm4b:s6+s2], $0x80, v4, vm0, $0xb8;
	[tilespmem:$0x8200] =	vst v63  }
0x17a: {  	_ = 	snop  }
0x17b: {  	[tilespmem:s29], [sflag:$0x1] =	stream.indirect_vreg.gather [hbm4b:s3+s2], $0x80, v3, vm0, $0xb8;
	[tilespmem:$0x8200] =	vst v63  }
0x17c: {  	_ = 	snop  }
0x17d: {  	[tilespmem:s30], [sflag:$0x1] =	stream.indirect_vreg.gather [hbm4b:s4+s2], $0x80, v3, vm0, $0xb8;
	[tilespmem:$0x8200] =	vst v63  }
0x17e: {  	_ = 	snop  }
0x17f: {  	[tilespmem:s31], [sflag:$0x1] =	stream.indirect_vreg.gather [hbm4b:s5+s2], $0x80, v3, vm0, $0xb8;
	[tilespmem:$0x8200] =	vst v63  }
0x180: {  	_ = 	snop  }
0x181: {  	[tilespmem:s1], [sflag:$0x1] =	stream.indirect_vreg.gather [hbm4b:s6+s2], $0x80, v3, vm0, $0xb8;
	[tilespmem:$0x8200] =	vst v63  }
0x182: {  	_ =	swait.ge [sflag:s23], $0x4000  }
0x183: {  	[sflag:s23] =	ssyncset.done $0x0  }
0x184: {  	s0 =	rddreg [dreg:$0xf];
	[sflag:s23] =	ssyncadd.s32 $0xFFFFC000  }
0x185: {  	[hbm4b:s0+s2] =	stream.linear.scatter [tilespmem:s15], [sflag:$0x2], $0x4000, $0x38;
	[tilespmem:$0x8200] =	vst v63  }
0x186: {  	_ =	swait.ge [sflag:s13], $0x4000  }
0x187: {  	[sflag:s13] =	ssyncset.done $0x0  }
0x188: {  	[sflag:s13] =	ssyncadd.s32 $0xFFFFC000  }
0x189: {  	[hbm4b:s7+s2] =	stream.linear.scatter [tilespmem:s24], [sflag:$0x2], $0x4000, $0x38;
	[tilespmem:$0x8200] =	vst v63  }
0x18a: {  	_ =	swait.ge [sflag:s13], $0x4000  }
0x18b: {  	[sflag:s13] =	ssyncset.done $0x0  }
0x18c: {  	[sflag:s13] =	ssyncadd.s32 $0xFFFFC000  }
0x18d: {  	v3 =	vld [tilespmem:$0x60];
	_ =	sdelay $0x4  }
0x18e: {  	[tilespmem:$0x100] =	vst v3  }
0x18f: {  	v3 =	vld [tilespmem:$0x100];
	_ =	sdelay $0x4  }
0x190: {  	v58 =	vshll.u32 v3, $0x3  }
0x191: {  	v3 =	vand.u32 $0x7, v3;
	v4 =	vand.u32 $0xFFFFFFC0, v58  }
0x192: {  	v3 =	vor.u32 v3, v4  }
0x193: {  	v4 =	vperm.xlane v3, v0  }
0x194: {  	v59 =	vld [tilespmem:$0xE0]  }
0x195: {  	v4 =	vadd.s32 v1, v4;
	_ =	sdelay $0x3  }
0x196: {  	[tilespmem:$0x180] =	vst v59  }
0x197: {  	[tilespmem:s15], [sflag:$0x1] =	stream.indirect_vreg.gather [hbm4b:s3+s2], $0x80, v4, vm0, $0xb8;
	[tilespmem:$0x8200] =	vst v63  }
0x198: {  	v3 =	vperm.xlane v3, v2  }
0x199: {  	[tilespmem:s16], [sflag:$0x1] =	stream.indirect_vreg.gather [hbm4b:s4+s2], $0x80, v4, vm0, $0xb8;
	[tilespmem:$0x8200] =	vst v63  }
0x19a: {  	v3 =	vadd.s32 v1, v3  }
0x19b: {  	[tilespmem:s17], [sflag:$0x1] =	stream.indirect_vreg.gather [hbm4b:s5+s2], $0x80, v4, vm0, $0xb8;
	[tilespmem:$0x8200] =	vst v63  }
0x19c: {  	_ = 	snop  }
0x19d: {  	[tilespmem:s18], [sflag:$0x1] =	stream.indirect_vreg.gather [hbm4b:s6+s2], $0x80, v4, vm0, $0xb8;
	[tilespmem:$0x8200] =	vst v63  }
0x19e: {  	_ = 	snop  }
0x19f: {  	[tilespmem:s19], [sflag:$0x1] =	stream.indirect_vreg.gather [hbm4b:s3+s2], $0x80, v3, vm0, $0xb8;
	[tilespmem:$0x8200] =	vst v63  }
0x1a0: {  	_ = 	snop  }
0x1a1: {  	[tilespmem:s20], [sflag:$0x1] =	stream.indirect_vreg.gather [hbm4b:s4+s2], $0x80, v3, vm0, $0xb8;
	[tilespmem:$0x8200] =	vst v63  }
0x1a2: {  	_ = 	snop  }
0x1a3: {  	[tilespmem:s21], [sflag:$0x1] =	stream.indirect_vreg.gather [hbm4b:s5+s2], $0x80, v3, vm0, $0xb8;
	[tilespmem:$0x8200] =	vst v63  }
0x1a4: {  	_ = 	snop  }
0x1a5: {  	[tilespmem:s22], [sflag:$0x1] =	stream.indirect_vreg.gather [hbm4b:s6+s2], $0x80, v3, vm0, $0xb8;
	[tilespmem:$0x8200] =	vst v63  }
0x1a6: {  	_ =	swait.ge [sflag:s23], $0x4000  }
0x1a7: {  	[sflag:s23] =	ssyncset.done $0x0  }
0x1a8: {  	[sflag:s23] =	ssyncadd.s32 $0xFFFFC000  }
0x1a9: {  	v3 =	vld [tilespmem:$0x180];
	_ =	sdelay $0x4  }
0x1aa: {  	v60 =	vshll.u32 v3, $0x3  }
0x1ab: {  	v3 =	vand.u32 $0x7, v3;
	v4 =	vand.u32 $0xFFFFFFC0, v60  }
0x1ac: {  	v3 =	vor.u32 v3, v4  }
0x1ad: {  	v4 =	vperm.xlane v3, v0;
	_ =	sdelay $0x1  }
0x1ae: {  	v4 =	vadd.s32 v1, v4;
	_ =	sdelay $0x4  }
0x1af: {  	[tilespmem:s24], [sflag:$0x1] =	stream.indirect_vreg.gather [hbm4b:s3+s2], $0x80, v4, vm0, $0xb8;
	[tilespmem:$0x8200] =	vst v63  }
0x1b0: {  	v3 =	vperm.xlane v3, v2  }
0x1b1: {  	[tilespmem:s25], [sflag:$0x1] =	stream.indirect_vreg.gather [hbm4b:s4+s2], $0x80, v4, vm0, $0xb8;
	[tilespmem:$0x8200] =	vst v63  }
0x1b2: {  	v3 =	vadd.s32 v1, v3  }
0x1b3: {  	[tilespmem:s26], [sflag:$0x1] =	stream.indirect_vreg.gather [hbm4b:s5+s2], $0x80, v4, vm0, $0xb8;
	[tilespmem:$0x8200] =	vst v63  }
0x1b4: {  	_ = 	snop  }
0x1b5: {  	[tilespmem:s28], [sflag:$0x1] =	stream.indirect_vreg.gather [hbm4b:s6+s2], $0x80, v4, vm0, $0xb8;
	[tilespmem:$0x8200] =	vst v63  }
0x1b6: {  	_ = 	snop  }
0x1b7: {  	[tilespmem:s29], [sflag:$0x1] =	stream.indirect_vreg.gather [hbm4b:s3+s2], $0x80, v3, vm0, $0xb8;
	[tilespmem:$0x8200] =	vst v63  }
0x1b8: {  	_ = 	snop  }
0x1b9: {  	[tilespmem:s30], [sflag:$0x1] =	stream.indirect_vreg.gather [hbm4b:s4+s2], $0x80, v3, vm0, $0xb8;
	[tilespmem:$0x8200] =	vst v63  }
0x1ba: {  	_ = 	snop  }
0x1bb: {  	[tilespmem:s31], [sflag:$0x1] =	stream.indirect_vreg.gather [hbm4b:s5+s2], $0x80, v3, vm0, $0xb8;
	[tilespmem:$0x8200] =	vst v63  }
0x1bc: {  	_ = 	snop  }
0x1bd: {  	[tilespmem:s1], [sflag:$0x1] =	stream.indirect_vreg.gather [hbm4b:s6+s2], $0x80, v3, vm0, $0xb8;
	[tilespmem:$0x8200] =	vst v63  }
0x1be: {  	_ =	swait.ge [sflag:s23], $0x4000  }
0x1bf: {  	[sflag:s23] =	ssyncset.done $0x0  }
0x1c0: {  	[sflag:s23] =	ssyncadd.s32 $0xFFFFC000  }
0x1c1: {  	[hbm4b:s8+s2] =	stream.linear.scatter [tilespmem:s15], [sflag:$0x2], $0x4000, $0x38;
	[tilespmem:$0x8200] =	vst v63  }
0x1c2: {  	_ =	swait.ge [sflag:s13], $0x4000  }
0x1c3: {  	[sflag:s13] =	ssyncset.done $0x0  }
0x1c4: {  	[sflag:s13] =	ssyncadd.s32 $0xFFFFC000  }
0x1c5: {  	[hbm4b:s9+s2] =	stream.linear.scatter [tilespmem:s24], [sflag:$0x2], $0x4000, $0x38;
	[tilespmem:$0x8200] =	vst v63  }
0x1c6: {  	_ =	swait.ge [sflag:s13], $0x4000  }
0x1c7: {  	[sflag:s13] =	ssyncset.done $0x0  }
0x1c8: {  	[sflag:s13] =	ssyncadd.s32 $0xFFFFC000  }
0x1c9: {  	v3 =	vld [tilespmem:$0x70];
	_ =	sdelay $0x4  }
0x1ca: {  	[tilespmem:$0x100] =	vst v3  }
0x1cb: {  	v3 =	vld [tilespmem:$0x100];
	_ =	sdelay $0x4  }
0x1cc: {  	v61 =	vshll.u32 v3, $0x3  }
0x1cd: {  	v3 =	vand.u32 $0x7, v3;
	v4 =	vand.u32 $0xFFFFFFC0, v61  }
0x1ce: {  	v3 =	vor.u32 v3, v4  }
0x1cf: {  	v4 =	vperm.xlane v3, v0  }
0x1d0: {  	v62 =	vld [tilespmem:$0xF0]  }
0x1d1: {  	v4 =	vadd.s32 v1, v4;
	_ =	sdelay $0x3  }
0x1d2: {  	[tilespmem:$0x180] =	vst v62  }
0x1d3: {  	[tilespmem:s15], [sflag:$0x1] =	stream.indirect_vreg.gather [hbm4b:s3+s2], $0x80, v4, vm0, $0xb8;
	[tilespmem:$0x8200] =	vst v63  }
0x1d4: {  	v3 =	vperm.xlane v3, v2  }
0x1d5: {  	[tilespmem:s16], [sflag:$0x1] =	stream.indirect_vreg.gather [hbm4b:s4+s2], $0x80, v4, vm0, $0xb8;
	[tilespmem:$0x8200] =	vst v63  }
0x1d6: {  	v3 =	vadd.s32 v1, v3  }
0x1d7: {  	[tilespmem:s17], [sflag:$0x1] =	stream.indirect_vreg.gather [hbm4b:s5+s2], $0x80, v4, vm0, $0xb8;
	[tilespmem:$0x8200] =	vst v63  }
0x1d8: {  	_ = 	snop  }
0x1d9: {  	[tilespmem:s18], [sflag:$0x1] =	stream.indirect_vreg.gather [hbm4b:s6+s2], $0x80, v4, vm0, $0xb8;
	[tilespmem:$0x8200] =	vst v63  }
0x1da: {  	_ = 	snop  }
0x1db: {  	[tilespmem:s19], [sflag:$0x1] =	stream.indirect_vreg.gather [hbm4b:s3+s2], $0x80, v3, vm0, $0xb8;
	[tilespmem:$0x8200] =	vst v63  }
0x1dc: {  	_ = 	snop  }
0x1dd: {  	[tilespmem:s20], [sflag:$0x1] =	stream.indirect_vreg.gather [hbm4b:s4+s2], $0x80, v3, vm0, $0xb8;
	[tilespmem:$0x8200] =	vst v63  }
0x1de: {  	_ = 	snop  }
0x1df: {  	[tilespmem:s21], [sflag:$0x1] =	stream.indirect_vreg.gather [hbm4b:s5+s2], $0x80, v3, vm0, $0xb8;
	[tilespmem:$0x8200] =	vst v63  }
0x1e0: {  	_ = 	snop  }
0x1e1: {  	[tilespmem:s22], [sflag:$0x1] =	stream.indirect_vreg.gather [hbm4b:s6+s2], $0x80, v3, vm0, $0xb8;
	[tilespmem:$0x8200] =	vst v63  }
0x1e2: {  	_ =	swait.ge [sflag:s23], $0x4000  }
0x1e3: {  	[sflag:s23] =	ssyncset.done $0x0  }
0x1e4: {  	[sflag:s23] =	ssyncadd.s32 $0xFFFFC000  }
0x1e5: {  	v3 =	vld [tilespmem:$0x180];
	_ =	sdelay $0x4  }
0x1e6: {  	v63 =	vshll.u32 v3, $0x3  }
0x1e7: {  	v3 =	vand.u32 $0x7, v3;
	v4 =	vand.u32 $0xFFFFFFC0, v63  }
0x1e8: {  	v3 =	vor.u32 v3, v4  }
0x1e9: {  	v4 =	vperm.xlane v3, v0;
	_ =	sdelay $0x1  }
0x1ea: {  	v4 =	vadd.s32 v1, v4;
	_ =	sdelay $0x4  }
0x1eb: {  	[tilespmem:s24], [sflag:$0x1] =	stream.indirect_vreg.gather [hbm4b:s3+s2], $0x80, v4, vm0, $0xb8;
	[tilespmem:$0x8200] =	vst v63  }
0x1ec: {  	v3 =	vperm.xlane v3, v2  }
0x1ed: {  	[tilespmem:s25], [sflag:$0x1] =	stream.indirect_vreg.gather [hbm4b:s4+s2], $0x80, v4, vm0, $0xb8;
	[tilespmem:$0x8200] =	vst v63  }
0x1ee: {  	v3 =	vadd.s32 v1, v3  }
0x1ef: {  	[tilespmem:s26], [sflag:$0x1] =	stream.indirect_vreg.gather [hbm4b:s5+s2], $0x80, v4, vm0, $0xb8;
	[tilespmem:$0x8200] =	vst v63  }
0x1f0: {  	_ = 	snop  }
0x1f1: {  	[tilespmem:s28], [sflag:$0x1] =	stream.indirect_vreg.gather [hbm4b:s6+s2], $0x80, v4, vm0, $0xb8;
	[tilespmem:$0x8200] =	vst v63  }
0x1f2: {  	_ = 	snop  }
0x1f3: {  	[tilespmem:s29], [sflag:$0x1] =	stream.indirect_vreg.gather [hbm4b:s3+s2], $0x80, v3, vm0, $0xb8;
	[tilespmem:$0x8200] =	vst v63  }
0x1f4: {  	_ = 	snop  }
0x1f5: {  	[tilespmem:s30], [sflag:$0x1] =	stream.indirect_vreg.gather [hbm4b:s4+s2], $0x80, v3, vm0, $0xb8;
	[tilespmem:$0x8200] =	vst v63  }
0x1f6: {  	_ = 	snop  }
0x1f7: {  	[tilespmem:s31], [sflag:$0x1] =	stream.indirect_vreg.gather [hbm4b:s5+s2], $0x80, v3, vm0, $0xb8;
	[tilespmem:$0x8200] =	vst v63  }
0x1f8: {  	_ = 	snop  }
0x1f9: {  	[tilespmem:s1], [sflag:$0x1] =	stream.indirect_vreg.gather [hbm4b:s6+s2], $0x80, v3, vm0, $0xb8;
	[tilespmem:$0x8200] =	vst v63  }
0x1fa: {  	_ =	swait.ge [sflag:s23], $0x4000  }
0x1fb: {  	[sflag:s23] =	ssyncset.done $0x0  }
0x1fc: {  	[sflag:s23] =	ssyncadd.s32 $0xFFFFC000  }
0x1fd: {  	[hbm4b:s10+s2] =	stream.linear.scatter [tilespmem:s15], [sflag:$0x2], $0x4000, $0x38;
	[tilespmem:$0x8200] =	vst v63  }
0x1fe: {  	_ =	swait.ge [sflag:s13], $0x4000  }
0x1ff: {  	p0 =	sne.s32 s12, $0x1;
	[sflag:s13] =	ssyncset.done $0x0  }
.Ltmp0:
0x200: {  	[sflag:s13] =	ssyncadd.s32 $0xFFFFC000;
	(pc) =	sbr.rel @p0 .LBB2_1-.Ltmp0, $4  }
0x201: {  	[hbm4b:s11+s2] =	stream.linear.scatter [tilespmem:s24], [sflag:$0x2], $0x4000, $0x38;
	[tilespmem:$0x8200] =	vst v63  }
0x202: {  	_ =	swait.ge [sflag:s13], $0x4000  }
0x203: {  	[sflag:s13] =	ssyncset.done $0x0  }
0x204: {  	s12 =	sadd.s32 $0xFFFFFFFF, s12;
	[sflag:s13] =	ssyncadd.s32 $0xFFFFC000  }
0x205: {  	_ =	sfence.sel $0x180000  }
0x206: {  	[bflag:$0x0] =	sbarrier.arrive $0xFFFF  }
0x207: {  	_ =	strace $0x9000004A  }
0x208: {  	s0 =	stileid.u32;
	[bflag:$0x2] =	sbarrier.arrive $0xFFFF  }
0x209: {  	p0 =	sne.s32 s0, $0x0;
	s0 =	rddreg [dreg:$0x2]  }
0x20a: {  	s0 =	sadd.s32 @!p0 $0x100000, s0  }
0x20b: {  	[sflag:s0] =	ssyncadd.tile.s32 @!p0 $0x1;
	_ =	shalt  }
.Lfunc_end2:
_tile_overlayer_lowered:
.L_overlay_start_2:
0x20c: {  	(tag) =	ssettag $0x2  }
0x20d: {  	s0 =	rddreg [dreg:$0x0];
	s2 =	stileid.u32  }
0x20e: {  	s1 =	rddreg [dreg:$0x1];
	p0 =	sne.s32 s2, $0x0  }
0x20f: {  	s3 =	rddreg [dreg:$0x2];
	[bflag:$0x3] =	sbarrier.arrive $0xFFFF;
	s2 =	simm.s32 @!p0 $0x1C02  }
0x210: {  	[timem:s3], [sflag:s2] =	dma.local @!p0 [hbm:s0], s1  }
0x211: {  	s0 =	simm.s32 @!p0 $0x2  }
0x212: {  	_ =	swait.ge @!p0 [sflag:s0], s1  }
0x213: {  	s1 =	ssub.s32 @!p0 $0x0, s1;
	[sflag:s0] =	ssyncset.done @!p0 $0x0  }
0x214: {  	[sflag:s0] =	ssyncadd.s32 @!p0 s1  }
0x215: {  	[bflag:$0x3] =	sbarrier.arrive $0xFFFF  }
0x216: {  	_ =	shalt  }

// kernel: kernel.7.cloned.1.call-start
scs
__scs_entry_jumppad:
0x0: {  	(pc) =	sbr.rel $0x88, $3  }
0x1: {  	(tag) =	ssettag $0x0;
	lr =	simm.s32 $0x1  }
0x2: {  	[smem:$0x3F9A] =	sst lr;
	_ =	strace $0xD0000000  }
0x3: {  	_ = 	snop  }
0x4: {  	_ = 	snop  }
0x5: {  	_ = 	snop  }
0x6: {  	_ = 	snop  }
0x7: {  	_ = 	snop  }
__scs_overlays_trampoline_lowered:
0x8: {  	[smem:$0x3FA9] =	sst s0  }
0x9: {  	[smem:$0x3FAA] =	sst s1  }
0xa: {  	[smem:$0x3FAB] =	sst s2  }
0xb: {  	[smem:$0x3FAC] =	sst s3  }
0xc: {  	[smem:$0x3FAD] =	sst s4  }
0xd: {  	[smem:$0x3FAE] =	sst s5  }
0xe: {  	[smem:$0x3FAF] =	sst s6  }
0xf: {  	[smem:$0x3FB0] =	sst s7  }
0x10: {  	[smem:$0x3FB1] =	sst s8  }
0x11: {  	[smem:$0x3FB2] =	sst s9;
	s0 =	simm.s32 @!p0 $0x0  }
0x12: {  	s1 =	sld [smem:$0x3F98];
	s0 =	simm.s32 @p0 $0x1  }
0x13: {  	[smem:$0x3FB3] =	sst s0;
	s0 =	simm.s32 @!p1 $0x0  }
0x14: {  	s2 =	sld [smem:$0x3F97];
	s0 =	simm.s32 @p1 $0x1  }
0x15: {  	[smem:$0x3FB4] =	sst s0;
	s0 =	simm.s32 @!p2 $0x0  }
0x16: {  	s3 =	sld [smem:$0x3FDB];
	s0 =	simm.s32 @p2 $0x1  }
0x17: {  	s4 =	simm.s32 $0x1BF5;
	[smem:$0x3FB6] =	sst s0  }
0x18: {  	s0 =	sld [smem:$0x3F99];
	_ =	swait.ge [sflag:s4], $0x0  }
0x19: {  	s7 =	sld [smem:$0x3F9A]  }
0x1a: {  	s8 =	sadd.s32 $0xFFFFE003, lr  }
0x1b: {  	s9 =	sadd.s32 $0xFFFFFEF7, lr;
	s5 =	simm.s32 $0xFFFFFFFF;
	p2 =	slt.u32 s8, $0xFFFFF086  }
0x1c: {  	p1 =	slt.u32 s9, $0xF7A;
	s5 =	simm.s32 @!p2 $0x0  }
0x1d: {  	s5 =	simm.s32 @p1 $0x1;
	p0 =	seq.s32 s7, s2  }
0x1e: {  	s7 =	smul.u32 @!p0 $0xF7A, s2;
	p2 =	seq.s32 @!p0 s5, $0x0  }
0x1f: {  	s9 =	smul.u32 $0xF7A, s1;
	s8 =	simm.s32 @!p0 $0x1BF5;
	p2 =	por !p2, p0  }
0x20: {  	[sflag:s8] =	ssyncset.s32 @!p0 $0xFFFFF086;
	s6 =	sadd.s32 @!p0 s3, s7;
	s7 =	simm.s32 @!p0 $0x108  }
0x21: {  	s3 =	sadd.s32 s3, s9;
	s6 =	sadd.s32 @!p0 $0x88, s6;
	s7 =	simm.s32 @p2 $0x1082  }
0x22: {  	[simem:s7], [sflag:s8] =	dma.local @!p0 [hbm:s6], $0xF7A  }
0x23: {  	s9 =	sor.u32 $0xD0000000, s2;
	s6 =	simm.s32 $0x108;
	_ =	swait.ge @!p0 [sflag:s8], $0x0  }
0x24: {  	s3 =	sadd.s32 $0x88, s3;
	s6 =	simm.s32 @!p1 $0x1082;
	[sflag:s4] =	ssyncset.s32 $0xFFFFF086  }
0x25: {  	[simem:s6], [sflag:s4] =	dma.local [hbm:s3], $0xF7A  }
0x26: {  	[smem:$0x3F9A] =	sst s1;
	(tag) =	ssettag s2;
	_ =	strace s9  }
0x27: {  	s1 =	sld [smem:$0x3FAA]  }
0x28: {  	s2 =	sld [smem:$0x3FAB]  }
0x29: {  	s4 =	sld [smem:$0x3FAD]  }
0x2a: {  	p0 =	seq.s32 s5, $0x0;
	s5 =	sld [smem:$0x3FAE]  }
0x2b: {  	s6 =	sld [smem:$0x3FAF]  }
0x2c: {  	s7 =	sld [smem:$0x3FB0]  }
0x2d: {  	s3 =	simm.s32 $0x108;
	s8 =	sld [smem:$0x3FB1]  }
0x2e: {  	s3 =	simm.s32 @!p0 $0x1082;
	s9 =	sld [smem:$0x3FB2]  }
0x2f: {  	lr =	sadd.s32 s0, s3;
	s0 =	sld [smem:$0x3FA9]  }
0x30: {  	s3 =	sld [smem:$0x3FAC]  }
0x31: {  	[smem:$0x3FB5] =	sst s10  }
0x32: {  	s10 =	sld [smem:$0x3FB3];
	_ =	sdelay $0x3  }
0x33: {  	p0 =	seq.s32 s10, $0x1;
	s10 =	sld [smem:$0x3FB5];
	_ =	sdelay $0x3  }
0x34: {  	[smem:$0x3FB5] =	sst s10  }
0x35: {  	s10 =	sld [smem:$0x3FB4];
	_ =	sdelay $0x3  }
0x36: {  	p1 =	seq.s32 s10, $0x1;
	s10 =	sld [smem:$0x3FB5];
	_ =	sdelay $0x3  }
0x37: {  	[smem:$0x3FB5] =	sst s10  }
0x38: {  	s10 =	sld [smem:$0x3FB6]  }
0x39: {  	_ = 	snop;
	(pc) =	sbr.ind lr, $3  }
0x3a: {  	_ = 	snop  }
0x3b: {  	_ = 	snop  }
0x3c: {  	p2 =	seq.s32 s10, $0x1;
	s10 =	sld [smem:$0x3FB5]  }
0x3d: {  	_ =	shalt  }
0x3e: {  	_ =	shalt  }
0x3f: {  	_ =	shalt  }
0x40: {  	_ =	shalt  }
0x41: {  	_ =	shalt  }
0x42: {  	_ =	shalt  }
0x43: {  	_ =	shalt  }
0x44: {  	_ =	shalt  }
0x45: {  	_ =	shalt  }
0x46: {  	_ =	shalt  }
0x47: {  	_ =	shalt  }
0x48: {  	_ =	shalt  }
0x49: {  	_ =	shalt  }
0x4a: {  	_ =	shalt  }
0x4b: {  	_ =	shalt  }
0x4c: {  	_ =	shalt  }
0x4d: {  	_ =	shalt  }
0x4e: {  	_ =	shalt  }
0x4f: {  	_ =	shalt  }
0x50: {  	_ =	shalt  }
0x51: {  	_ =	shalt  }
0x52: {  	_ =	shalt  }
0x53: {  	_ =	shalt  }
0x54: {  	_ =	shalt  }
0x55: {  	_ =	shalt  }
0x56: {  	_ =	shalt  }
0x57: {  	_ =	shalt  }
0x58: {  	_ =	shalt  }
0x59: {  	_ =	shalt  }
0x5a: {  	_ =	shalt  }
0x5b: {  	_ =	shalt  }
0x5c: {  	_ =	shalt  }
0x5d: {  	_ =	shalt  }
0x5e: {  	_ =	shalt  }
0x5f: {  	_ =	shalt  }
0x60: {  	_ =	shalt  }
0x61: {  	_ =	shalt  }
0x62: {  	_ =	shalt  }
0x63: {  	_ =	shalt  }
0x64: {  	_ =	shalt  }
0x65: {  	_ =	shalt  }
0x66: {  	_ =	shalt  }
0x67: {  	_ =	shalt  }
0x68: {  	_ =	shalt  }
0x69: {  	_ =	shalt  }
0x6a: {  	_ =	shalt  }
0x6b: {  	_ =	shalt  }
0x6c: {  	_ =	shalt  }
0x6d: {  	_ =	shalt  }
0x6e: {  	_ =	shalt  }
0x6f: {  	_ =	shalt  }
0x70: {  	_ =	shalt  }
0x71: {  	_ =	shalt  }
0x72: {  	_ =	shalt  }
0x73: {  	_ =	shalt  }
0x74: {  	_ =	shalt  }
0x75: {  	_ =	shalt  }
0x76: {  	_ =	shalt  }
0x77: {  	_ =	shalt  }
0x78: {  	_ =	shalt  }
0x79: {  	_ =	shalt  }
0x7a: {  	_ =	shalt  }
0x7b: {  	_ =	shalt  }
0x7c: {  	_ =	shalt  }
0x7d: {  	_ =	shalt  }
0x7e: {  	_ =	shalt  }
0x7f: {  	_ =	shalt  }
0x80: {  	_ =	shalt  }
0x81: {  	_ =	shalt  }
0x82: {  	_ =	shalt  }
0x83: {  	_ =	shalt  }
0x84: {  	_ =	shalt  }
0x85: {  	_ =	shalt  }
0x86: {  	_ =	shalt  }
0x87: {  	_ =	shalt  }
.Lfunc_end0:
.L_simem_size_0:
called_computation_lowered:
.L_overlay_start_0:
0x88: {  	s2 =	sld [smem:$0x3FD9]  }
0x89: {  	s3 =	sld [smem:$0x3FFE];
	_ =	sdelay $0x1  }
0x8a: {  	s1 =	srdreg.scid  }
0x8b: {  	s0 =	sand.u32 $0x1, s1  }
0x8c: {  	s17 =	sshll.u32 s0, $0xA;
	s2 =	sadd.s32 s3, s2  }
0x8d: {  	s2 =	sadd.s32 s2, s17  }
0x8e: {  	[smem:$0x3FC1] =	sst s2  }
0x8f: {  	_ = 	snop  }
0x90: {  	s2 =	sld [smem:$0x3FC9];
	(tm) =	ssettm $0x1  }
0x91: {  	s18 =	sld [smem:$0x3FFB];
	_ =	sdelay $0x3  }
0x92: {  	_ =	strace s18  }
0x93: {  	s3 =	sld [smem:$0x3FFC];
	_ =	sdelay $0x3  }
0x94: {  	_ =	strace s3  }
0x95: {  	s3 =	sld [smem:$0x3FFD];
	_ =	sdelay $0x3  }
0x96: {  	_ =	strace s3  }
0x97: {  	_ =	strace $0x8FFFFFFF  }
0x98: {  	s19 =	sld [smem:$0x3FDB];
	_ =	sdelay $0x1  }
0x99: {  	s4 =	simm.s32 $_scs_section_size  }
0x9a: {  	s5 =	simm.s32 $_size__tile_overlayer_lowered;
	s6 =	simm.s32 $_tile_overlayer_lowered  }
0x9b: {  	s22 =	simm.s32 $0x1BFF;
	s21 =	sshll.u32 s6, $0x1;
	s3 =	sadd.s32 s4, s19  }
0x9c: {  	s7 =	simm.s32 $0x0;
	s20 =	sshll.u32 s5, $0x1;
	s5 =	sadd.s32 s21, s3  }
0x9d: {  	[timem:s7], [sflag:s22] =	dma.local [hbm:s5], s20  }
0x9e: {  	_ =	swait.ge [sflag:s22], s20  }
0x9f: {  	s4 =	ssub.s32 $0x0, s20;
	[sflag:s22] =	ssyncset.done $0x0  }
0xa0: {  	[sflag:s22] =	ssyncadd.s32 s4;
	_ =	sdelay $0x1  }
0xa1: {  	s23 =	simm.s32 $0x1B8B  }
0xa2: {  	_ =	swait.ge [sflag:s23], $0x1  }
0xa3: {  	[sflag:s23] =	ssyncset.done $0x0  }
0xa4: {  	s25 =	simm.s32 $0x1B8E;
	s24 =	sld [smem:$0x3FFE];
	[sflag:s23] =	ssyncadd.s32 $0xFFFFFFFF  }
0xa5: {  	s26 =	simm.s32 $execute0_lowered;
	[smem:$0x3FD2] =	sst s25  }
0xa6: {  	s5 =	sshll.u32 s26, $0x1;
	_ =	strace $0x80000046;
	[dreg:$0x1] =	wrdreg $0xFFFFFFFF  }
0xa7: {  	s28 =	simm.s32 $_size_execute0_lowered;
	s3 =	sadd.s32 s3, s5;
	[dreg:$0x0] =	wrdreg $0x0  }
0xa8: {  	s5 =	sshll.u32 s28, $0x1;
	[dreg:$0x2] =	wrdreg s3  }
0xa9: {  	[dreg:$0x3] =	wrdreg s5  }
0xaa: {  	[dreg:$0x4] =	wrdreg $0xC0  }
0xab: {  	_ =	task [dreg:s7], $0x5FFFF  }
0xac: {  	[dreg:$0x1] =	wrdreg $0xFFFFFFFF  }
0xad: {  	[dreg:$0x0] =	wrdreg $0x60  }
0xae: {  	[dreg:$0x2] =	wrdreg s2  }
0xaf: {  	[dreg:$0x3] =	wrdreg s24  }
0xb0: {  	[dreg:$0x4] =	wrdreg $0x9  }
0xb1: {  	_ =	task.clear_ibuf [dreg:s7], $0x5FFFF;
	_ =	strace $0x90000046  }
0xb2: {  	s29 =	simm.s32 $0x9;
	_ =	strace $0x80000048  }
0xb3: {  	_ =	swait.ge [sflag:s29], $0x1  }
0xb4: {  	[sflag:s29] =	ssyncadd.s32 $0xFFFFFFFF  }
0xb5: {  	_ =	strace $0x90000048  }
0xb6: {  	_ =	sfence  }
0xb7: {  	s30 =	sld [smem:$0x0];
	_ =	sdelay $0x2  }
0xb8: {  	s31 =	sshll.u32 s1, $0xD;
	s1 =	sshrl.u32 s1, $0x2  }
0xb9: {  	s3 =	sand.u32 $0x4000, s31;
	s1 =	sadd.s32 s1, s30  }
0xba: {  	s0 =	sor.u32 s3, s0;
	s1 =	sshll.u32 s1, $0x11  }
0xbb: {  	s0 =	sor.u32 s1, s0  }
0xbc: {  	s0 =	sadd.s32 $0x8F2B, s0  }
0xbd: {  	[sflag:s0] =	ssyncadd.remote.s32 $0x1  }
0xbe: {  	_ =	sfence.sel $0xFFFF  }
0xbf: {  	[dreg:$0x0] =	wrdreg $0xFFFFFFFF;
	(pc) =	sbr.abs _section_cstart, $3  }
0xc0: {  	[dreg:$0x1] =	wrdreg $0xFFFFFFFF  }
0xc1: {  	_ =	task.clear_ibuf [dreg:s7], $0x2FFFF;
	_ =	strace $0x9FFFFFFF  }
0xc2: {  	(tm) =	ssettm $0x7FFFFFFF  }
0xc3: {  	_ =	shalt  }
tec
execute0_lowered:
.L_overlay_start_1:
0x0: {  	(tag) =	ssettag $0x1  }
0x1: {  	s6 =	rddreg [dreg:$0x0]  }
0x2: {  	s9 =	rddreg [dreg:$0x1];
	s2 =	srdreg.scid  }
0x3: {  	s0 =	rddreg [dreg:$0x2];
	s1 =	stileid.u32  }
0x4: {  	s18 =	simm.s32 $0x2;
	s19 =	simm.s32 $0x80;
	s20 =	simm.s32 $0x200  }
0x5: {  	s21 =	simm.s32 $0xA00;
	s22 =	simm.s32 $0x1200;
	s23 =	simm.s32 $0x1A00  }
0x6: {  	s24 =	simm.s32 $0x2200;
	s25 =	simm.s32 $0x2A00;
	s26 =	simm.s32 $0x3200  }
0x7: {  	s28 =	simm.s32 $0x3A00;
	s29 =	simm.s32 $0x1;
	s3 =	sand.u32 $0x1, s2  }
0x8: {  	s2 =	simm.s32 $0x0;
	s4 =	sshll.u32 s1, $0x8;
	s5 =	sshll.u32 s3, $0x7  }
0x9: {  	[smem:$0x7FF] =	sst s2;
	s7 =	ssub.s32 $0x2, s3;
	s3 =	sadd.s32 $0x21200, s9  }
0xa: {  	s5 =	sor.u32 s5, s4;
	_ =	strace $0x80000047;
	s30 =	sshrl.u32 s7, $0x1  }
0xb: {  	s4 =	sshrl.u32 s5, $0x3;
	s17 =	ssub.s32 s7, s30;
	s31 =	sshll.u32 s5, $0x7  }
0xc: {  	s7 =	sadd.s32 $0x21300, s9;
	s8 =	sadd.s32 s4, s9;
	s6 =	sadd.s32 s6, s31  }
0xd: {  	s17 =	smax.u32 s17, $0x1;
	s4 =	sadd.s32 $0x20E00, s8;
	s5 =	sadd.s32 $0x21000, s8  }
0xe: {  	v2 =	vlaneseq.u32;
	s8 =	sadd.s32 $0x21400, s9;
	s9 =	sadd.s32 $0x21500, s9;
	s10 =	sadd.s32 $0x800, s6  }
0xf: {  	vm0 =	vmmov $0xffff;
	v1 =	vshrl.u32 v2, $0x3;
	s11 =	sadd.s32 $0x1000, s6;
	s12 =	sadd.s32 $0x1800, s6;
	s13 =	sadd.s32 $0x2000, s6  }
0x10: {  	v0 =	vand.u32 $0x7, v2;
	v2 =	vor.u32 $0x8, v2;
	v1 =	vmul.u32 $0x8, v1;
	s14 =	sadd.s32 $0x2800, s6;
	s15 =	sadd.s32 $0x3000, s6;
	s16 =	sadd.s32 $0x3800, s6  }
.LBB2_1:
0x11: {  	[tilespmem:s2], [sflag:$0x2] =	stream.linear.gather [hbm4b:s4+s2], $0x80, $0x38;
	[tilespmem:$0x4200] =	vst v63  }
0x12: {  	_ =	swait.ge [sflag:s18], $0x80  }
0x13: {  	[sflag:s18] =	ssyncset.done $0x0  }
0x14: {  	[sflag:s18] =	ssyncadd.s32 $0xFFFFFF80  }
0x15: {  	[tilespmem:s19], [sflag:$0x2] =	stream.linear.gather [hbm4b:s5+s2], $0x80, $0x38;
	[tilespmem:$0x4200] =	vst v63  }
0x16: {  	_ =	swait.ge [sflag:s18], $0x80  }
0x17: {  	[sflag:s18] =	ssyncset.done $0x0  }
0x18: {  	[sflag:s18] =	ssyncadd.s32 $0xFFFFFF80  }
0x19: {  	[tilespmem:s20], [sflag:$0x2] =	stream.linear.gather [hbm4b:s6+s2], $0x4000, $0x38;
	[tilespmem:$0x4200] =	vst v63  }
0x1a: {  	_ =	swait.ge [sflag:s18], $0x4000  }
0x1b: {  	[sflag:s18] =	ssyncset.done $0x0  }
0x1c: {  	[sflag:s18] =	ssyncadd.s32 $0xFFFFC000  }
0x1d: {  	v3 =	vld [tilespmem:$0x0];
	_ =	sdelay $0x4  }
0x1e: {  	v4 =	vshll.u32 v3, $0x3  }
0x1f: {  	v5 =	vand.u32 $0x7, v3;
	v4 =	vand.u32 $0xFFFFFFC0, v4  }
0x20: {  	v4 =	vor.u32 v5, v4  }
0x21: {  	v5 =	vperm.xlane v4, v0;
	_ =	sdelay $0x1  }
0x22: {  	v5 =	vadd.s32 v1, v5;
	_ =	sdelay $0x3  }
0x23: {  	[tilespmem:$0x100] =	vst v3  }
0x24: {  	[hbm4b:s3+s2] =	stream.indirect_vreg.scatter [tilespmem:s20], [sflag:$0x1], $0x80, v5, vm0, $0xb8;
	[tilespmem:$0x4200] =	vst v63  }
0x25: {  	v3 =	vperm.xlane v4, v2  }
0x26: {  	[hbm4b:s7+s2] =	stream.indirect_vreg.scatter [tilespmem:s21], [sflag:$0x1], $0x80, v5, vm0, $0xb8;
	[tilespmem:$0x4200] =	vst v63  }
0x27: {  	v3 =	vadd.s32 v1, v3  }
0x28: {  	[hbm4b:s8+s2] =	stream.indirect_vreg.scatter [tilespmem:s22], [sflag:$0x1], $0x80, v5, vm0, $0xb8;
	[tilespmem:$0x4200] =	vst v63  }
0x29: {  	_ = 	snop  }
0x2a: {  	[hbm4b:s9+s2] =	stream.indirect_vreg.scatter [tilespmem:s23], [sflag:$0x1], $0x80, v5, vm0, $0xb8;
	[tilespmem:$0x4200] =	vst v63  }
0x2b: {  	_ = 	snop  }
0x2c: {  	[hbm4b:s3+s2] =	stream.indirect_vreg.scatter [tilespmem:s24], [sflag:$0x1], $0x80, v3, vm0, $0xb8;
	[tilespmem:$0x4200] =	vst v63  }
0x2d: {  	_ = 	snop  }
0x2e: {  	[hbm4b:s7+s2] =	stream.indirect_vreg.scatter [tilespmem:s25], [sflag:$0x1], $0x80, v3, vm0, $0xb8;
	[tilespmem:$0x4200] =	vst v63  }
0x2f: {  	_ = 	snop  }
0x30: {  	[hbm4b:s8+s2] =	stream.indirect_vreg.scatter [tilespmem:s26], [sflag:$0x1], $0x80, v3, vm0, $0xb8;
	[tilespmem:$0x4200] =	vst v63  }
0x31: {  	_ = 	snop  }
0x32: {  	[hbm4b:s9+s2] =	stream.indirect_vreg.scatter [tilespmem:s28], [sflag:$0x1], $0x80, v3, vm0, $0xb8;
	[tilespmem:$0x4200] =	vst v63  }
0x33: {  	_ =	swait.ge [sflag:s29], $0x4000  }
0x34: {  	[sflag:s29] =	ssyncset.done $0x0  }
0x35: {  	[sflag:s29] =	ssyncadd.s32 $0xFFFFC000  }
0x36: {  	v3 =	vld [tilespmem:$0x80];
	_ =	sdelay $0x4  }
0x37: {  	v34 =	vshll.u32 v3, $0x3  }
0x38: {  	v35 =	vand.u32 $0x7, v3;
	v4 =	vand.u32 $0xFFFFFFC0, v34  }
0x39: {  	v4 =	vor.u32 v35, v4  }
0x3a: {  	v5 =	vperm.xlane v4, v0;
	_ =	sdelay $0x1  }
0x3b: {  	v5 =	vadd.s32 v1, v5;
	_ =	sdelay $0x3  }
0x3c: {  	[tilespmem:$0x180] =	vst v3  }
0x3d: {  	[hbm4b:s3+s2] =	stream.indirect_vreg.scatter [tilespmem:s20], [sflag:$0x1], $0x80, v5, vm0, $0xb8;
	[tilespmem:$0x4200] =	vst v63  }
0x3e: {  	v3 =	vperm.xlane v4, v2  }
0x3f: {  	[hbm4b:s7+s2] =	stream.indirect_vreg.scatter [tilespmem:s21], [sflag:$0x1], $0x80, v5, vm0, $0xb8;
	[tilespmem:$0x4200] =	vst v63  }
0x40: {  	v3 =	vadd.s32 v1, v3  }
0x41: {  	[hbm4b:s8+s2] =	stream.indirect_vreg.scatter [tilespmem:s22], [sflag:$0x1], $0x80, v5, vm0, $0xb8;
	[tilespmem:$0x4200] =	vst v63  }
0x42: {  	_ = 	snop  }
0x43: {  	[hbm4b:s9+s2] =	stream.indirect_vreg.scatter [tilespmem:s23], [sflag:$0x1], $0x80, v5, vm0, $0xb8;
	[tilespmem:$0x4200] =	vst v63  }
0x44: {  	_ = 	snop  }
0x45: {  	[hbm4b:s3+s2] =	stream.indirect_vreg.scatter [tilespmem:s24], [sflag:$0x1], $0x80, v3, vm0, $0xb8;
	[tilespmem:$0x4200] =	vst v63  }
0x46: {  	_ = 	snop  }
0x47: {  	[hbm4b:s7+s2] =	stream.indirect_vreg.scatter [tilespmem:s25], [sflag:$0x1], $0x80, v3, vm0, $0xb8;
	[tilespmem:$0x4200] =	vst v63  }
0x48: {  	_ = 	snop  }
0x49: {  	[hbm4b:s8+s2] =	stream.indirect_vreg.scatter [tilespmem:s26], [sflag:$0x1], $0x80, v3, vm0, $0xb8;
	[tilespmem:$0x4200] =	vst v63  }
0x4a: {  	_ = 	snop  }
0x4b: {  	[hbm4b:s9+s2] =	stream.indirect_vreg.scatter [tilespmem:s28], [sflag:$0x1], $0x80, v3, vm0, $0xb8;
	[tilespmem:$0x4200] =	vst v63  }
0x4c: {  	_ =	swait.ge [sflag:s29], $0x4000  }
0x4d: {  	[sflag:s29] =	ssyncset.done $0x0  }
0x4e: {  	[sflag:s29] =	ssyncadd.s32 $0xFFFFC000  }
0x4f: {  	[tilespmem:s20], [sflag:$0x2] =	stream.linear.gather [hbm4b:s10+s2], $0x4000, $0x38;
	[tilespmem:$0x4200] =	vst v63  }
0x50: {  	_ =	swait.ge [sflag:s18], $0x4000  }
0x51: {  	[sflag:s18] =	ssyncset.done $0x0  }
0x52: {  	[sflag:s18] =	ssyncadd.s32 $0xFFFFC000  }
0x53: {  	v3 =	vld [tilespmem:$0x10];
	_ =	sdelay $0x4  }
0x54: {  	v36 =	vshll.u32 v3, $0x3  }
0x55: {  	v37 =	vand.u32 $0x7, v3;
	v4 =	vand.u32 $0xFFFFFFC0, v36  }
0x56: {  	v4 =	vor.u32 v37, v4  }
0x57: {  	v5 =	vperm.xlane v4, v0;
	_ =	sdelay $0x1  }
0x58: {  	v5 =	vadd.s32 v1, v5;
	_ =	sdelay $0x3  }
0x59: {  	[tilespmem:$0x100] =	vst v3  }
0x5a: {  	[hbm4b:s3+s2] =	stream.indirect_vreg.scatter [tilespmem:s20], [sflag:$0x1], $0x80, v5, vm0, $0xb8;
	[tilespmem:$0x4200] =	vst v63  }
0x5b: {  	v3 =	vperm.xlane v4, v2  }
0x5c: {  	[hbm4b:s7+s2] =	stream.indirect_vreg.scatter [tilespmem:s21], [sflag:$0x1], $0x80, v5, vm0, $0xb8;
	[tilespmem:$0x4200] =	vst v63  }
0x5d: {  	v3 =	vadd.s32 v1, v3  }
0x5e: {  	[hbm4b:s8+s2] =	stream.indirect_vreg.scatter [tilespmem:s22], [sflag:$0x1], $0x80, v5, vm0, $0xb8;
	[tilespmem:$0x4200] =	vst v63  }
0x5f: {  	_ = 	snop  }
0x60: {  	[hbm4b:s9+s2] =	stream.indirect_vreg.scatter [tilespmem:s23], [sflag:$0x1], $0x80, v5, vm0, $0xb8;
	[tilespmem:$0x4200] =	vst v63  }
0x61: {  	_ = 	snop  }
0x62: {  	[hbm4b:s3+s2] =	stream.indirect_vreg.scatter [tilespmem:s24], [sflag:$0x1], $0x80, v3, vm0, $0xb8;
	[tilespmem:$0x4200] =	vst v63  }
0x63: {  	_ = 	snop  }
0x64: {  	[hbm4b:s7+s2] =	stream.indirect_vreg.scatter [tilespmem:s25], [sflag:$0x1], $0x80, v3, vm0, $0xb8;
	[tilespmem:$0x4200] =	vst v63  }
0x65: {  	_ = 	snop  }
0x66: {  	[hbm4b:s8+s2] =	stream.indirect_vreg.scatter [tilespmem:s26], [sflag:$0x1], $0x80, v3, vm0, $0xb8;
	[tilespmem:$0x4200] =	vst v63  }
0x67: {  	_ = 	snop  }
0x68: {  	[hbm4b:s9+s2] =	stream.indirect_vreg.scatter [tilespmem:s28], [sflag:$0x1], $0x80, v3, vm0, $0xb8;
	[tilespmem:$0x4200] =	vst v63  }
0x69: {  	_ =	swait.ge [sflag:s29], $0x4000  }
0x6a: {  	[sflag:s29] =	ssyncset.done $0x0  }
0x6b: {  	[sflag:s29] =	ssyncadd.s32 $0xFFFFC000  }
0x6c: {  	v3 =	vld [tilespmem:$0x90];
	_ =	sdelay $0x4  }
0x6d: {  	v38 =	vshll.u32 v3, $0x3  }
0x6e: {  	v39 =	vand.u32 $0x7, v3;
	v4 =	vand.u32 $0xFFFFFFC0, v38  }
0x6f: {  	v4 =	vor.u32 v39, v4  }
0x70: {  	v5 =	vperm.xlane v4, v0;
	_ =	sdelay $0x1  }
0x71: {  	v5 =	vadd.s32 v1, v5;
	_ =	sdelay $0x3  }
0x72: {  	[tilespmem:$0x180] =	vst v3  }
0x73: {  	[hbm4b:s3+s2] =	stream.indirect_vreg.scatter [tilespmem:s20], [sflag:$0x1], $0x80, v5, vm0, $0xb8;
	[tilespmem:$0x4200] =	vst v63  }
0x74: {  	v3 =	vperm.xlane v4, v2  }
0x75: {  	[hbm4b:s7+s2] =	stream.indirect_vreg.scatter [tilespmem:s21], [sflag:$0x1], $0x80, v5, vm0, $0xb8;
	[tilespmem:$0x4200] =	vst v63  }
0x76: {  	v3 =	vadd.s32 v1, v3  }
0x77: {  	[hbm4b:s8+s2] =	stream.indirect_vreg.scatter [tilespmem:s22], [sflag:$0x1], $0x80, v5, vm0, $0xb8;
	[tilespmem:$0x4200] =	vst v63  }
0x78: {  	_ = 	snop  }
0x79: {  	[hbm4b:s9+s2] =	stream.indirect_vreg.scatter [tilespmem:s23], [sflag:$0x1], $0x80, v5, vm0, $0xb8;
	[tilespmem:$0x4200] =	vst v63  }
0x7a: {  	_ = 	snop  }
0x7b: {  	[hbm4b:s3+s2] =	stream.indirect_vreg.scatter [tilespmem:s24], [sflag:$0x1], $0x80, v3, vm0, $0xb8;
	[tilespmem:$0x4200] =	vst v63  }
0x7c: {  	_ = 	snop  }
0x7d: {  	[hbm4b:s7+s2] =	stream.indirect_vreg.scatter [tilespmem:s25], [sflag:$0x1], $0x80, v3, vm0, $0xb8;
	[tilespmem:$0x4200] =	vst v63  }
0x7e: {  	_ = 	snop  }
0x7f: {  	[hbm4b:s8+s2] =	stream.indirect_vreg.scatter [tilespmem:s26], [sflag:$0x1], $0x80, v3, vm0, $0xb8;
	[tilespmem:$0x4200] =	vst v63  }
0x80: {  	_ = 	snop  }
0x81: {  	[hbm4b:s9+s2] =	stream.indirect_vreg.scatter [tilespmem:s28], [sflag:$0x1], $0x80, v3, vm0, $0xb8;
	[tilespmem:$0x4200] =	vst v63  }
0x82: {  	_ =	swait.ge [sflag:s29], $0x4000  }
0x83: {  	[sflag:s29] =	ssyncset.done $0x0  }
0x84: {  	[sflag:s29] =	ssyncadd.s32 $0xFFFFC000  }
0x85: {  	[tilespmem:s20], [sflag:$0x2] =	stream.linear.gather [hbm4b:s11+s2], $0x4000, $0x38;
	[tilespmem:$0x4200] =	vst v63  }
0x86: {  	_ =	swait.ge [sflag:s18], $0x4000  }
0x87: {  	[sflag:s18] =	ssyncset.done $0x0  }
0x88: {  	[sflag:s18] =	ssyncadd.s32 $0xFFFFC000  }
0x89: {  	v3 =	vld [tilespmem:$0x20];
	_ =	sdelay $0x4  }
0x8a: {  	v40 =	vshll.u32 v3, $0x3  }
0x8b: {  	v41 =	vand.u32 $0x7, v3;
	v4 =	vand.u32 $0xFFFFFFC0, v40  }
0x8c: {  	v4 =	vor.u32 v41, v4  }
0x8d: {  	v5 =	vperm.xlane v4, v0;
	_ =	sdelay $0x1  }
0x8e: {  	v5 =	vadd.s32 v1, v5;
	_ =	sdelay $0x3  }
0x8f: {  	[tilespmem:$0x100] =	vst v3  }
0x90: {  	[hbm4b:s3+s2] =	stream.indirect_vreg.scatter [tilespmem:s20], [sflag:$0x1], $0x80, v5, vm0, $0xb8;
	[tilespmem:$0x4200] =	vst v63  }
0x91: {  	v3 =	vperm.xlane v4, v2  }
0x92: {  	[hbm4b:s7+s2] =	stream.indirect_vreg.scatter [tilespmem:s21], [sflag:$0x1], $0x80, v5, vm0, $0xb8;
	[tilespmem:$0x4200] =	vst v63  }
0x93: {  	v3 =	vadd.s32 v1, v3  }
0x94: {  	[hbm4b:s8+s2] =	stream.indirect_vreg.scatter [tilespmem:s22], [sflag:$0x1], $0x80, v5, vm0, $0xb8;
	[tilespmem:$0x4200] =	vst v63  }
0x95: {  	_ = 	snop  }
0x96: {  	[hbm4b:s9+s2] =	stream.indirect_vreg.scatter [tilespmem:s23], [sflag:$0x1], $0x80, v5, vm0, $0xb8;
	[tilespmem:$0x4200] =	vst v63  }
0x97: {  	_ = 	snop  }
0x98: {  	[hbm4b:s3+s2] =	stream.indirect_vreg.scatter [tilespmem:s24], [sflag:$0x1], $0x80, v3, vm0, $0xb8;
	[tilespmem:$0x4200] =	vst v63  }
0x99: {  	_ = 	snop  }
0x9a: {  	[hbm4b:s7+s2] =	stream.indirect_vreg.scatter [tilespmem:s25], [sflag:$0x1], $0x80, v3, vm0, $0xb8;
	[tilespmem:$0x4200] =	vst v63  }
0x9b: {  	_ = 	snop  }
0x9c: {  	[hbm4b:s8+s2] =	stream.indirect_vreg.scatter [tilespmem:s26], [sflag:$0x1], $0x80, v3, vm0, $0xb8;
	[tilespmem:$0x4200] =	vst v63  }
0x9d: {  	_ = 	snop  }
0x9e: {  	[hbm4b:s9+s2] =	stream.indirect_vreg.scatter [tilespmem:s28], [sflag:$0x1], $0x80, v3, vm0, $0xb8;
	[tilespmem:$0x4200] =	vst v63  }
0x9f: {  	_ =	swait.ge [sflag:s29], $0x4000  }
0xa0: {  	[sflag:s29] =	ssyncset.done $0x0  }
0xa1: {  	[sflag:s29] =	ssyncadd.s32 $0xFFFFC000  }
0xa2: {  	v3 =	vld [tilespmem:$0xA0];
	_ =	sdelay $0x4  }
0xa3: {  	v42 =	vshll.u32 v3, $0x3  }
0xa4: {  	v43 =	vand.u32 $0x7, v3;
	v4 =	vand.u32 $0xFFFFFFC0, v42  }
0xa5: {  	v4 =	vor.u32 v43, v4  }
0xa6: {  	v5 =	vperm.xlane v4, v0;
	_ =	sdelay $0x1  }
0xa7: {  	v5 =	vadd.s32 v1, v5;
	_ =	sdelay $0x3  }
0xa8: {  	[tilespmem:$0x180] =	vst v3  }
0xa9: {  	[hbm4b:s3+s2] =	stream.indirect_vreg.scatter [tilespmem:s20], [sflag:$0x1], $0x80, v5, vm0, $0xb8;
	[tilespmem:$0x4200] =	vst v63  }
0xaa: {  	v3 =	vperm.xlane v4, v2  }
0xab: {  	[hbm4b:s7+s2] =	stream.indirect_vreg.scatter [tilespmem:s21], [sflag:$0x1], $0x80, v5, vm0, $0xb8;
	[tilespmem:$0x4200] =	vst v63  }
0xac: {  	v3 =	vadd.s32 v1, v3  }
0xad: {  	[hbm4b:s8+s2] =	stream.indirect_vreg.scatter [tilespmem:s22], [sflag:$0x1], $0x80, v5, vm0, $0xb8;
	[tilespmem:$0x4200] =	vst v63  }
0xae: {  	_ = 	snop  }
0xaf: {  	[hbm4b:s9+s2] =	stream.indirect_vreg.scatter [tilespmem:s23], [sflag:$0x1], $0x80, v5, vm0, $0xb8;
	[tilespmem:$0x4200] =	vst v63  }
0xb0: {  	_ = 	snop  }
0xb1: {  	[hbm4b:s3+s2] =	stream.indirect_vreg.scatter [tilespmem:s24], [sflag:$0x1], $0x80, v3, vm0, $0xb8;
	[tilespmem:$0x4200] =	vst v63  }
0xb2: {  	_ = 	snop  }
0xb3: {  	[hbm4b:s7+s2] =	stream.indirect_vreg.scatter [tilespmem:s25], [sflag:$0x1], $0x80, v3, vm0, $0xb8;
	[tilespmem:$0x4200] =	vst v63  }
0xb4: {  	_ = 	snop  }
0xb5: {  	[hbm4b:s8+s2] =	stream.indirect_vreg.scatter [tilespmem:s26], [sflag:$0x1], $0x80, v3, vm0, $0xb8;
	[tilespmem:$0x4200] =	vst v63  }
0xb6: {  	_ = 	snop  }
0xb7: {  	[hbm4b:s9+s2] =	stream.indirect_vreg.scatter [tilespmem:s28], [sflag:$0x1], $0x80, v3, vm0, $0xb8;
	[tilespmem:$0x4200] =	vst v63  }
0xb8: {  	_ =	swait.ge [sflag:s29], $0x4000  }
0xb9: {  	[sflag:s29] =	ssyncset.done $0x0  }
0xba: {  	[sflag:s29] =	ssyncadd.s32 $0xFFFFC000  }
0xbb: {  	[tilespmem:s20], [sflag:$0x2] =	stream.linear.gather [hbm4b:s12+s2], $0x4000, $0x38;
	[tilespmem:$0x4200] =	vst v63  }
0xbc: {  	_ =	swait.ge [sflag:s18], $0x4000  }
0xbd: {  	[sflag:s18] =	ssyncset.done $0x0  }
0xbe: {  	[sflag:s18] =	ssyncadd.s32 $0xFFFFC000  }
0xbf: {  	v3 =	vld [tilespmem:$0x30];
	_ =	sdelay $0x4  }
0xc0: {  	v44 =	vshll.u32 v3, $0x3  }
0xc1: {  	v45 =	vand.u32 $0x7, v3;
	v4 =	vand.u32 $0xFFFFFFC0, v44  }
0xc2: {  	v4 =	vor.u32 v45, v4  }
0xc3: {  	v5 =	vperm.xlane v4, v0;
	_ =	sdelay $0x1  }
0xc4: {  	v5 =	vadd.s32 v1, v5;
	_ =	sdelay $0x3  }
0xc5: {  	[tilespmem:$0x100] =	vst v3  }
0xc6: {  	[hbm4b:s3+s2] =	stream.indirect_vreg.scatter [tilespmem:s20], [sflag:$0x1], $0x80, v5, vm0, $0xb8;
	[tilespmem:$0x4200] =	vst v63  }
0xc7: {  	v3 =	vperm.xlane v4, v2  }
0xc8: {  	[hbm4b:s7+s2] =	stream.indirect_vreg.scatter [tilespmem:s21], [sflag:$0x1], $0x80, v5, vm0, $0xb8;
	[tilespmem:$0x4200] =	vst v63  }
0xc9: {  	v3 =	vadd.s32 v1, v3  }
0xca: {  	[hbm4b:s8+s2] =	stream.indirect_vreg.scatter [tilespmem:s22], [sflag:$0x1], $0x80, v5, vm0, $0xb8;
	[tilespmem:$0x4200] =	vst v63  }
0xcb: {  	_ = 	snop  }
0xcc: {  	[hbm4b:s9+s2] =	stream.indirect_vreg.scatter [tilespmem:s23], [sflag:$0x1], $0x80, v5, vm0, $0xb8;
	[tilespmem:$0x4200] =	vst v63  }
0xcd: {  	_ = 	snop  }
0xce: {  	[hbm4b:s3+s2] =	stream.indirect_vreg.scatter [tilespmem:s24], [sflag:$0x1], $0x80, v3, vm0, $0xb8;
	[tilespmem:$0x4200] =	vst v63  }
0xcf: {  	_ = 	snop  }
0xd0: {  	[hbm4b:s7+s2] =	stream.indirect_vreg.scatter [tilespmem:s25], [sflag:$0x1], $0x80, v3, vm0, $0xb8;
	[tilespmem:$0x4200] =	vst v63  }
0xd1: {  	_ = 	snop  }
0xd2: {  	[hbm4b:s8+s2] =	stream.indirect_vreg.scatter [tilespmem:s26], [sflag:$0x1], $0x80, v3, vm0, $0xb8;
	[tilespmem:$0x4200] =	vst v63  }
0xd3: {  	_ = 	snop  }
0xd4: {  	[hbm4b:s9+s2] =	stream.indirect_vreg.scatter [tilespmem:s28], [sflag:$0x1], $0x80, v3, vm0, $0xb8;
	[tilespmem:$0x4200] =	vst v63  }
0xd5: {  	_ =	swait.ge [sflag:s29], $0x4000  }
0xd6: {  	[sflag:s29] =	ssyncset.done $0x0  }
0xd7: {  	[sflag:s29] =	ssyncadd.s32 $0xFFFFC000  }
0xd8: {  	v3 =	vld [tilespmem:$0xB0];
	_ =	sdelay $0x4  }
0xd9: {  	v46 =	vshll.u32 v3, $0x3  }
0xda: {  	v47 =	vand.u32 $0x7, v3;
	v4 =	vand.u32 $0xFFFFFFC0, v46  }
0xdb: {  	v4 =	vor.u32 v47, v4  }
0xdc: {  	v5 =	vperm.xlane v4, v0;
	_ =	sdelay $0x1  }
0xdd: {  	v5 =	vadd.s32 v1, v5;
	_ =	sdelay $0x3  }
0xde: {  	[tilespmem:$0x180] =	vst v3  }
0xdf: {  	[hbm4b:s3+s2] =	stream.indirect_vreg.scatter [tilespmem:s20], [sflag:$0x1], $0x80, v5, vm0, $0xb8;
	[tilespmem:$0x4200] =	vst v63  }
0xe0: {  	v3 =	vperm.xlane v4, v2  }
0xe1: {  	[hbm4b:s7+s2] =	stream.indirect_vreg.scatter [tilespmem:s21], [sflag:$0x1], $0x80, v5, vm0, $0xb8;
	[tilespmem:$0x4200] =	vst v63  }
0xe2: {  	v3 =	vadd.s32 v1, v3  }
0xe3: {  	[hbm4b:s8+s2] =	stream.indirect_vreg.scatter [tilespmem:s22], [sflag:$0x1], $0x80, v5, vm0, $0xb8;
	[tilespmem:$0x4200] =	vst v63  }
0xe4: {  	_ = 	snop  }
0xe5: {  	[hbm4b:s9+s2] =	stream.indirect_vreg.scatter [tilespmem:s23], [sflag:$0x1], $0x80, v5, vm0, $0xb8;
	[tilespmem:$0x4200] =	vst v63  }
0xe6: {  	_ = 	snop  }
0xe7: {  	[hbm4b:s3+s2] =	stream.indirect_vreg.scatter [tilespmem:s24], [sflag:$0x1], $0x80, v3, vm0, $0xb8;
	[tilespmem:$0x4200] =	vst v63  }
0xe8: {  	_ = 	snop  }
0xe9: {  	[hbm4b:s7+s2] =	stream.indirect_vreg.scatter [tilespmem:s25], [sflag:$0x1], $0x80, v3, vm0, $0xb8;
	[tilespmem:$0x4200] =	vst v63  }
0xea: {  	_ = 	snop  }
0xeb: {  	[hbm4b:s8+s2] =	stream.indirect_vreg.scatter [tilespmem:s26], [sflag:$0x1], $0x80, v3, vm0, $0xb8;
	[tilespmem:$0x4200] =	vst v63  }
0xec: {  	_ = 	snop  }
0xed: {  	[hbm4b:s9+s2] =	stream.indirect_vreg.scatter [tilespmem:s28], [sflag:$0x1], $0x80, v3, vm0, $0xb8;
	[tilespmem:$0x4200] =	vst v63  }
0xee: {  	_ =	swait.ge [sflag:s29], $0x4000  }
0xef: {  	[sflag:s29] =	ssyncset.done $0x0  }
0xf0: {  	[sflag:s29] =	ssyncadd.s32 $0xFFFFC000  }
0xf1: {  	[tilespmem:s20], [sflag:$0x2] =	stream.linear.gather [hbm4b:s13+s2], $0x4000, $0x38;
	[tilespmem:$0x4200] =	vst v63  }
0xf2: {  	_ =	swait.ge [sflag:s18], $0x4000  }
0xf3: {  	[sflag:s18] =	ssyncset.done $0x0  }
0xf4: {  	[sflag:s18] =	ssyncadd.s32 $0xFFFFC000  }
0xf5: {  	v3 =	vld [tilespmem:$0x40];
	_ =	sdelay $0x4  }
0xf6: {  	v48 =	vshll.u32 v3, $0x3  }
0xf7: {  	v49 =	vand.u32 $0x7, v3;
	v4 =	vand.u32 $0xFFFFFFC0, v48  }
0xf8: {  	v4 =	vor.u32 v49, v4  }
0xf9: {  	v5 =	vperm.xlane v4, v0;
	_ =	sdelay $0x1  }
0xfa: {  	v5 =	vadd.s32 v1, v5;
	_ =	sdelay $0x3  }
0xfb: {  	[tilespmem:$0x100] =	vst v3  }
0xfc: {  	[hbm4b:s3+s2] =	stream.indirect_vreg.scatter [tilespmem:s20], [sflag:$0x1], $0x80, v5, vm0, $0xb8;
	[tilespmem:$0x4200] =	vst v63  }
0xfd: {  	v3 =	vperm.xlane v4, v2  }
0xfe: {  	[hbm4b:s7+s2] =	stream.indirect_vreg.scatter [tilespmem:s21], [sflag:$0x1], $0x80, v5, vm0, $0xb8;
	[tilespmem:$0x4200] =	vst v63  }
0xff: {  	v3 =	vadd.s32 v1, v3  }
0x100: {  	[hbm4b:s8+s2] =	stream.indirect_vreg.scatter [tilespmem:s22], [sflag:$0x1], $0x80, v5, vm0, $0xb8;
	[tilespmem:$0x4200] =	vst v63  }
0x101: {  	_ = 	snop  }
0x102: {  	[hbm4b:s9+s2] =	stream.indirect_vreg.scatter [tilespmem:s23], [sflag:$0x1], $0x80, v5, vm0, $0xb8;
	[tilespmem:$0x4200] =	vst v63  }
0x103: {  	_ = 	snop  }
0x104: {  	[hbm4b:s3+s2] =	stream.indirect_vreg.scatter [tilespmem:s24], [sflag:$0x1], $0x80, v3, vm0, $0xb8;
	[tilespmem:$0x4200] =	vst v63  }
0x105: {  	_ = 	snop  }
0x106: {  	[hbm4b:s7+s2] =	stream.indirect_vreg.scatter [tilespmem:s25], [sflag:$0x1], $0x80, v3, vm0, $0xb8;
	[tilespmem:$0x4200] =	vst v63  }
0x107: {  	_ = 	snop  }
0x108: {  	[hbm4b:s8+s2] =	stream.indirect_vreg.scatter [tilespmem:s26], [sflag:$0x1], $0x80, v3, vm0, $0xb8;
	[tilespmem:$0x4200] =	vst v63  }
0x109: {  	_ = 	snop  }
0x10a: {  	[hbm4b:s9+s2] =	stream.indirect_vreg.scatter [tilespmem:s28], [sflag:$0x1], $0x80, v3, vm0, $0xb8;
	[tilespmem:$0x4200] =	vst v63  }
0x10b: {  	_ =	swait.ge [sflag:s29], $0x4000  }
0x10c: {  	[sflag:s29] =	ssyncset.done $0x0  }
0x10d: {  	[sflag:s29] =	ssyncadd.s32 $0xFFFFC000  }
0x10e: {  	v3 =	vld [tilespmem:$0xC0];
	_ =	sdelay $0x4  }
0x10f: {  	v50 =	vshll.u32 v3, $0x3  }
0x110: {  	v51 =	vand.u32 $0x7, v3;
	v4 =	vand.u32 $0xFFFFFFC0, v50  }
0x111: {  	v4 =	vor.u32 v51, v4  }
0x112: {  	v5 =	vperm.xlane v4, v0;
	_ =	sdelay $0x1  }
0x113: {  	v5 =	vadd.s32 v1, v5;
	_ =	sdelay $0x3  }
0x114: {  	[tilespmem:$0x180] =	vst v3  }
0x115: {  	[hbm4b:s3+s2] =	stream.indirect_vreg.scatter [tilespmem:s20], [sflag:$0x1], $0x80, v5, vm0, $0xb8;
	[tilespmem:$0x4200] =	vst v63  }
0x116: {  	v3 =	vperm.xlane v4, v2  }
0x117: {  	[hbm4b:s7+s2] =	stream.indirect_vreg.scatter [tilespmem:s21], [sflag:$0x1], $0x80, v5, vm0, $0xb8;
	[tilespmem:$0x4200] =	vst v63  }
0x118: {  	v3 =	vadd.s32 v1, v3  }
0x119: {  	[hbm4b:s8+s2] =	stream.indirect_vreg.scatter [tilespmem:s22], [sflag:$0x1], $0x80, v5, vm0, $0xb8;
	[tilespmem:$0x4200] =	vst v63  }
0x11a: {  	_ = 	snop  }
0x11b: {  	[hbm4b:s9+s2] =	stream.indirect_vreg.scatter [tilespmem:s23], [sflag:$0x1], $0x80, v5, vm0, $0xb8;
	[tilespmem:$0x4200] =	vst v63  }
0x11c: {  	_ = 	snop  }
0x11d: {  	[hbm4b:s3+s2] =	stream.indirect_vreg.scatter [tilespmem:s24], [sflag:$0x1], $0x80, v3, vm0, $0xb8;
	[tilespmem:$0x4200] =	vst v63  }
0x11e: {  	_ = 	snop  }
0x11f: {  	[hbm4b:s7+s2] =	stream.indirect_vreg.scatter [tilespmem:s25], [sflag:$0x1], $0x80, v3, vm0, $0xb8;
	[tilespmem:$0x4200] =	vst v63  }
0x120: {  	_ = 	snop  }
0x121: {  	[hbm4b:s8+s2] =	stream.indirect_vreg.scatter [tilespmem:s26], [sflag:$0x1], $0x80, v3, vm0, $0xb8;
	[tilespmem:$0x4200] =	vst v63  }
0x122: {  	_ = 	snop  }
0x123: {  	[hbm4b:s9+s2] =	stream.indirect_vreg.scatter [tilespmem:s28], [sflag:$0x1], $0x80, v3, vm0, $0xb8;
	[tilespmem:$0x4200] =	vst v63  }
0x124: {  	_ =	swait.ge [sflag:s29], $0x4000  }
0x125: {  	[sflag:s29] =	ssyncset.done $0x0  }
0x126: {  	[sflag:s29] =	ssyncadd.s32 $0xFFFFC000  }
0x127: {  	[tilespmem:s20], [sflag:$0x2] =	stream.linear.gather [hbm4b:s14+s2], $0x4000, $0x38;
	[tilespmem:$0x4200] =	vst v63  }
0x128: {  	_ =	swait.ge [sflag:s18], $0x4000  }
0x129: {  	[sflag:s18] =	ssyncset.done $0x0  }
0x12a: {  	[sflag:s18] =	ssyncadd.s32 $0xFFFFC000  }
0x12b: {  	v3 =	vld [tilespmem:$0x50];
	_ =	sdelay $0x4  }
0x12c: {  	v52 =	vshll.u32 v3, $0x3  }
0x12d: {  	v53 =	vand.u32 $0x7, v3;
	v4 =	vand.u32 $0xFFFFFFC0, v52  }
0x12e: {  	v4 =	vor.u32 v53, v4  }
0x12f: {  	v5 =	vperm.xlane v4, v0;
	_ =	sdelay $0x1  }
0x130: {  	v5 =	vadd.s32 v1, v5;
	_ =	sdelay $0x3  }
0x131: {  	[tilespmem:$0x100] =	vst v3  }
0x132: {  	[hbm4b:s3+s2] =	stream.indirect_vreg.scatter [tilespmem:s20], [sflag:$0x1], $0x80, v5, vm0, $0xb8;
	[tilespmem:$0x4200] =	vst v63  }
0x133: {  	v3 =	vperm.xlane v4, v2  }
0x134: {  	[hbm4b:s7+s2] =	stream.indirect_vreg.scatter [tilespmem:s21], [sflag:$0x1], $0x80, v5, vm0, $0xb8;
	[tilespmem:$0x4200] =	vst v63  }
0x135: {  	v3 =	vadd.s32 v1, v3  }
0x136: {  	[hbm4b:s8+s2] =	stream.indirect_vreg.scatter [tilespmem:s22], [sflag:$0x1], $0x80, v5, vm0, $0xb8;
	[tilespmem:$0x4200] =	vst v63  }
0x137: {  	_ = 	snop  }
0x138: {  	[hbm4b:s9+s2] =	stream.indirect_vreg.scatter [tilespmem:s23], [sflag:$0x1], $0x80, v5, vm0, $0xb8;
	[tilespmem:$0x4200] =	vst v63  }
0x139: {  	_ = 	snop  }
0x13a: {  	[hbm4b:s3+s2] =	stream.indirect_vreg.scatter [tilespmem:s24], [sflag:$0x1], $0x80, v3, vm0, $0xb8;
	[tilespmem:$0x4200] =	vst v63  }
0x13b: {  	_ = 	snop  }
0x13c: {  	[hbm4b:s7+s2] =	stream.indirect_vreg.scatter [tilespmem:s25], [sflag:$0x1], $0x80, v3, vm0, $0xb8;
	[tilespmem:$0x4200] =	vst v63  }
0x13d: {  	_ = 	snop  }
0x13e: {  	[hbm4b:s8+s2] =	stream.indirect_vreg.scatter [tilespmem:s26], [sflag:$0x1], $0x80, v3, vm0, $0xb8;
	[tilespmem:$0x4200] =	vst v63  }
0x13f: {  	_ = 	snop  }
0x140: {  	[hbm4b:s9+s2] =	stream.indirect_vreg.scatter [tilespmem:s28], [sflag:$0x1], $0x80, v3, vm0, $0xb8;
	[tilespmem:$0x4200] =	vst v63  }
0x141: {  	_ =	swait.ge [sflag:s29], $0x4000  }
0x142: {  	[sflag:s29] =	ssyncset.done $0x0  }
0x143: {  	[sflag:s29] =	ssyncadd.s32 $0xFFFFC000  }
0x144: {  	v3 =	vld [tilespmem:$0xD0];
	_ =	sdelay $0x4  }
0x145: {  	v54 =	vshll.u32 v3, $0x3  }
0x146: {  	v55 =	vand.u32 $0x7, v3;
	v4 =	vand.u32 $0xFFFFFFC0, v54  }
0x147: {  	v4 =	vor.u32 v55, v4  }
0x148: {  	v5 =	vperm.xlane v4, v0;
	_ =	sdelay $0x1  }
0x149: {  	v5 =	vadd.s32 v1, v5;
	_ =	sdelay $0x3  }
0x14a: {  	[tilespmem:$0x180] =	vst v3  }
0x14b: {  	[hbm4b:s3+s2] =	stream.indirect_vreg.scatter [tilespmem:s20], [sflag:$0x1], $0x80, v5, vm0, $0xb8;
	[tilespmem:$0x4200] =	vst v63  }
0x14c: {  	v3 =	vperm.xlane v4, v2  }
0x14d: {  	[hbm4b:s7+s2] =	stream.indirect_vreg.scatter [tilespmem:s21], [sflag:$0x1], $0x80, v5, vm0, $0xb8;
	[tilespmem:$0x4200] =	vst v63  }
0x14e: {  	v3 =	vadd.s32 v1, v3  }
0x14f: {  	[hbm4b:s8+s2] =	stream.indirect_vreg.scatter [tilespmem:s22], [sflag:$0x1], $0x80, v5, vm0, $0xb8;
	[tilespmem:$0x4200] =	vst v63  }
0x150: {  	_ = 	snop  }
0x151: {  	[hbm4b:s9+s2] =	stream.indirect_vreg.scatter [tilespmem:s23], [sflag:$0x1], $0x80, v5, vm0, $0xb8;
	[tilespmem:$0x4200] =	vst v63  }
0x152: {  	_ = 	snop  }
0x153: {  	[hbm4b:s3+s2] =	stream.indirect_vreg.scatter [tilespmem:s24], [sflag:$0x1], $0x80, v3, vm0, $0xb8;
	[tilespmem:$0x4200] =	vst v63  }
0x154: {  	_ = 	snop  }
0x155: {  	[hbm4b:s7+s2] =	stream.indirect_vreg.scatter [tilespmem:s25], [sflag:$0x1], $0x80, v3, vm0, $0xb8;
	[tilespmem:$0x4200] =	vst v63  }
0x156: {  	_ = 	snop  }
0x157: {  	[hbm4b:s8+s2] =	stream.indirect_vreg.scatter [tilespmem:s26], [sflag:$0x1], $0x80, v3, vm0, $0xb8;
	[tilespmem:$0x4200] =	vst v63  }
0x158: {  	_ = 	snop  }
0x159: {  	[hbm4b:s9+s2] =	stream.indirect_vreg.scatter [tilespmem:s28], [sflag:$0x1], $0x80, v3, vm0, $0xb8;
	[tilespmem:$0x4200] =	vst v63  }
0x15a: {  	_ =	swait.ge [sflag:s29], $0x4000  }
0x15b: {  	[sflag:s29] =	ssyncset.done $0x0  }
0x15c: {  	[sflag:s29] =	ssyncadd.s32 $0xFFFFC000  }
0x15d: {  	[tilespmem:s20], [sflag:$0x2] =	stream.linear.gather [hbm4b:s15+s2], $0x4000, $0x38;
	[tilespmem:$0x4200] =	vst v63  }
0x15e: {  	_ =	swait.ge [sflag:s18], $0x4000  }
0x15f: {  	[sflag:s18] =	ssyncset.done $0x0  }
0x160: {  	[sflag:s18] =	ssyncadd.s32 $0xFFFFC000  }
0x161: {  	v3 =	vld [tilespmem:$0x60];
	_ =	sdelay $0x4  }
0x162: {  	v56 =	vshll.u32 v3, $0x3  }
0x163: {  	v57 =	vand.u32 $0x7, v3;
	v4 =	vand.u32 $0xFFFFFFC0, v56  }
0x164: {  	v4 =	vor.u32 v57, v4  }
0x165: {  	v5 =	vperm.xlane v4, v0;
	_ =	sdelay $0x1  }
0x166: {  	v5 =	vadd.s32 v1, v5;
	_ =	sdelay $0x3  }
0x167: {  	[tilespmem:$0x100] =	vst v3  }
0x168: {  	[hbm4b:s3+s2] =	stream.indirect_vreg.scatter [tilespmem:s20], [sflag:$0x1], $0x80, v5, vm0, $0xb8;
	[tilespmem:$0x4200] =	vst v63  }
0x169: {  	v3 =	vperm.xlane v4, v2  }
0x16a: {  	[hbm4b:s7+s2] =	stream.indirect_vreg.scatter [tilespmem:s21], [sflag:$0x1], $0x80, v5, vm0, $0xb8;
	[tilespmem:$0x4200] =	vst v63  }
0x16b: {  	v3 =	vadd.s32 v1, v3  }
0x16c: {  	[hbm4b:s8+s2] =	stream.indirect_vreg.scatter [tilespmem:s22], [sflag:$0x1], $0x80, v5, vm0, $0xb8;
	[tilespmem:$0x4200] =	vst v63  }
0x16d: {  	_ = 	snop  }
0x16e: {  	[hbm4b:s9+s2] =	stream.indirect_vreg.scatter [tilespmem:s23], [sflag:$0x1], $0x80, v5, vm0, $0xb8;
	[tilespmem:$0x4200] =	vst v63  }
0x16f: {  	_ = 	snop  }
0x170: {  	[hbm4b:s3+s2] =	stream.indirect_vreg.scatter [tilespmem:s24], [sflag:$0x1], $0x80, v3, vm0, $0xb8;
	[tilespmem:$0x4200] =	vst v63  }
0x171: {  	_ = 	snop  }
0x172: {  	[hbm4b:s7+s2] =	stream.indirect_vreg.scatter [tilespmem:s25], [sflag:$0x1], $0x80, v3, vm0, $0xb8;
	[tilespmem:$0x4200] =	vst v63  }
0x173: {  	_ = 	snop  }
0x174: {  	[hbm4b:s8+s2] =	stream.indirect_vreg.scatter [tilespmem:s26], [sflag:$0x1], $0x80, v3, vm0, $0xb8;
	[tilespmem:$0x4200] =	vst v63  }
0x175: {  	_ = 	snop  }
0x176: {  	[hbm4b:s9+s2] =	stream.indirect_vreg.scatter [tilespmem:s28], [sflag:$0x1], $0x80, v3, vm0, $0xb8;
	[tilespmem:$0x4200] =	vst v63  }
0x177: {  	_ =	swait.ge [sflag:s29], $0x4000  }
0x178: {  	[sflag:s29] =	ssyncset.done $0x0  }
0x179: {  	[sflag:s29] =	ssyncadd.s32 $0xFFFFC000  }
0x17a: {  	v3 =	vld [tilespmem:$0xE0];
	_ =	sdelay $0x4  }
0x17b: {  	v58 =	vshll.u32 v3, $0x3  }
0x17c: {  	v59 =	vand.u32 $0x7, v3;
	v4 =	vand.u32 $0xFFFFFFC0, v58  }
0x17d: {  	v4 =	vor.u32 v59, v4  }
0x17e: {  	v5 =	vperm.xlane v4, v0;
	_ =	sdelay $0x1  }
0x17f: {  	v5 =	vadd.s32 v1, v5;
	_ =	sdelay $0x3  }
0x180: {  	[tilespmem:$0x180] =	vst v3  }
0x181: {  	[hbm4b:s3+s2] =	stream.indirect_vreg.scatter [tilespmem:s20], [sflag:$0x1], $0x80, v5, vm0, $0xb8;
	[tilespmem:$0x4200] =	vst v63  }
0x182: {  	v3 =	vperm.xlane v4, v2  }
0x183: {  	[hbm4b:s7+s2] =	stream.indirect_vreg.scatter [tilespmem:s21], [sflag:$0x1], $0x80, v5, vm0, $0xb8;
	[tilespmem:$0x4200] =	vst v63  }
0x184: {  	v3 =	vadd.s32 v1, v3  }
0x185: {  	[hbm4b:s8+s2] =	stream.indirect_vreg.scatter [tilespmem:s22], [sflag:$0x1], $0x80, v5, vm0, $0xb8;
	[tilespmem:$0x4200] =	vst v63  }
0x186: {  	_ = 	snop  }
0x187: {  	[hbm4b:s9+s2] =	stream.indirect_vreg.scatter [tilespmem:s23], [sflag:$0x1], $0x80, v5, vm0, $0xb8;
	[tilespmem:$0x4200] =	vst v63  }
0x188: {  	_ = 	snop  }
0x189: {  	[hbm4b:s3+s2] =	stream.indirect_vreg.scatter [tilespmem:s24], [sflag:$0x1], $0x80, v3, vm0, $0xb8;
	[tilespmem:$0x4200] =	vst v63  }
0x18a: {  	_ = 	snop  }
0x18b: {  	[hbm4b:s7+s2] =	stream.indirect_vreg.scatter [tilespmem:s25], [sflag:$0x1], $0x80, v3, vm0, $0xb8;
	[tilespmem:$0x4200] =	vst v63  }
0x18c: {  	_ = 	snop  }
0x18d: {  	[hbm4b:s8+s2] =	stream.indirect_vreg.scatter [tilespmem:s26], [sflag:$0x1], $0x80, v3, vm0, $0xb8;
	[tilespmem:$0x4200] =	vst v63  }
0x18e: {  	_ = 	snop  }
0x18f: {  	[hbm4b:s9+s2] =	stream.indirect_vreg.scatter [tilespmem:s28], [sflag:$0x1], $0x80, v3, vm0, $0xb8;
	[tilespmem:$0x4200] =	vst v63  }
0x190: {  	_ =	swait.ge [sflag:s29], $0x4000  }
0x191: {  	[sflag:s29] =	ssyncset.done $0x0  }
0x192: {  	[sflag:s29] =	ssyncadd.s32 $0xFFFFC000  }
0x193: {  	[tilespmem:s20], [sflag:$0x2] =	stream.linear.gather [hbm4b:s16+s2], $0x4000, $0x38;
	[tilespmem:$0x4200] =	vst v63  }
0x194: {  	_ =	swait.ge [sflag:s18], $0x4000  }
0x195: {  	[sflag:s18] =	ssyncset.done $0x0  }
0x196: {  	[sflag:s18] =	ssyncadd.s32 $0xFFFFC000  }
0x197: {  	v3 =	vld [tilespmem:$0x70];
	_ =	sdelay $0x4  }
0x198: {  	v60 =	vshll.u32 v3, $0x3  }
0x199: {  	v61 =	vand.u32 $0x7, v3;
	v4 =	vand.u32 $0xFFFFFFC0, v60  }
0x19a: {  	v4 =	vor.u32 v61, v4  }
0x19b: {  	v5 =	vperm.xlane v4, v0;
	_ =	sdelay $0x1  }
0x19c: {  	v5 =	vadd.s32 v1, v5;
	_ =	sdelay $0x3  }
0x19d: {  	[tilespmem:$0x100] =	vst v3  }
0x19e: {  	[hbm4b:s3+s2] =	stream.indirect_vreg.scatter [tilespmem:s20], [sflag:$0x1], $0x80, v5, vm0, $0xb8;
	[tilespmem:$0x4200] =	vst v63  }
0x19f: {  	v3 =	vperm.xlane v4, v2  }
0x1a0: {  	[hbm4b:s7+s2] =	stream.indirect_vreg.scatter [tilespmem:s21], [sflag:$0x1], $0x80, v5, vm0, $0xb8;
	[tilespmem:$0x4200] =	vst v63  }
0x1a1: {  	v3 =	vadd.s32 v1, v3  }
0x1a2: {  	[hbm4b:s8+s2] =	stream.indirect_vreg.scatter [tilespmem:s22], [sflag:$0x1], $0x80, v5, vm0, $0xb8;
	[tilespmem:$0x4200] =	vst v63  }
0x1a3: {  	_ = 	snop  }
0x1a4: {  	[hbm4b:s9+s2] =	stream.indirect_vreg.scatter [tilespmem:s23], [sflag:$0x1], $0x80, v5, vm0, $0xb8;
	[tilespmem:$0x4200] =	vst v63  }
0x1a5: {  	_ = 	snop  }
0x1a6: {  	[hbm4b:s3+s2] =	stream.indirect_vreg.scatter [tilespmem:s24], [sflag:$0x1], $0x80, v3, vm0, $0xb8;
	[tilespmem:$0x4200] =	vst v63  }
0x1a7: {  	_ = 	snop  }
0x1a8: {  	[hbm4b:s7+s2] =	stream.indirect_vreg.scatter [tilespmem:s25], [sflag:$0x1], $0x80, v3, vm0, $0xb8;
	[tilespmem:$0x4200] =	vst v63  }
0x1a9: {  	_ = 	snop  }
0x1aa: {  	[hbm4b:s8+s2] =	stream.indirect_vreg.scatter [tilespmem:s26], [sflag:$0x1], $0x80, v3, vm0, $0xb8;
	[tilespmem:$0x4200] =	vst v63  }
0x1ab: {  	_ = 	snop  }
0x1ac: {  	[hbm4b:s9+s2] =	stream.indirect_vreg.scatter [tilespmem:s28], [sflag:$0x1], $0x80, v3, vm0, $0xb8;
	[tilespmem:$0x4200] =	vst v63  }
0x1ad: {  	_ =	swait.ge [sflag:s29], $0x4000  }
0x1ae: {  	[sflag:s29] =	ssyncset.done $0x0  }
0x1af: {  	[sflag:s29] =	ssyncadd.s32 $0xFFFFC000  }
0x1b0: {  	v3 =	vld [tilespmem:$0xF0];
	_ =	sdelay $0x4  }
0x1b1: {  	v62 =	vshll.u32 v3, $0x3  }
0x1b2: {  	v63 =	vand.u32 $0x7, v3;
	v4 =	vand.u32 $0xFFFFFFC0, v62  }
0x1b3: {  	v4 =	vor.u32 v63, v4  }
0x1b4: {  	v5 =	vperm.xlane v4, v0;
	_ =	sdelay $0x1  }
0x1b5: {  	v5 =	vadd.s32 v1, v5;
	_ =	sdelay $0x3  }
0x1b6: {  	[tilespmem:$0x180] =	vst v3  }
0x1b7: {  	[hbm4b:s3+s2] =	stream.indirect_vreg.scatter [tilespmem:s20], [sflag:$0x1], $0x80, v5, vm0, $0xb8;
	[tilespmem:$0x4200] =	vst v63  }
0x1b8: {  	v3 =	vperm.xlane v4, v2  }
0x1b9: {  	[hbm4b:s7+s2] =	stream.indirect_vreg.scatter [tilespmem:s21], [sflag:$0x1], $0x80, v5, vm0, $0xb8;
	[tilespmem:$0x4200] =	vst v63  }
0x1ba: {  	v3 =	vadd.s32 v1, v3  }
0x1bb: {  	[hbm4b:s8+s2] =	stream.indirect_vreg.scatter [tilespmem:s22], [sflag:$0x1], $0x80, v5, vm0, $0xb8;
	[tilespmem:$0x4200] =	vst v63  }
0x1bc: {  	_ = 	snop  }
0x1bd: {  	[hbm4b:s9+s2] =	stream.indirect_vreg.scatter [tilespmem:s23], [sflag:$0x1], $0x80, v5, vm0, $0xb8;
	[tilespmem:$0x4200] =	vst v63  }
0x1be: {  	_ = 	snop  }
0x1bf: {  	[hbm4b:s3+s2] =	stream.indirect_vreg.scatter [tilespmem:s24], [sflag:$0x1], $0x80, v3, vm0, $0xb8;
	[tilespmem:$0x4200] =	vst v63  }
0x1c0: {  	_ = 	snop  }
0x1c1: {  	[hbm4b:s7+s2] =	stream.indirect_vreg.scatter [tilespmem:s25], [sflag:$0x1], $0x80, v3, vm0, $0xb8;
	[tilespmem:$0x4200] =	vst v63  }
0x1c2: {  	p0 =	sne.s32 s17, $0x1  }
0x1c3: {  	[hbm4b:s8+s2] =	stream.indirect_vreg.scatter [tilespmem:s26], [sflag:$0x1], $0x80, v3, vm0, $0xb8;
	[tilespmem:$0x4200] =	vst v63  }
.Ltmp0:
0x1c4: {  	_ = 	snop;
	(pc) =	sbr.rel @p0 .LBB2_1-.Ltmp0, $4  }
0x1c5: {  	[hbm4b:s9+s2] =	stream.indirect_vreg.scatter [tilespmem:s28], [sflag:$0x1], $0x80, v3, vm0, $0xb8;
	[tilespmem:$0x4200] =	vst v63  }
0x1c6: {  	_ =	swait.ge [sflag:s29], $0x4000  }
0x1c7: {  	[sflag:s29] =	ssyncset.done $0x0  }
0x1c8: {  	s17 =	sadd.s32 $0xFFFFFFFF, s17;
	[sflag:s29] =	ssyncadd.s32 $0xFFFFC000  }
0x1c9: {  	_ =	sfence.sel $0x180000  }
0x1ca: {  	[bflag:$0x0] =	sbarrier.arrive $0xFFFF  }
0x1cb: {  	p0 =	sne.s32 s1, $0x0;
	_ =	strace $0x90000047  }
0x1cc: {  	s0 =	sadd.s32 @!p0 $0x100000, s0;
	[bflag:$0x2] =	sbarrier.arrive $0xFFFF  }
0x1cd: {  	[sflag:s0] =	ssyncadd.tile.s32 @!p0 $0x1;
	_ =	shalt  }
.Lfunc_end2:
_tile_overlayer_lowered:
.L_overlay_start_2:
0x1ce: {  	(tag) =	ssettag $0x2  }
0x1cf: {  	s0 =	rddreg [dreg:$0x0];
	s2 =	stileid.u32  }
0x1d0: {  	s1 =	rddreg [dreg:$0x1];
	p0 =	sne.s32 s2, $0x0  }
0x1d1: {  	s3 =	rddreg [dreg:$0x2];
	[bflag:$0x3] =	sbarrier.arrive $0xFFFF;
	s2 =	simm.s32 @!p0 $0x1C02  }
0x1d2: {  	[timem:s3], [sflag:s2] =	dma.local @!p0 [hbm:s0], s1  }
0x1d3: {  	s0 =	simm.s32 @!p0 $0x2  }
0x1d4: {  	_ =	swait.ge @!p0 [sflag:s0], s1  }
0x1d5: {  	s1 =	ssub.s32 @!p0 $0x0, s1;
	[sflag:s0] =	ssyncset.done @!p0 $0x0  }
0x1d6: {  	[sflag:s0] =	ssyncadd.s32 @!p0 s1  }
0x1d7: {  	[bflag:$0x3] =	sbarrier.arrive $0xFFFF  }
0x1d8: {  	_ =	shalt  }

</sc_bundles>
